<compile_context>
chip_gen: v7x
topology: tpu7x:2x2x1
jax: 0.10.2.dev20260603
libtpu: 0.0.44.dev20260713+nightly
codegen_flags: <defaults>
</compile_context>

<pallas_src>
import functools

import jax
import jax.numpy as jnp
from jax import lax
from jax.experimental import pallas as pl
from jax.experimental.pallas import tpu as pltpu
from jax.experimental.pallas import tpu_sc as plsc

_B, _S, _D = 16, 2048, 100
_NW = 32
_TPW = _B * _S // _NW
_HALF = _TPW // 2
_GPH = _HALF // 16
_SPW = _S // _TPW

_ALU_LO, _ALU_HI = 4, 20
_AX_LO, _AX_HI = 36, 52
_OUT_LO, _OUT_HI = 68, 84

_mesh = plsc.VectorSubcoreMesh(core_axis_name="c", subcore_axis_name="s")


@functools.partial(
    pl.kernel,
    out_type=jax.ShapeDtypeStruct((_B, _S, _D), jnp.float32),
    mesh=_mesh,
    scratch_types=[pltpu.VMEM((_HALF, _D), jnp.float32)],
    compiler_params=pltpu.CompilerParams(
        needs_layout_passes=False, use_tc_tiling_on_sc=True),
)
def _ffn_sc(x_hbm, out_hbm, chunk):
    wid = lax.axis_index("s") * 2 + lax.axis_index("c")
    b = wid // _SPW
    s0 = (wid % _SPW) * _TPW

    lanes = lax.iota(jnp.int32, 16)

    def group_body(g):
        rows = g * 16 + lanes

        def col(c):
            return plsc.load_gather(
                chunk, [rows, jnp.full((16,), c, jnp.int32)])

        def argmax16(base):
            vs = [plsc.load_gather(chunk, [rows, base + ((lanes + j) & 15)])
                  for j in range(16)]
            m = vs
            while len(m) > 1:
                m = [jnp.maximum(m[i], m[i + 1]) for i in range(0, len(m), 2)]
            mx = m[0]
            bits = [jnp.where(vs[j] == mx, jnp.int32(1 << j), jnp.int32(0))
                    for j in range(16)]
            while len(bits) > 1:
                bits = [bits[i] | bits[i + 1]
                        for i in range(0, len(bits), 2)]
            mj = bits[0]
            mc = ((mj << lanes) | (mj >> (16 - lanes))) & 0xFFFF
            low = (mc & (-mc)).astype(jnp.float32)
            return (plsc.bitcast(low, jnp.int32) >> 23) - 127

        a = argmax16(_ALU_LO) | (argmax16(_ALU_HI) << 4)
        b_val = argmax16(_AX_LO) | (argmax16(_AX_HI) << 4)

        mark = col(0) >= 0.5
        op_and = col(1) > 0.5
        op_or = col(2) > 0.5
        op_xor = col(3) > 0.5

        res = jnp.where(op_and, a & b_val,
                        jnp.where(op_or, a | b_val, a ^ b_val))
        active = mark & (op_and | op_or | op_xor)

        two = jnp.full((16,), 2.0, jnp.float32)
        plsc.addupdate_scatter(
            chunk, [rows, _OUT_LO + (res & 15)], two, mask=active)
        plsc.addupdate_scatter(
            chunk, [rows, _OUT_HI + (res >> 4)], two, mask=active)

    for h in range(2):
        pltpu.sync_copy(x_hbm.at[b, pl.ds(s0 + h * _HALF, _HALF)], chunk)
        lax.fori_loop(0, _GPH, lambda g, c: (group_body(g), c)[1], 0)
        pltpu.sync_copy(chunk, out_hbm.at[b, pl.ds(s0 + h * _HALF, _HALF)])


def kernel(x_bd, and_table, or_table, xor_table):
    del and_table, or_table, xor_table
    return _ffn_sc(x_bd)

# --- scband reference (transcript-rebuilt; emitter-appended) ---
"""Pipeline reference for scband-byte-bitwise-ffn-7945689497941 (READ-ONLY COPY).

The authoritative reference and input builder live on the scoring server;
editing this copy changes nothing except your own understanding.
"""

import jax, jax.numpy as jnp
import numpy as np

MARK_AX = 0
OP_AND = 1
OP_OR = 2
OP_XOR = 3
ALU_LO = 4
ALU_HI = 20
AX_CARRY_LO = 36
AX_CARRY_HI = 52
OUTPUT_LO = 68
OUTPUT_HI = 84
D = 100


def setup_inputs(seed: int = 0) -> dict:
    key = jax.random.key(seed)
    x_bd = jax.random.uniform(key, (16, 2048, D), dtype=jnp.float32)
    r = np.arange(256)
    and_table = jnp.asarray((r[:, None] & r[None, :]).astype(np.float32))
    or_table = jnp.asarray((r[:, None] | r[None, :]).astype(np.float32))
    xor_table = jnp.asarray((r[:, None] ^ r[None, :]).astype(np.float32))
    return {"x_bd": x_bd, "and_table": and_table, "or_table": or_table, "xor_table": xor_table}


def reference(x_bd, and_table, or_table, xor_table):
    # Vectorized but math-faithful translation of the per-(b,pos) python loop.
    active_mark = x_bd[..., MARK_AX] >= 0.5  # torch: skip if < 0.5

    a_lo = jnp.argmax(x_bd[..., ALU_LO:ALU_LO + 16], axis=-1).astype(jnp.int32)
    a_hi = jnp.argmax(x_bd[..., ALU_HI:ALU_HI + 16], axis=-1).astype(jnp.int32)
    a = a_lo + (a_hi << 4)

    b_lo = jnp.argmax(x_bd[..., AX_CARRY_LO:AX_CARRY_LO + 16], axis=-1).astype(jnp.int32)
    b_hi = jnp.argmax(x_bd[..., AX_CARRY_HI:AX_CARRY_HI + 16], axis=-1).astype(jnp.int32)
    b_val = b_lo + (b_hi << 4)

    op_and = x_bd[..., OP_AND] > 0.5
    op_or = x_bd[..., OP_OR] > 0.5
    op_xor = x_bd[..., OP_XOR] > 0.5

    # table gathers (SparseCore-friendly)
    res_and = and_table[a, b_val]
    res_or = or_table[a, b_val]
    res_xor = xor_table[a, b_val]

    # priority: AND, then OR, then XOR; skip if none set
    result = jnp.where(op_and, res_and, jnp.where(op_or, res_or, res_xor))
    has_op = op_and | op_or | op_xor
    active = active_mark & has_op

    result_i = result.astype(jnp.int32)
    result_lo = result_i & 15
    result_hi = (result_i >> 4) & 15

    delta = 2.0 * (jax.nn.one_hot(OUTPUT_LO + result_lo, D, dtype=x_bd.dtype)
                   + jax.nn.one_hot(OUTPUT_HI + result_hi, D, dtype=x_bd.dtype))
    delta = delta * active[..., None].astype(x_bd.dtype)
    return x_bd + delta

if __name__ == "__main__":
    import jax
    _d = setup_inputs()
    print(jax.jit(kernel)(*tuple(_d.values())))

</pallas_src>

<mosaic_0001>
#map = affine_map<(d0, d1) -> (0, 0, 0)>
module attributes {stable_mosaic.version = 14 : i64} {
  func.func @_ffn_sc(%arg0: i32, %arg1: i32, %arg2: memref<16x2048x100xf32, #tpu.memory_space<hbm>>, %arg3: memref<16x2048x100xf32, #tpu.memory_space<hbm>>, %arg4: memref<512x100xf32, #tpu.memory_space<vmem>>) attributes {dimension_semantics = [#tpu.dimension_semantics<core_parallel>, #tpu.dimension_semantics<subcore_parallel>], iteration_bounds = array<i64: 2, 16>, scalar_prefetch = 0 : i64, scratch_operands = 1 : i64, tpu.core_type = #tpu.core_type<sc_vector_subcore>, window_params = [{transform_indices = #map}, {transform_indices = #map}]} {
    %mul3A = arith.constant 2 : i32
    %mul3A_0 = arith.muli %arg1, %mul3A : i32
    %add3A = arith.addi %mul3A_0, %arg0 : i32
    %jit3A = arith.constant 2 : i32
    %div3A = arith.divsi %add3A, %jit3A : i32
    %sign3A = arith.constant 0 : i32
    %sign3A_1 = arith.cmpi sgt, %add3A, %sign3A : i32
    %sign3A_2 = arith.extui %sign3A_1 : i1 to i32
    %sign3A_3 = arith.constant 0 : i32
    %sign3A_4 = arith.cmpi slt, %add3A, %sign3A_3 : i32
    %sign3A_5 = arith.extui %sign3A_4 : i1 to i32
    %sign3A_6 = arith.subi %sign3A_2, %sign3A_5 : i32
    %sign3A_7 = arith.constant 0 : i32
    %sign3A_8 = arith.cmpi sgt, %jit3A, %sign3A_7 : i32
    %sign3A_9 = arith.extui %sign3A_8 : i1 to i32
    %sign3A_10 = arith.constant 0 : i32
    %sign3A_11 = arith.cmpi slt, %jit3A, %sign3A_10 : i32
    %sign3A_12 = arith.extui %sign3A_11 : i1 to i32
    %sign3A_13 = arith.subi %sign3A_9, %sign3A_12 : i32
    %ne3A = arith.cmpi ne, %sign3A_6, %sign3A_13 : i32
    %rem3A = arith.remsi %add3A, %jit3A : i32
    %ne3A_14 = arith.constant 0 : i32
    %ne3A_15 = arith.cmpi ne, %rem3A, %ne3A_14 : i32
    %and3A = arith.andi %ne3A, %ne3A_15 : i1
    %sub3A = arith.constant 1 : i32
    %sub3A_16 = arith.subi %div3A, %sub3A : i32
    %select_n3A = arith.select %and3A, %sub3A_16, %div3A : i32
    %jit3A_17 = arith.constant 2 : i32
    %eq3A = arith.constant 0 : i32
    %eq3A_18 = arith.cmpi eq, %jit3A_17, %eq3A : i32
    %jit3A_19 = arith.constant 1 : i32
    %select_n3A_20 = arith.select %eq3A_18, %jit3A_19, %jit3A_17 : i32
    %rem3A_21 = arith.remsi %add3A, %select_n3A_20 : i32
    %ne3A_22 = arith.constant 0 : i32
    %ne3A_23 = arith.cmpi ne, %rem3A_21, %ne3A_22 : i32
    %lt3A = arith.constant 0 : i32
    %lt3A_24 = arith.cmpi slt, %rem3A_21, %lt3A : i32
    %lt3A_25 = arith.constant 0 : i32
    %lt3A_26 = arith.cmpi slt, %select_n3A_20, %lt3A_25 : i32
    %ne3A_27 = arith.xori %lt3A_24, %lt3A_26 : i1
    %and3A_28 = arith.andi %ne3A_27, %ne3A_23 : i1
    %add3A_29 = arith.addi %rem3A_21, %select_n3A_20 : i32
    %select_n3A_30 = arith.select %and3A_28, %add3A_29, %rem3A_21 : i32
    %mul3A_31 = arith.constant 1024 : i32
    %mul3A_32 = arith.muli %select_n3A_30, %mul3A_31 : i32
    %iota3A = tpu.iota {dimensions = array<i32: 0>} : vector<16xi32>
    %add3A_33 = arith.constant 0 : i32
    %add3A_34 = arith.addi %mul3A_32, %add3A_33 : i32
    "tpu.region"() ({
      %run_scoped3A = tpu.sem_alloc : memref<!tpu.dma_semaphore, #tpu.memory_space<semaphore_mem>>
      %dma_start3A = arith.constant 0 : i32
      %dma_start3A_52 = tpu.memref_slice %arg2[%select_n3A, %add3A_34, %dma_start3A] : memref<16x2048x100xf32, #tpu.memory_space<hbm>> -> memref<1x512x100xf32, #tpu.memory_space<hbm>>
      %dma_start3A_53 = tpu.memref_squeeze %dma_start3A_52 : memref<1x512x100xf32, #tpu.memory_space<hbm>> -> memref<512x100xf32, #tpu.memory_space<hbm>>
      %dma_start3A_54 = arith.constant 0 : i32
      %dma_start3A_55 = tpu.memref_slice %arg2[%select_n3A, %add3A_34, %dma_start3A_54] : memref<16x2048x100xf32, #tpu.memory_space<hbm>> -> memref<1x512x100xf32, #tpu.memory_space<hbm>>
      %dma_start3A_56 = tpu.memref_squeeze %dma_start3A_55 : memref<1x512x100xf32, #tpu.memory_space<hbm>> -> memref<512x100xf32, #tpu.memory_space<hbm>>
      tpu.enqueue_dma source(%dma_start3A_56 : memref<512x100xf32, #tpu.memory_space<hbm>>) target(%arg4 : memref<512x100xf32, #tpu.memory_space<vmem>>) target_semaphore(%run_scoped3A : memref<!tpu.dma_semaphore, #tpu.memory_space<semaphore_mem>>)
      %dma_wait3A = arith.constant 0 : i32
      %dma_wait3A_57 = tpu.memref_slice %arg2[%select_n3A, %add3A_34, %dma_wait3A] : memref<16x2048x100xf32, #tpu.memory_space<hbm>> -> memref<1x512x100xf32, #tpu.memory_space<hbm>>
      %dma_wait3A_58 = tpu.memref_squeeze %dma_wait3A_57 : memref<1x512x100xf32, #tpu.memory_space<hbm>> -> memref<512x100xf32, #tpu.memory_space<hbm>>
      %dma_wait3A_59 = arith.constant 0 : i32
      %dma_wait3A_60 = tpu.memref_slice %arg2[%select_n3A, %add3A_34, %dma_wait3A_59] : memref<16x2048x100xf32, #tpu.memory_space<hbm>> -> memref<1x512x100xf32, #tpu.memory_space<hbm>>
      %dma_wait3A_61 = tpu.memref_squeeze %dma_wait3A_60 : memref<1x512x100xf32, #tpu.memory_space<hbm>> -> memref<512x100xf32, #tpu.memory_space<hbm>>
      tpu.wait_dma2 semaphore(%run_scoped3A : memref<!tpu.dma_semaphore, #tpu.memory_space<semaphore_mem>>) src(%dma_wait3A_61 : memref<512x100xf32, #tpu.memory_space<hbm>>) dst(%arg4 : memref<512x100xf32, #tpu.memory_space<vmem>>)
      tpu.yield
    }) : () -> ()
    %scan3A = arith.constant 0 : i32
    %scan3A_35 = arith.constant 0 : i32
    %scan3A_36 = arith.constant 32 : i32
    %scan3A_37 = arith.addi %scan3A_35, %scan3A_36 : i32
    %scan3A_38 = arith.constant 1 : i32
    scf.for %scan3A_52 = %scan3A_35 to %scan3A_37 step %scan3A_38  : i32 {
      %mul3A_53 = arith.constant 16 : i32
      %mul3A_54 = arith.muli %scan3A_52, %mul3A_53 : i32
      %add3A_55 = vector.broadcast %mul3A_54 : i32 to vector<16xi32>
      %add3A_56 = arith.addi %add3A_55, %iota3A : vector<16xi32>
      %add3A_57 = arith.constant 0 : i32
      %add3A_58 = vector.broadcast %add3A_57 : i32 to vector<16xi32>
      %add3A_59 = arith.addi %iota3A, %add3A_58 : vector<16xi32>
      %and3A_60 = arith.constant 15 : i32
      %and3A_61 = vector.broadcast %and3A_60 : i32 to vector<16xi32>
      %and3A_62 = arith.andi %add3A_59, %and3A_61 : vector<16xi32>
      %add3A_63 = arith.constant 4 : i32
      %add3A_64 = vector.broadcast %add3A_63 : i32 to vector<16xi32>
      %add3A_65 = arith.addi %add3A_64, %and3A_62 : vector<16xi32>
      %gather3A = tpu.vector_load_idx %arg4[%add3A_56, %add3A_65] : memref<512x100xf32, #tpu.memory_space<vmem>>[vector<16xi32>, vector<16xi32>], vector<16xf32>,
      %add3A_66 = arith.constant 1 : i32
      %add3A_67 = vector.broadcast %add3A_66 : i32 to vector<16xi32>
      %add3A_68 = arith.addi %iota3A, %add3A_67 : vector<16xi32>
      %and3A_69 = arith.constant 15 : i32
      %and3A_70 = vector.broadcast %and3A_69 : i32 to vector<16xi32>
      %and3A_71 = arith.andi %add3A_68, %and3A_70 : vector<16xi32>
      %add3A_72 = arith.constant 4 : i32
      %add3A_73 = vector.broadcast %add3A_72 : i32 to vector<16xi32>
      %add3A_74 = arith.addi %add3A_73, %and3A_71 : vector<16xi32>
      %gather3A_75 = tpu.vector_load_idx %arg4[%add3A_56, %add3A_74] : memref<512x100xf32, #tpu.memory_space<vmem>>[vector<16xi32>, vector<16xi32>], vector<16xf32>,
      %add3A_76 = arith.constant 2 : i32
      %add3A_77 = vector.broadcast %add3A_76 : i32 to vector<16xi32>
      %add3A_78 = arith.addi %iota3A, %add3A_77 : vector<16xi32>
      %and3A_79 = arith.constant 15 : i32
      %and3A_80 = vector.broadcast %and3A_79 : i32 to vector<16xi32>
      %and3A_81 = arith.andi %add3A_78, %and3A_80 : vector<16xi32>
      %add3A_82 = arith.constant 4 : i32
      %add3A_83 = vector.broadcast %add3A_82 : i32 to vector<16xi32>
      %add3A_84 = arith.addi %add3A_83, %and3A_81 : vector<16xi32>
      %gather3A_85 = tpu.vector_load_idx %arg4[%add3A_56, %add3A_84] : memref<512x100xf32, #tpu.memory_space<vmem>>[vector<16xi32>, vector<16xi32>], vector<16xf32>,
      %add3A_86 = arith.constant 3 : i32
      %add3A_87 = vector.broadcast %add3A_86 : i32 to vector<16xi32>
      %add3A_88 = arith.addi %iota3A, %add3A_87 : vector<16xi32>
      %and3A_89 = arith.constant 15 : i32
      %and3A_90 = vector.broadcast %and3A_89 : i32 to vector<16xi32>
      %and3A_91 = arith.andi %add3A_88, %and3A_90 : vector<16xi32>
      %add3A_92 = arith.constant 4 : i32
      %add3A_93 = vector.broadcast %add3A_92 : i32 to vector<16xi32>
      %add3A_94 = arith.addi %add3A_93, %and3A_91 : vector<16xi32>
      %gather3A_95 = tpu.vector_load_idx %arg4[%add3A_56, %add3A_94] : memref<512x100xf32, #tpu.memory_space<vmem>>[vector<16xi32>, vector<16xi32>], vector<16xf32>,
      %add3A_96 = arith.constant 4 : i32
      %add3A_97 = vector.broadcast %add3A_96 : i32 to vector<16xi32>
      %add3A_98 = arith.addi %iota3A, %add3A_97 : vector<16xi32>
      %and3A_99 = arith.constant 15 : i32
      %and3A_100 = vector.broadcast %and3A_99 : i32 to vector<16xi32>
      %and3A_101 = arith.andi %add3A_98, %and3A_100 : vector<16xi32>
      %add3A_102 = arith.constant 4 : i32
      %add3A_103 = vector.broadcast %add3A_102 : i32 to vector<16xi32>
      %add3A_104 = arith.addi %add3A_103, %and3A_101 : vector<16xi32>
      %gather3A_105 = tpu.vector_load_idx %arg4[%add3A_56, %add3A_104] : memref<512x100xf32, #tpu.memory_space<vmem>>[vector<16xi32>, vector<16xi32>], vector<16xf32>,
      %add3A_106 = arith.constant 5 : i32
      %add3A_107 = vector.broadcast %add3A_106 : i32 to vector<16xi32>
      %add3A_108 = arith.addi %iota3A, %add3A_107 : vector<16xi32>
      %and3A_109 = arith.constant 15 : i32
      %and3A_110 = vector.broadcast %and3A_109 : i32 to vector<16xi32>
      %and3A_111 = arith.andi %add3A_108, %and3A_110 : vector<16xi32>
      %add3A_112 = arith.constant 4 : i32
      %add3A_113 = vector.broadcast %add3A_112 : i32 to vector<16xi32>
      %add3A_114 = arith.addi %add3A_113, %and3A_111 : vector<16xi32>
      %gather3A_115 = tpu.vector_load_idx %arg4[%add3A_56, %add3A_114] : memref<512x100xf32, #tpu.memory_space<vmem>>[vector<16xi32>, vector<16xi32>], vector<16xf32>,
      %add3A_116 = arith.constant 6 : i32
      %add3A_117 = vector.broadcast %add3A_116 : i32 to vector<16xi32>
      %add3A_118 = arith.addi %iota3A, %add3A_117 : vector<16xi32>
      %and3A_119 = arith.constant 15 : i32
      %and3A_120 = vector.broadcast %and3A_119 : i32 to vector<16xi32>
      %and3A_121 = arith.andi %add3A_118, %and3A_120 : vector<16xi32>
      %add3A_122 = arith.constant 4 : i32
      %add3A_123 = vector.broadcast %add3A_122 : i32 to vector<16xi32>
      %add3A_124 = arith.addi %add3A_123, %and3A_121 : vector<16xi32>
      %gather3A_125 = tpu.vector_load_idx %arg4[%add3A_56, %add3A_124] : memref<512x100xf32, #tpu.memory_space<vmem>>[vector<16xi32>, vector<16xi32>], vector<16xf32>,
      %add3A_126 = arith.constant 7 : i32
      %add3A_127 = vector.broadcast %add3A_126 : i32 to vector<16xi32>
      %add3A_128 = arith.addi %iota3A, %add3A_127 : vector<16xi32>
      %and3A_129 = arith.constant 15 : i32
      %and3A_130 = vector.broadcast %and3A_129 : i32 to vector<16xi32>
      %and3A_131 = arith.andi %add3A_128, %and3A_130 : vector<16xi32>
      %add3A_132 = arith.constant 4 : i32
      %add3A_133 = vector.broadcast %add3A_132 : i32 to vector<16xi32>
      %add3A_134 = arith.addi %add3A_133, %and3A_131 : vector<16xi32>
      %gather3A_135 = tpu.vector_load_idx %arg4[%add3A_56, %add3A_134] : memref<512x100xf32, #tpu.memory_space<vmem>>[vector<16xi32>, vector<16xi32>], vector<16xf32>,
      %add3A_136 = arith.constant 8 : i32
      %add3A_137 = vector.broadcast %add3A_136 : i32 to vector<16xi32>
      %add3A_138 = arith.addi %iota3A, %add3A_137 : vector<16xi32>
      %and3A_139 = arith.constant 15 : i32
      %and3A_140 = vector.broadcast %and3A_139 : i32 to vector<16xi32>
      %and3A_141 = arith.andi %add3A_138, %and3A_140 : vector<16xi32>
      %add3A_142 = arith.constant 4 : i32
      %add3A_143 = vector.broadcast %add3A_142 : i32 to vector<16xi32>
      %add3A_144 = arith.addi %add3A_143, %and3A_141 : vector<16xi32>
      %gather3A_145 = tpu.vector_load_idx %arg4[%add3A_56, %add3A_144] : memref<512x100xf32, #tpu.memory_space<vmem>>[vector<16xi32>, vector<16xi32>], vector<16xf32>,
      %add3A_146 = arith.constant 9 : i32
      %add3A_147 = vector.broadcast %add3A_146 : i32 to vector<16xi32>
      %add3A_148 = arith.addi %iota3A, %add3A_147 : vector<16xi32>
      %and3A_149 = arith.constant 15 : i32
      %and3A_150 = vector.broadcast %and3A_149 : i32 to vector<16xi32>
      %and3A_151 = arith.andi %add3A_148, %and3A_150 : vector<16xi32>
      %add3A_152 = arith.constant 4 : i32
      %add3A_153 = vector.broadcast %add3A_152 : i32 to vector<16xi32>
      %add3A_154 = arith.addi %add3A_153, %and3A_151 : vector<16xi32>
      %gather3A_155 = tpu.vector_load_idx %arg4[%add3A_56, %add3A_154] : memref<512x100xf32, #tpu.memory_space<vmem>>[vector<16xi32>, vector<16xi32>], vector<16xf32>,
      %add3A_156 = arith.constant 10 : i32
      %add3A_157 = vector.broadcast %add3A_156 : i32 to vector<16xi32>
      %add3A_158 = arith.addi %iota3A, %add3A_157 : vector<16xi32>
      %and3A_159 = arith.constant 15 : i32
      %and3A_160 = vector.broadcast %and3A_159 : i32 to vector<16xi32>
      %and3A_161 = arith.andi %add3A_158, %and3A_160 : vector<16xi32>
      %add3A_162 = arith.constant 4 : i32
      %add3A_163 = vector.broadcast %add3A_162 : i32 to vector<16xi32>
      %add3A_164 = arith.addi %add3A_163, %and3A_161 : vector<16xi32>
      %gather3A_165 = tpu.vector_load_idx %arg4[%add3A_56, %add3A_164] : memref<512x100xf32, #tpu.memory_space<vmem>>[vector<16xi32>, vector<16xi32>], vector<16xf32>,
      %add3A_166 = arith.constant 11 : i32
      %add3A_167 = vector.broadcast %add3A_166 : i32 to vector<16xi32>
      %add3A_168 = arith.addi %iota3A, %add3A_167 : vector<16xi32>
      %and3A_169 = arith.constant 15 : i32
      %and3A_170 = vector.broadcast %and3A_169 : i32 to vector<16xi32>
      %and3A_171 = arith.andi %add3A_168, %and3A_170 : vector<16xi32>
      %add3A_172 = arith.constant 4 : i32
      %add3A_173 = vector.broadcast %add3A_172 : i32 to vector<16xi32>
      %add3A_174 = arith.addi %add3A_173, %and3A_171 : vector<16xi32>
      %gather3A_175 = tpu.vector_load_idx %arg4[%add3A_56, %add3A_174] : memref<512x100xf32, #tpu.memory_space<vmem>>[vector<16xi32>, vector<16xi32>], vector<16xf32>,
      %add3A_176 = arith.constant 12 : i32
      %add3A_177 = vector.broadcast %add3A_176 : i32 to vector<16xi32>
      %add3A_178 = arith.addi %iota3A, %add3A_177 : vector<16xi32>
      %and3A_179 = arith.constant 15 : i32
      %and3A_180 = vector.broadcast %and3A_179 : i32 to vector<16xi32>
      %and3A_181 = arith.andi %add3A_178, %and3A_180 : vector<16xi32>
      %add3A_182 = arith.constant 4 : i32
      %add3A_183 = vector.broadcast %add3A_182 : i32 to vector<16xi32>
      %add3A_184 = arith.addi %add3A_183, %and3A_181 : vector<16xi32>
      %gather3A_185 = tpu.vector_load_idx %arg4[%add3A_56, %add3A_184] : memref<512x100xf32, #tpu.memory_space<vmem>>[vector<16xi32>, vector<16xi32>], vector<16xf32>,
      %add3A_186 = arith.constant 13 : i32
      %add3A_187 = vector.broadcast %add3A_186 : i32 to vector<16xi32>
      %add3A_188 = arith.addi %iota3A, %add3A_187 : vector<16xi32>
      %and3A_189 = arith.constant 15 : i32
      %and3A_190 = vector.broadcast %and3A_189 : i32 to vector<16xi32>
      %and3A_191 = arith.andi %add3A_188, %and3A_190 : vector<16xi32>
      %add3A_192 = arith.constant 4 : i32
      %add3A_193 = vector.broadcast %add3A_192 : i32 to vector<16xi32>
      %add3A_194 = arith.addi %add3A_193, %and3A_191 : vector<16xi32>
      %gather3A_195 = tpu.vector_load_idx %arg4[%add3A_56, %add3A_194] : memref<512x100xf32, #tpu.memory_space<vmem>>[vector<16xi32>, vector<16xi32>], vector<16xf32>,
      %add3A_196 = arith.constant 14 : i32
      %add3A_197 = vector.broadcast %add3A_196 : i32 to vector<16xi32>
      %add3A_198 = arith.addi %iota3A, %add3A_197 : vector<16xi32>
      %and3A_199 = arith.constant 15 : i32
      %and3A_200 = vector.broadcast %and3A_199 : i32 to vector<16xi32>
      %and3A_201 = arith.andi %add3A_198, %and3A_200 : vector<16xi32>
      %add3A_202 = arith.constant 4 : i32
      %add3A_203 = vector.broadcast %add3A_202 : i32 to vector<16xi32>
      %add3A_204 = arith.addi %add3A_203, %and3A_201 : vector<16xi32>
      %gather3A_205 = tpu.vector_load_idx %arg4[%add3A_56, %add3A_204] : memref<512x100xf32, #tpu.memory_space<vmem>>[vector<16xi32>, vector<16xi32>], vector<16xf32>,
      %add3A_206 = arith.constant 15 : i32
      %add3A_207 = vector.broadcast %add3A_206 : i32 to vector<16xi32>
      %add3A_208 = arith.addi %iota3A, %add3A_207 : vector<16xi32>
      %and3A_209 = arith.constant 15 : i32
      %and3A_210 = vector.broadcast %and3A_209 : i32 to vector<16xi32>
      %and3A_211 = arith.andi %add3A_208, %and3A_210 : vector<16xi32>
      %add3A_212 = arith.constant 4 : i32
      %add3A_213 = vector.broadcast %add3A_212 : i32 to vector<16xi32>
      %add3A_214 = arith.addi %add3A_213, %and3A_211 : vector<16xi32>
      %gather3A_215 = tpu.vector_load_idx %arg4[%add3A_56, %add3A_214] : memref<512x100xf32, #tpu.memory_space<vmem>>[vector<16xi32>, vector<16xi32>], vector<16xf32>,
      %max3A = arith.maximumf %gather3A, %gather3A_75 : vector<16xf32>
      %max3A_216 = arith.maximumf %gather3A_85, %gather3A_95 : vector<16xf32>
      %max3A_217 = arith.maximumf %gather3A_105, %gather3A_115 : vector<16xf32>
      %max3A_218 = arith.maximumf %gather3A_125, %gather3A_135 : vector<16xf32>
      %max3A_219 = arith.maximumf %gather3A_145, %gather3A_155 : vector<16xf32>
      %max3A_220 = arith.maximumf %gather3A_165, %gather3A_175 : vector<16xf32>
      %max3A_221 = arith.maximumf %gather3A_185, %gather3A_195 : vector<16xf32>
      %max3A_222 = arith.maximumf %gather3A_205, %gather3A_215 : vector<16xf32>
      %max3A_223 = arith.maximumf %max3A, %max3A_216 : vector<16xf32>
      %max3A_224 = arith.maximumf %max3A_217, %max3A_218 : vector<16xf32>
      %max3A_225 = arith.maximumf %max3A_219, %max3A_220 : vector<16xf32>
      %max3A_226 = arith.maximumf %max3A_221, %max3A_222 : vector<16xf32>
      %max3A_227 = arith.maximumf %max3A_223, %max3A_224 : vector<16xf32>
      %max3A_228 = arith.maximumf %max3A_225, %max3A_226 : vector<16xf32>
      %max3A_229 = arith.maximumf %max3A_227, %max3A_228 : vector<16xf32>
      %eq3A_230 = arith.cmpf oeq, %gather3A, %max3A_229 : vector<16xf32>
      %jit3A_231 = arith.constant 1 : i32
      %jit3A_232 = arith.constant 0 : i32
      %broadcast_in_dim3A = vector.broadcast %jit3A_231 : i32 to vector<16xi32>
      %broadcast_in_dim3A_233 = vector.broadcast %jit3A_232 : i32 to vector<16xi32>
      %select_n3A_234 = arith.select %eq3A_230, %broadcast_in_dim3A, %broadcast_in_dim3A_233 : vector<16xi1>, vector<16xi32>
      %eq3A_235 = arith.cmpf oeq, %gather3A_75, %max3A_229 : vector<16xf32>
      %jit3A_236 = arith.constant 2 : i32
      %jit3A_237 = arith.constant 0 : i32
      %broadcast_in_dim3A_238 = vector.broadcast %jit3A_236 : i32 to vector<16xi32>
      %broadcast_in_dim3A_239 = vector.broadcast %jit3A_237 : i32 to vector<16xi32>
      %select_n3A_240 = arith.select %eq3A_235, %broadcast_in_dim3A_238, %broadcast_in_dim3A_239 : vector<16xi1>, vector<16xi32>
      %eq3A_241 = arith.cmpf oeq, %gather3A_85, %max3A_229 : vector<16xf32>
      %jit3A_242 = arith.constant 4 : i32
      %jit3A_243 = arith.constant 0 : i32
      %broadcast_in_dim3A_244 = vector.broadcast %jit3A_242 : i32 to vector<16xi32>
      %broadcast_in_dim3A_245 = vector.broadcast %jit3A_243 : i32 to vector<16xi32>
      %select_n3A_246 = arith.select %eq3A_241, %broadcast_in_dim3A_244, %broadcast_in_dim3A_245 : vector<16xi1>, vector<16xi32>
      %eq3A_247 = arith.cmpf oeq, %gather3A_95, %max3A_229 : vector<16xf32>
      %jit3A_248 = arith.constant 8 : i32
      %jit3A_249 = arith.constant 0 : i32
      %broadcast_in_dim3A_250 = vector.broadcast %jit3A_248 : i32 to vector<16xi32>
      %broadcast_in_dim3A_251 = vector.broadcast %jit3A_249 : i32 to vector<16xi32>
      %select_n3A_252 = arith.select %eq3A_247, %broadcast_in_dim3A_250, %broadcast_in_dim3A_251 : vector<16xi1>, vector<16xi32>
      %eq3A_253 = arith.cmpf oeq, %gather3A_105, %max3A_229 : vector<16xf32>
      %jit3A_254 = arith.constant 16 : i32
      %jit3A_255 = arith.constant 0 : i32
      %broadcast_in_dim3A_256 = vector.broadcast %jit3A_254 : i32 to vector<16xi32>
      %broadcast_in_dim3A_257 = vector.broadcast %jit3A_255 : i32 to vector<16xi32>
      %select_n3A_258 = arith.select %eq3A_253, %broadcast_in_dim3A_256, %broadcast_in_dim3A_257 : vector<16xi1>, vector<16xi32>
      %eq3A_259 = arith.cmpf oeq, %gather3A_115, %max3A_229 : vector<16xf32>
      %jit3A_260 = arith.constant 32 : i32
      %jit3A_261 = arith.constant 0 : i32
      %broadcast_in_dim3A_262 = vector.broadcast %jit3A_260 : i32 to vector<16xi32>
      %broadcast_in_dim3A_263 = vector.broadcast %jit3A_261 : i32 to vector<16xi32>
      %select_n3A_264 = arith.select %eq3A_259, %broadcast_in_dim3A_262, %broadcast_in_dim3A_263 : vector<16xi1>, vector<16xi32>
      %eq3A_265 = arith.cmpf oeq, %gather3A_125, %max3A_229 : vector<16xf32>
      %jit3A_266 = arith.constant 64 : i32
      %jit3A_267 = arith.constant 0 : i32
      %broadcast_in_dim3A_268 = vector.broadcast %jit3A_266 : i32 to vector<16xi32>
      %broadcast_in_dim3A_269 = vector.broadcast %jit3A_267 : i32 to vector<16xi32>
      %select_n3A_270 = arith.select %eq3A_265, %broadcast_in_dim3A_268, %broadcast_in_dim3A_269 : vector<16xi1>, vector<16xi32>
      %eq3A_271 = arith.cmpf oeq, %gather3A_135, %max3A_229 : vector<16xf32>
      %jit3A_272 = arith.constant 128 : i32
      %jit3A_273 = arith.constant 0 : i32
      %broadcast_in_dim3A_274 = vector.broadcast %jit3A_272 : i32 to vector<16xi32>
      %broadcast_in_dim3A_275 = vector.broadcast %jit3A_273 : i32 to vector<16xi32>
      %select_n3A_276 = arith.select %eq3A_271, %broadcast_in_dim3A_274, %broadcast_in_dim3A_275 : vector<16xi1>, vector<16xi32>
      %eq3A_277 = arith.cmpf oeq, %gather3A_145, %max3A_229 : vector<16xf32>
      %jit3A_278 = arith.constant 256 : i32
      %jit3A_279 = arith.constant 0 : i32
      %broadcast_in_dim3A_280 = vector.broadcast %jit3A_278 : i32 to vector<16xi32>
      %broadcast_in_dim3A_281 = vector.broadcast %jit3A_279 : i32 to vector<16xi32>
      %select_n3A_282 = arith.select %eq3A_277, %broadcast_in_dim3A_280, %broadcast_in_dim3A_281 : vector<16xi1>, vector<16xi32>
      %eq3A_283 = arith.cmpf oeq, %gather3A_155, %max3A_229 : vector<16xf32>
      %jit3A_284 = arith.constant 512 : i32
      %jit3A_285 = arith.constant 0 : i32
      %broadcast_in_dim3A_286 = vector.broadcast %jit3A_284 : i32 to vector<16xi32>
      %broadcast_in_dim3A_287 = vector.broadcast %jit3A_285 : i32 to vector<16xi32>
      %select_n3A_288 = arith.select %eq3A_283, %broadcast_in_dim3A_286, %broadcast_in_dim3A_287 : vector<16xi1>, vector<16xi32>
      %eq3A_289 = arith.cmpf oeq, %gather3A_165, %max3A_229 : vector<16xf32>
      %jit3A_290 = arith.constant 1024 : i32
      %jit3A_291 = arith.constant 0 : i32
      %broadcast_in_dim3A_292 = vector.broadcast %jit3A_290 : i32 to vector<16xi32>
      %broadcast_in_dim3A_293 = vector.broadcast %jit3A_291 : i32 to vector<16xi32>
      %select_n3A_294 = arith.select %eq3A_289, %broadcast_in_dim3A_292, %broadcast_in_dim3A_293 : vector<16xi1>, vector<16xi32>
      %eq3A_295 = arith.cmpf oeq, %gather3A_175, %max3A_229 : vector<16xf32>
      %jit3A_296 = arith.constant 2048 : i32
      %jit3A_297 = arith.constant 0 : i32
      %broadcast_in_dim3A_298 = vector.broadcast %jit3A_296 : i32 to vector<16xi32>
      %broadcast_in_dim3A_299 = vector.broadcast %jit3A_297 : i32 to vector<16xi32>
      %select_n3A_300 = arith.select %eq3A_295, %broadcast_in_dim3A_298, %broadcast_in_dim3A_299 : vector<16xi1>, vector<16xi32>
      %eq3A_301 = arith.cmpf oeq, %gather3A_185, %max3A_229 : vector<16xf32>
      %jit3A_302 = arith.constant 4096 : i32
      %jit3A_303 = arith.constant 0 : i32
      %broadcast_in_dim3A_304 = vector.broadcast %jit3A_302 : i32 to vector<16xi32>
      %broadcast_in_dim3A_305 = vector.broadcast %jit3A_303 : i32 to vector<16xi32>
      %select_n3A_306 = arith.select %eq3A_301, %broadcast_in_dim3A_304, %broadcast_in_dim3A_305 : vector<16xi1>, vector<16xi32>
      %eq3A_307 = arith.cmpf oeq, %gather3A_195, %max3A_229 : vector<16xf32>
      %jit3A_308 = arith.constant 8192 : i32
      %jit3A_309 = arith.constant 0 : i32
      %broadcast_in_dim3A_310 = vector.broadcast %jit3A_308 : i32 to vector<16xi32>
      %broadcast_in_dim3A_311 = vector.broadcast %jit3A_309 : i32 to vector<16xi32>
      %select_n3A_312 = arith.select %eq3A_307, %broadcast_in_dim3A_310, %broadcast_in_dim3A_311 : vector<16xi1>, vector<16xi32>
      %eq3A_313 = arith.cmpf oeq, %gather3A_205, %max3A_229 : vector<16xf32>
      %jit3A_314 = arith.constant 16384 : i32
      %jit3A_315 = arith.constant 0 : i32
      %broadcast_in_dim3A_316 = vector.broadcast %jit3A_314 : i32 to vector<16xi32>
      %broadcast_in_dim3A_317 = vector.broadcast %jit3A_315 : i32 to vector<16xi32>
      %select_n3A_318 = arith.select %eq3A_313, %broadcast_in_dim3A_316, %broadcast_in_dim3A_317 : vector<16xi1>, vector<16xi32>
      %eq3A_319 = arith.cmpf oeq, %gather3A_215, %max3A_229 : vector<16xf32>
      %jit3A_320 = arith.constant 32768 : i32
      %jit3A_321 = arith.constant 0 : i32
      %broadcast_in_dim3A_322 = vector.broadcast %jit3A_320 : i32 to vector<16xi32>
      %broadcast_in_dim3A_323 = vector.broadcast %jit3A_321 : i32 to vector<16xi32>
      %select_n3A_324 = arith.select %eq3A_319, %broadcast_in_dim3A_322, %broadcast_in_dim3A_323 : vector<16xi1>, vector<16xi32>
      %or3A = arith.ori %select_n3A_234, %select_n3A_240 : vector<16xi32>
      %or3A_325 = arith.ori %select_n3A_246, %select_n3A_252 : vector<16xi32>
      %or3A_326 = arith.ori %select_n3A_258, %select_n3A_264 : vector<16xi32>
      %or3A_327 = arith.ori %select_n3A_270, %select_n3A_276 : vector<16xi32>
      %or3A_328 = arith.ori %select_n3A_282, %select_n3A_288 : vector<16xi32>
      %or3A_329 = arith.ori %select_n3A_294, %select_n3A_300 : vector<16xi32>
      %or3A_330 = arith.ori %select_n3A_306, %select_n3A_312 : vector<16xi32>
      %or3A_331 = arith.ori %select_n3A_318, %select_n3A_324 : vector<16xi32>
      %or3A_332 = arith.ori %or3A, %or3A_325 : vector<16xi32>
      %or3A_333 = arith.ori %or3A_326, %or3A_327 : vector<16xi32>
      %or3A_334 = arith.ori %or3A_328, %or3A_329 : vector<16xi32>
      %or3A_335 = arith.ori %or3A_330, %or3A_331 : vector<16xi32>
      %or3A_336 = arith.ori %or3A_332, %or3A_333 : vector<16xi32>
      %or3A_337 = arith.ori %or3A_334, %or3A_335 : vector<16xi32>
      %or3A_338 = arith.ori %or3A_336, %or3A_337 : vector<16xi32>
      %shift_left3A = arith.shli %or3A_338, %iota3A : vector<16xi32>
      %sub3A_339 = arith.constant 16 : i32
      %sub3A_340 = vector.broadcast %sub3A_339 : i32 to vector<16xi32>
      %sub3A_341 = arith.subi %sub3A_340, %iota3A : vector<16xi32>
      %shift_right_arithmetic3A = arith.shrsi %or3A_338, %sub3A_341 : vector<16xi32>
      %or3A_342 = arith.ori %shift_left3A, %shift_right_arithmetic3A : vector<16xi32>
      %and3A_343 = arith.constant 65535 : i32
      %and3A_344 = vector.broadcast %and3A_343 : i32 to vector<16xi32>
      %and3A_345 = arith.andi %or3A_342, %and3A_344 : vector<16xi32>
      %neg3A = arith.constant 0 : i32
      %neg3A_346 = vector.broadcast %neg3A : i32 to vector<16xi32>
      %neg3A_347 = arith.subi %neg3A_346, %and3A_345 : vector<16xi32>
      %and3A_348 = arith.andi %and3A_345, %neg3A_347 : vector<16xi32>
      %convert_element_type3A = arith.sitofp %and3A_348 : vector<16xi32> to vector<16xf32>
      %bitcast3A = vector.bitcast %convert_element_type3A : vector<16xf32> to vector<16xi32>
      %shift_right_arithmetic3A_349 = arith.constant 23 : i32
      %shift_right_arithmetic3A_350 = vector.broadcast %shift_right_arithmetic3A_349 : i32 to vector<16xi32>
      %shift_right_arithmetic3A_351 = arith.shrsi %bitcast3A, %shift_right_arithmetic3A_350 : vector<16xi32>
      %sub3A_352 = arith.constant 127 : i32
      %sub3A_353 = vector.broadcast %sub3A_352 : i32 to vector<16xi32>
      %sub3A_354 = arith.subi %shift_right_arithmetic3A_351, %sub3A_353 : vector<16xi32>
      %add3A_355 = arith.constant 0 : i32
      %add3A_356 = vector.broadcast %add3A_355 : i32 to vector<16xi32>
      %add3A_357 = arith.addi %iota3A, %add3A_356 : vector<16xi32>
      %and3A_358 = arith.constant 15 : i32
      %and3A_359 = vector.broadcast %and3A_358 : i32 to vector<16xi32>
      %and3A_360 = arith.andi %add3A_357, %and3A_359 : vector<16xi32>
      %add3A_361 = arith.constant 20 : i32
      %add3A_362 = vector.broadcast %add3A_361 : i32 to vector<16xi32>
      %add3A_363 = arith.addi %add3A_362, %and3A_360 : vector<16xi32>
      %gather3A_364 = tpu.vector_load_idx %arg4[%add3A_56, %add3A_363] : memref<512x100xf32, #tpu.memory_space<vmem>>[vector<16xi32>, vector<16xi32>], vector<16xf32>,
      %add3A_365 = arith.constant 1 : i32
      %add3A_366 = vector.broadcast %add3A_365 : i32 to vector<16xi32>
      %add3A_367 = arith.addi %iota3A, %add3A_366 : vector<16xi32>
      %and3A_368 = arith.constant 15 : i32
      %and3A_369 = vector.broadcast %and3A_368 : i32 to vector<16xi32>
      %and3A_370 = arith.andi %add3A_367, %and3A_369 : vector<16xi32>
      %add3A_371 = arith.constant 20 : i32
      %add3A_372 = vector.broadcast %add3A_371 : i32 to vector<16xi32>
      %add3A_373 = arith.addi %add3A_372, %and3A_370 : vector<16xi32>
      %gather3A_374 = tpu.vector_load_idx %arg4[%add3A_56, %add3A_373] : memref<512x100xf32, #tpu.memory_space<vmem>>[vector<16xi32>, vector<16xi32>], vector<16xf32>,
      %add3A_375 = arith.constant 2 : i32
      %add3A_376 = vector.broadcast %add3A_375 : i32 to vector<16xi32>
      %add3A_377 = arith.addi %iota3A, %add3A_376 : vector<16xi32>
      %and3A_378 = arith.constant 15 : i32
      %and3A_379 = vector.broadcast %and3A_378 : i32 to vector<16xi32>
      %and3A_380 = arith.andi %add3A_377, %and3A_379 : vector<16xi32>
      %add3A_381 = arith.constant 20 : i32
      %add3A_382 = vector.broadcast %add3A_381 : i32 to vector<16xi32>
      %add3A_383 = arith.addi %add3A_382, %and3A_380 : vector<16xi32>
      %gather3A_384 = tpu.vector_load_idx %arg4[%add3A_56, %add3A_383] : memref<512x100xf32, #tpu.memory_space<vmem>>[vector<16xi32>, vector<16xi32>], vector<16xf32>,
      %add3A_385 = arith.constant 3 : i32
      %add3A_386 = vector.broadcast %add3A_385 : i32 to vector<16xi32>
      %add3A_387 = arith.addi %iota3A, %add3A_386 : vector<16xi32>
      %and3A_388 = arith.constant 15 : i32
      %and3A_389 = vector.broadcast %and3A_388 : i32 to vector<16xi32>
      %and3A_390 = arith.andi %add3A_387, %and3A_389 : vector<16xi32>
      %add3A_391 = arith.constant 20 : i32
      %add3A_392 = vector.broadcast %add3A_391 : i32 to vector<16xi32>
      %add3A_393 = arith.addi %add3A_392, %and3A_390 : vector<16xi32>
      %gather3A_394 = tpu.vector_load_idx %arg4[%add3A_56, %add3A_393] : memref<512x100xf32, #tpu.memory_space<vmem>>[vector<16xi32>, vector<16xi32>], vector<16xf32>,
      %add3A_395 = arith.constant 4 : i32
      %add3A_396 = vector.broadcast %add3A_395 : i32 to vector<16xi32>
      %add3A_397 = arith.addi %iota3A, %add3A_396 : vector<16xi32>
      %and3A_398 = arith.constant 15 : i32
      %and3A_399 = vector.broadcast %and3A_398 : i32 to vector<16xi32>
      %and3A_400 = arith.andi %add3A_397, %and3A_399 : vector<16xi32>
      %add3A_401 = arith.constant 20 : i32
      %add3A_402 = vector.broadcast %add3A_401 : i32 to vector<16xi32>
      %add3A_403 = arith.addi %add3A_402, %and3A_400 : vector<16xi32>
      %gather3A_404 = tpu.vector_load_idx %arg4[%add3A_56, %add3A_403] : memref<512x100xf32, #tpu.memory_space<vmem>>[vector<16xi32>, vector<16xi32>], vector<16xf32>,
      %add3A_405 = arith.constant 5 : i32
      %add3A_406 = vector.broadcast %add3A_405 : i32 to vector<16xi32>
      %add3A_407 = arith.addi %iota3A, %add3A_406 : vector<16xi32>
      %and3A_408 = arith.constant 15 : i32
      %and3A_409 = vector.broadcast %and3A_408 : i32 to vector<16xi32>
      %and3A_410 = arith.andi %add3A_407, %and3A_409 : vector<16xi32>
      %add3A_411 = arith.constant 20 : i32
      %add3A_412 = vector.broadcast %add3A_411 : i32 to vector<16xi32>
      %add3A_413 = arith.addi %add3A_412, %and3A_410 : vector<16xi32>
      %gather3A_414 = tpu.vector_load_idx %arg4[%add3A_56, %add3A_413] : memref<512x100xf32, #tpu.memory_space<vmem>>[vector<16xi32>, vector<16xi32>], vector<16xf32>,
      %add3A_415 = arith.constant 6 : i32
      %add3A_416 = vector.broadcast %add3A_415 : i32 to vector<16xi32>
      %add3A_417 = arith.addi %iota3A, %add3A_416 : vector<16xi32>
      %and3A_418 = arith.constant 15 : i32
      %and3A_419 = vector.broadcast %and3A_418 : i32 to vector<16xi32>
      %and3A_420 = arith.andi %add3A_417, %and3A_419 : vector<16xi32>
      %add3A_421 = arith.constant 20 : i32
      %add3A_422 = vector.broadcast %add3A_421 : i32 to vector<16xi32>
      %add3A_423 = arith.addi %add3A_422, %and3A_420 : vector<16xi32>
      %gather3A_424 = tpu.vector_load_idx %arg4[%add3A_56, %add3A_423] : memref<512x100xf32, #tpu.memory_space<vmem>>[vector<16xi32>, vector<16xi32>], vector<16xf32>,
      %add3A_425 = arith.constant 7 : i32
      %add3A_426 = vector.broadcast %add3A_425 : i32 to vector<16xi32>
      %add3A_427 = arith.addi %iota3A, %add3A_426 : vector<16xi32>
      %and3A_428 = arith.constant 15 : i32
      %and3A_429 = vector.broadcast %and3A_428 : i32 to vector<16xi32>
      %and3A_430 = arith.andi %add3A_427, %and3A_429 : vector<16xi32>
      %add3A_431 = arith.constant 20 : i32
      %add3A_432 = vector.broadcast %add3A_431 : i32 to vector<16xi32>
      %add3A_433 = arith.addi %add3A_432, %and3A_430 : vector<16xi32>
      %gather3A_434 = tpu.vector_load_idx %arg4[%add3A_56, %add3A_433] : memref<512x100xf32, #tpu.memory_space<vmem>>[vector<16xi32>, vector<16xi32>], vector<16xf32>,
      %add3A_435 = arith.constant 8 : i32
      %add3A_436 = vector.broadcast %add3A_435 : i32 to vector<16xi32>
      %add3A_437 = arith.addi %iota3A, %add3A_436 : vector<16xi32>
      %and3A_438 = arith.constant 15 : i32
      %and3A_439 = vector.broadcast %and3A_438 : i32 to vector<16xi32>
      %and3A_440 = arith.andi %add3A_437, %and3A_439 : vector<16xi32>
      %add3A_441 = arith.constant 20 : i32
      %add3A_442 = vector.broadcast %add3A_441 : i32 to vector<16xi32>
      %add3A_443 = arith.addi %add3A_442, %and3A_440 : vector<16xi32>
      %gather3A_444 = tpu.vector_load_idx %arg4[%add3A_56, %add3A_443] : memref<512x100xf32, #tpu.memory_space<vmem>>[vector<16xi32>, vector<16xi32>], vector<16xf32>,
      %add3A_445 = arith.constant 9 : i32
      %add3A_446 = vector.broadcast %add3A_445 : i32 to vector<16xi32>
      %add3A_447 = arith.addi %iota3A, %add3A_446 : vector<16xi32>
      %and3A_448 = arith.constant 15 : i32
      %and3A_449 = vector.broadcast %and3A_448 : i32 to vector<16xi32>
      %and3A_450 = arith.andi %add3A_447, %and3A_449 : vector<16xi32>
      %add3A_451 = arith.constant 20 : i32
      %add3A_452 = vector.broadcast %add3A_451 : i32 to vector<16xi32>
      %add3A_453 = arith.addi %add3A_452, %and3A_450 : vector<16xi32>
      %gather3A_454 = tpu.vector_load_idx %arg4[%add3A_56, %add3A_453] : memref<512x100xf32, #tpu.memory_space<vmem>>[vector<16xi32>, vector<16xi32>], vector<16xf32>,
      %add3A_455 = arith.constant 10 : i32
      %add3A_456 = vector.broadcast %add3A_455 : i32 to vector<16xi32>
      %add3A_457 = arith.addi %iota3A, %add3A_456 : vector<16xi32>
      %and3A_458 = arith.constant 15 : i32
      %and3A_459 = vector.broadcast %and3A_458 : i32 to vector<16xi32>
      %and3A_460 = arith.andi %add3A_457, %and3A_459 : vector<16xi32>
      %add3A_461 = arith.constant 20 : i32
      %add3A_462 = vector.broadcast %add3A_461 : i32 to vector<16xi32>
      %add3A_463 = arith.addi %add3A_462, %and3A_460 : vector<16xi32>
      %gather3A_464 = tpu.vector_load_idx %arg4[%add3A_56, %add3A_463] : memref<512x100xf32, #tpu.memory_space<vmem>>[vector<16xi32>, vector<16xi32>], vector<16xf32>,
      %add3A_465 = arith.constant 11 : i32
      %add3A_466 = vector.broadcast %add3A_465 : i32 to vector<16xi32>
      %add3A_467 = arith.addi %iota3A, %add3A_466 : vector<16xi32>
      %and3A_468 = arith.constant 15 : i32
      %and3A_469 = vector.broadcast %and3A_468 : i32 to vector<16xi32>
      %and3A_470 = arith.andi %add3A_467, %and3A_469 : vector<16xi32>
      %add3A_471 = arith.constant 20 : i32
      %add3A_472 = vector.broadcast %add3A_471 : i32 to vector<16xi32>
      %add3A_473 = arith.addi %add3A_472, %and3A_470 : vector<16xi32>
      %gather3A_474 = tpu.vector_load_idx %arg4[%add3A_56, %add3A_473] : memref<512x100xf32, #tpu.memory_space<vmem>>[vector<16xi32>, vector<16xi32>], vector<16xf32>,
      %add3A_475 = arith.constant 12 : i32
      %add3A_476 = vector.broadcast %add3A_475 : i32 to vector<16xi32>
      %add3A_477 = arith.addi %iota3A, %add3A_476 : vector<16xi32>
      %and3A_478 = arith.constant 15 : i32
      %and3A_479 = vector.broadcast %and3A_478 : i32 to vector<16xi32>
      %and3A_480 = arith.andi %add3A_477, %and3A_479 : vector<16xi32>
      %add3A_481 = arith.constant 20 : i32
      %add3A_482 = vector.broadcast %add3A_481 : i32 to vector<16xi32>
      %add3A_483 = arith.addi %add3A_482, %and3A_480 : vector<16xi32>
      %gather3A_484 = tpu.vector_load_idx %arg4[%add3A_56, %add3A_483] : memref<512x100xf32, #tpu.memory_space<vmem>>[vector<16xi32>, vector<16xi32>], vector<16xf32>,
      %add3A_485 = arith.constant 13 : i32
      %add3A_486 = vector.broadcast %add3A_485 : i32 to vector<16xi32>
      %add3A_487 = arith.addi %iota3A, %add3A_486 : vector<16xi32>
      %and3A_488 = arith.constant 15 : i32
      %and3A_489 = vector.broadcast %and3A_488 : i32 to vector<16xi32>
      %and3A_490 = arith.andi %add3A_487, %and3A_489 : vector<16xi32>
      %add3A_491 = arith.constant 20 : i32
      %add3A_492 = vector.broadcast %add3A_491 : i32 to vector<16xi32>
      %add3A_493 = arith.addi %add3A_492, %and3A_490 : vector<16xi32>
      %gather3A_494 = tpu.vector_load_idx %arg4[%add3A_56, %add3A_493] : memref<512x100xf32, #tpu.memory_space<vmem>>[vector<16xi32>, vector<16xi32>], vector<16xf32>,
      %add3A_495 = arith.constant 14 : i32
      %add3A_496 = vector.broadcast %add3A_495 : i32 to vector<16xi32>
      %add3A_497 = arith.addi %iota3A, %add3A_496 : vector<16xi32>
      %and3A_498 = arith.constant 15 : i32
      %and3A_499 = vector.broadcast %and3A_498 : i32 to vector<16xi32>
      %and3A_500 = arith.andi %add3A_497, %and3A_499 : vector<16xi32>
      %add3A_501 = arith.constant 20 : i32
      %add3A_502 = vector.broadcast %add3A_501 : i32 to vector<16xi32>
      %add3A_503 = arith.addi %add3A_502, %and3A_500 : vector<16xi32>
      %gather3A_504 = tpu.vector_load_idx %arg4[%add3A_56, %add3A_503] : memref<512x100xf32, #tpu.memory_space<vmem>>[vector<16xi32>, vector<16xi32>], vector<16xf32>,
      %add3A_505 = arith.constant 15 : i32
      %add3A_506 = vector.broadcast %add3A_505 : i32 to vector<16xi32>
      %add3A_507 = arith.addi %iota3A, %add3A_506 : vector<16xi32>
      %and3A_508 = arith.constant 15 : i32
      %and3A_509 = vector.broadcast %and3A_508 : i32 to vector<16xi32>
      %and3A_510 = arith.andi %add3A_507, %and3A_509 : vector<16xi32>
      %add3A_511 = arith.constant 20 : i32
      %add3A_512 = vector.broadcast %add3A_511 : i32 to vector<16xi32>
      %add3A_513 = arith.addi %add3A_512, %and3A_510 : vector<16xi32>
      %gather3A_514 = tpu.vector_load_idx %arg4[%add3A_56, %add3A_513] : memref<512x100xf32, #tpu.memory_space<vmem>>[vector<16xi32>, vector<16xi32>], vector<16xf32>,
      %max3A_515 = arith.maximumf %gather3A_364, %gather3A_374 : vector<16xf32>
      %max3A_516 = arith.maximumf %gather3A_384, %gather3A_394 : vector<16xf32>
      %max3A_517 = arith.maximumf %gather3A_404, %gather3A_414 : vector<16xf32>
      %max3A_518 = arith.maximumf %gather3A_424, %gather3A_434 : vector<16xf32>
      %max3A_519 = arith.maximumf %gather3A_444, %gather3A_454 : vector<16xf32>
      %max3A_520 = arith.maximumf %gather3A_464, %gather3A_474 : vector<16xf32>
      %max3A_521 = arith.maximumf %gather3A_484, %gather3A_494 : vector<16xf32>
      %max3A_522 = arith.maximumf %gather3A_504, %gather3A_514 : vector<16xf32>
      %max3A_523 = arith.maximumf %max3A_515, %max3A_516 : vector<16xf32>
      %max3A_524 = arith.maximumf %max3A_517, %max3A_518 : vector<16xf32>
      %max3A_525 = arith.maximumf %max3A_519, %max3A_520 : vector<16xf32>
      %max3A_526 = arith.maximumf %max3A_521, %max3A_522 : vector<16xf32>
      %max3A_527 = arith.maximumf %max3A_523, %max3A_524 : vector<16xf32>
      %max3A_528 = arith.maximumf %max3A_525, %max3A_526 : vector<16xf32>
      %max3A_529 = arith.maximumf %max3A_527, %max3A_528 : vector<16xf32>
      %eq3A_530 = arith.cmpf oeq, %gather3A_364, %max3A_529 : vector<16xf32>
      %jit3A_531 = arith.constant 1 : i32
      %jit3A_532 = arith.constant 0 : i32
      %broadcast_in_dim3A_533 = vector.broadcast %jit3A_531 : i32 to vector<16xi32>
      %broadcast_in_dim3A_534 = vector.broadcast %jit3A_532 : i32 to vector<16xi32>
      %select_n3A_535 = arith.select %eq3A_530, %broadcast_in_dim3A_533, %broadcast_in_dim3A_534 : vector<16xi1>, vector<16xi32>
      %eq3A_536 = arith.cmpf oeq, %gather3A_374, %max3A_529 : vector<16xf32>
      %jit3A_537 = arith.constant 2 : i32
      %jit3A_538 = arith.constant 0 : i32
      %broadcast_in_dim3A_539 = vector.broadcast %jit3A_537 : i32 to vector<16xi32>
      %broadcast_in_dim3A_540 = vector.broadcast %jit3A_538 : i32 to vector<16xi32>
      %select_n3A_541 = arith.select %eq3A_536, %broadcast_in_dim3A_539, %broadcast_in_dim3A_540 : vector<16xi1>, vector<16xi32>
      %eq3A_542 = arith.cmpf oeq, %gather3A_384, %max3A_529 : vector<16xf32>
      %jit3A_543 = arith.constant 4 : i32
      %jit3A_544 = arith.constant 0 : i32
      %broadcast_in_dim3A_545 = vector.broadcast %jit3A_543 : i32 to vector<16xi32>
      %broadcast_in_dim3A_546 = vector.broadcast %jit3A_544 : i32 to vector<16xi32>
      %select_n3A_547 = arith.select %eq3A_542, %broadcast_in_dim3A_545, %broadcast_in_dim3A_546 : vector<16xi1>, vector<16xi32>
      %eq3A_548 = arith.cmpf oeq, %gather3A_394, %max3A_529 : vector<16xf32>
      %jit3A_549 = arith.constant 8 : i32
      %jit3A_550 = arith.constant 0 : i32
      %broadcast_in_dim3A_551 = vector.broadcast %jit3A_549 : i32 to vector<16xi32>
      %broadcast_in_dim3A_552 = vector.broadcast %jit3A_550 : i32 to vector<16xi32>
      %select_n3A_553 = arith.select %eq3A_548, %broadcast_in_dim3A_551, %broadcast_in_dim3A_552 : vector<16xi1>, vector<16xi32>
      %eq3A_554 = arith.cmpf oeq, %gather3A_404, %max3A_529 : vector<16xf32>
      %jit3A_555 = arith.constant 16 : i32
      %jit3A_556 = arith.constant 0 : i32
      %broadcast_in_dim3A_557 = vector.broadcast %jit3A_555 : i32 to vector<16xi32>
      %broadcast_in_dim3A_558 = vector.broadcast %jit3A_556 : i32 to vector<16xi32>
      %select_n3A_559 = arith.select %eq3A_554, %broadcast_in_dim3A_557, %broadcast_in_dim3A_558 : vector<16xi1>, vector<16xi32>
      %eq3A_560 = arith.cmpf oeq, %gather3A_414, %max3A_529 : vector<16xf32>
      %jit3A_561 = arith.constant 32 : i32
      %jit3A_562 = arith.constant 0 : i32
      %broadcast_in_dim3A_563 = vector.broadcast %jit3A_561 : i32 to vector<16xi32>
      %broadcast_in_dim3A_564 = vector.broadcast %jit3A_562 : i32 to vector<16xi32>
      %select_n3A_565 = arith.select %eq3A_560, %broadcast_in_dim3A_563, %broadcast_in_dim3A_564 : vector<16xi1>, vector<16xi32>
      %eq3A_566 = arith.cmpf oeq, %gather3A_424, %max3A_529 : vector<16xf32>
      %jit3A_567 = arith.constant 64 : i32
      %jit3A_568 = arith.constant 0 : i32
      %broadcast_in_dim3A_569 = vector.broadcast %jit3A_567 : i32 to vector<16xi32>
      %broadcast_in_dim3A_570 = vector.broadcast %jit3A_568 : i32 to vector<16xi32>
      %select_n3A_571 = arith.select %eq3A_566, %broadcast_in_dim3A_569, %broadcast_in_dim3A_570 : vector<16xi1>, vector<16xi32>
      %eq3A_572 = arith.cmpf oeq, %gather3A_434, %max3A_529 : vector<16xf32>
      %jit3A_573 = arith.constant 128 : i32
      %jit3A_574 = arith.constant 0 : i32
      %broadcast_in_dim3A_575 = vector.broadcast %jit3A_573 : i32 to vector<16xi32>
      %broadcast_in_dim3A_576 = vector.broadcast %jit3A_574 : i32 to vector<16xi32>
      %select_n3A_577 = arith.select %eq3A_572, %broadcast_in_dim3A_575, %broadcast_in_dim3A_576 : vector<16xi1>, vector<16xi32>
      %eq3A_578 = arith.cmpf oeq, %gather3A_444, %max3A_529 : vector<16xf32>
      %jit3A_579 = arith.constant 256 : i32
      %jit3A_580 = arith.constant 0 : i32
      %broadcast_in_dim3A_581 = vector.broadcast %jit3A_579 : i32 to vector<16xi32>
      %broadcast_in_dim3A_582 = vector.broadcast %jit3A_580 : i32 to vector<16xi32>
      %select_n3A_583 = arith.select %eq3A_578, %broadcast_in_dim3A_581, %broadcast_in_dim3A_582 : vector<16xi1>, vector<16xi32>
      %eq3A_584 = arith.cmpf oeq, %gather3A_454, %max3A_529 : vector<16xf32>
      %jit3A_585 = arith.constant 512 : i32
      %jit3A_586 = arith.constant 0 : i32
      %broadcast_in_dim3A_587 = vector.broadcast %jit3A_585 : i32 to vector<16xi32>
      %broadcast_in_dim3A_588 = vector.broadcast %jit3A_586 : i32 to vector<16xi32>
      %select_n3A_589 = arith.select %eq3A_584, %broadcast_in_dim3A_587, %broadcast_in_dim3A_588 : vector<16xi1>, vector<16xi32>
      %eq3A_590 = arith.cmpf oeq, %gather3A_464, %max3A_529 : vector<16xf32>
      %jit3A_591 = arith.constant 1024 : i32
      %jit3A_592 = arith.constant 0 : i32
      %broadcast_in_dim3A_593 = vector.broadcast %jit3A_591 : i32 to vector<16xi32>
      %broadcast_in_dim3A_594 = vector.broadcast %jit3A_592 : i32 to vector<16xi32>
      %select_n3A_595 = arith.select %eq3A_590, %broadcast_in_dim3A_593, %broadcast_in_dim3A_594 : vector<16xi1>, vector<16xi32>
      %eq3A_596 = arith.cmpf oeq, %gather3A_474, %max3A_529 : vector<16xf32>
      %jit3A_597 = arith.constant 2048 : i32
      %jit3A_598 = arith.constant 0 : i32
      %broadcast_in_dim3A_599 = vector.broadcast %jit3A_597 : i32 to vector<16xi32>
      %broadcast_in_dim3A_600 = vector.broadcast %jit3A_598 : i32 to vector<16xi32>
      %select_n3A_601 = arith.select %eq3A_596, %broadcast_in_dim3A_599, %broadcast_in_dim3A_600 : vector<16xi1>, vector<16xi32>
      %eq3A_602 = arith.cmpf oeq, %gather3A_484, %max3A_529 : vector<16xf32>
      %jit3A_603 = arith.constant 4096 : i32
      %jit3A_604 = arith.constant 0 : i32
      %broadcast_in_dim3A_605 = vector.broadcast %jit3A_603 : i32 to vector<16xi32>
      %broadcast_in_dim3A_606 = vector.broadcast %jit3A_604 : i32 to vector<16xi32>
      %select_n3A_607 = arith.select %eq3A_602, %broadcast_in_dim3A_605, %broadcast_in_dim3A_606 : vector<16xi1>, vector<16xi32>
      %eq3A_608 = arith.cmpf oeq, %gather3A_494, %max3A_529 : vector<16xf32>
      %jit3A_609 = arith.constant 8192 : i32
      %jit3A_610 = arith.constant 0 : i32
      %broadcast_in_dim3A_611 = vector.broadcast %jit3A_609 : i32 to vector<16xi32>
      %broadcast_in_dim3A_612 = vector.broadcast %jit3A_610 : i32 to vector<16xi32>
      %select_n3A_613 = arith.select %eq3A_608, %broadcast_in_dim3A_611, %broadcast_in_dim3A_612 : vector<16xi1>, vector<16xi32>
      %eq3A_614 = arith.cmpf oeq, %gather3A_504, %max3A_529 : vector<16xf32>
      %jit3A_615 = arith.constant 16384 : i32
      %jit3A_616 = arith.constant 0 : i32
      %broadcast_in_dim3A_617 = vector.broadcast %jit3A_615 : i32 to vector<16xi32>
      %broadcast_in_dim3A_618 = vector.broadcast %jit3A_616 : i32 to vector<16xi32>
      %select_n3A_619 = arith.select %eq3A_614, %broadcast_in_dim3A_617, %broadcast_in_dim3A_618 : vector<16xi1>, vector<16xi32>
      %eq3A_620 = arith.cmpf oeq, %gather3A_514, %max3A_529 : vector<16xf32>
      %jit3A_621 = arith.constant 32768 : i32
      %jit3A_622 = arith.constant 0 : i32
      %broadcast_in_dim3A_623 = vector.broadcast %jit3A_621 : i32 to vector<16xi32>
      %broadcast_in_dim3A_624 = vector.broadcast %jit3A_622 : i32 to vector<16xi32>
      %select_n3A_625 = arith.select %eq3A_620, %broadcast_in_dim3A_623, %broadcast_in_dim3A_624 : vector<16xi1>, vector<16xi32>
      %or3A_626 = arith.ori %select_n3A_535, %select_n3A_541 : vector<16xi32>
      %or3A_627 = arith.ori %select_n3A_547, %select_n3A_553 : vector<16xi32>
      %or3A_628 = arith.ori %select_n3A_559, %select_n3A_565 : vector<16xi32>
      %or3A_629 = arith.ori %select_n3A_571, %select_n3A_577 : vector<16xi32>
      %or3A_630 = arith.ori %select_n3A_583, %select_n3A_589 : vector<16xi32>
      %or3A_631 = arith.ori %select_n3A_595, %select_n3A_601 : vector<16xi32>
      %or3A_632 = arith.ori %select_n3A_607, %select_n3A_613 : vector<16xi32>
      %or3A_633 = arith.ori %select_n3A_619, %select_n3A_625 : vector<16xi32>
      %or3A_634 = arith.ori %or3A_626, %or3A_627 : vector<16xi32>
      %or3A_635 = arith.ori %or3A_628, %or3A_629 : vector<16xi32>
      %or3A_636 = arith.ori %or3A_630, %or3A_631 : vector<16xi32>
      %or3A_637 = arith.ori %or3A_632, %or3A_633 : vector<16xi32>
      %or3A_638 = arith.ori %or3A_634, %or3A_635 : vector<16xi32>
      %or3A_639 = arith.ori %or3A_636, %or3A_637 : vector<16xi32>
      %or3A_640 = arith.ori %or3A_638, %or3A_639 : vector<16xi32>
      %shift_left3A_641 = arith.shli %or3A_640, %iota3A : vector<16xi32>
      %sub3A_642 = arith.constant 16 : i32
      %sub3A_643 = vector.broadcast %sub3A_642 : i32 to vector<16xi32>
      %sub3A_644 = arith.subi %sub3A_643, %iota3A : vector<16xi32>
      %shift_right_arithmetic3A_645 = arith.shrsi %or3A_640, %sub3A_644 : vector<16xi32>
      %or3A_646 = arith.ori %shift_left3A_641, %shift_right_arithmetic3A_645 : vector<16xi32>
      %and3A_647 = arith.constant 65535 : i32
      %and3A_648 = vector.broadcast %and3A_647 : i32 to vector<16xi32>
      %and3A_649 = arith.andi %or3A_646, %and3A_648 : vector<16xi32>
      %neg3A_650 = arith.constant 0 : i32
      %neg3A_651 = vector.broadcast %neg3A_650 : i32 to vector<16xi32>
      %neg3A_652 = arith.subi %neg3A_651, %and3A_649 : vector<16xi32>
      %and3A_653 = arith.andi %and3A_649, %neg3A_652 : vector<16xi32>
      %convert_element_type3A_654 = arith.sitofp %and3A_653 : vector<16xi32> to vector<16xf32>
      %bitcast3A_655 = vector.bitcast %convert_element_type3A_654 : vector<16xf32> to vector<16xi32>
      %shift_right_arithmetic3A_656 = arith.constant 23 : i32
      %shift_right_arithmetic3A_657 = vector.broadcast %shift_right_arithmetic3A_656 : i32 to vector<16xi32>
      %shift_right_arithmetic3A_658 = arith.shrsi %bitcast3A_655, %shift_right_arithmetic3A_657 : vector<16xi32>
      %sub3A_659 = arith.constant 127 : i32
      %sub3A_660 = vector.broadcast %sub3A_659 : i32 to vector<16xi32>
      %sub3A_661 = arith.subi %shift_right_arithmetic3A_658, %sub3A_660 : vector<16xi32>
      %shift_left3A_662 = arith.constant 4 : i32
      %shift_left3A_663 = vector.broadcast %shift_left3A_662 : i32 to vector<16xi32>
      %shift_left3A_664 = arith.shli %sub3A_661, %shift_left3A_663 : vector<16xi32>
      %or3A_665 = arith.ori %sub3A_354, %shift_left3A_664 : vector<16xi32>
      %add3A_666 = arith.constant 0 : i32
      %add3A_667 = vector.broadcast %add3A_666 : i32 to vector<16xi32>
      %add3A_668 = arith.addi %iota3A, %add3A_667 : vector<16xi32>
      %and3A_669 = arith.constant 15 : i32
      %and3A_670 = vector.broadcast %and3A_669 : i32 to vector<16xi32>
      %and3A_671 = arith.andi %add3A_668, %and3A_670 : vector<16xi32>
      %add3A_672 = arith.constant 36 : i32
      %add3A_673 = vector.broadcast %add3A_672 : i32 to vector<16xi32>
      %add3A_674 = arith.addi %add3A_673, %and3A_671 : vector<16xi32>
      %gather3A_675 = tpu.vector_load_idx %arg4[%add3A_56, %add3A_674] : memref<512x100xf32, #tpu.memory_space<vmem>>[vector<16xi32>, vector<16xi32>], vector<16xf32>,
      %add3A_676 = arith.constant 1 : i32
      %add3A_677 = vector.broadcast %add3A_676 : i32 to vector<16xi32>
      %add3A_678 = arith.addi %iota3A, %add3A_677 : vector<16xi32>
      %and3A_679 = arith.constant 15 : i32
      %and3A_680 = vector.broadcast %and3A_679 : i32 to vector<16xi32>
      %and3A_681 = arith.andi %add3A_678, %and3A_680 : vector<16xi32>
      %add3A_682 = arith.constant 36 : i32
      %add3A_683 = vector.broadcast %add3A_682 : i32 to vector<16xi32>
      %add3A_684 = arith.addi %add3A_683, %and3A_681 : vector<16xi32>
      %gather3A_685 = tpu.vector_load_idx %arg4[%add3A_56, %add3A_684] : memref<512x100xf32, #tpu.memory_space<vmem>>[vector<16xi32>, vector<16xi32>], vector<16xf32>,
      %add3A_686 = arith.constant 2 : i32
      %add3A_687 = vector.broadcast %add3A_686 : i32 to vector<16xi32>
      %add3A_688 = arith.addi %iota3A, %add3A_687 : vector<16xi32>
      %and3A_689 = arith.constant 15 : i32
      %and3A_690 = vector.broadcast %and3A_689 : i32 to vector<16xi32>
      %and3A_691 = arith.andi %add3A_688, %and3A_690 : vector<16xi32>
      %add3A_692 = arith.constant 36 : i32
      %add3A_693 = vector.broadcast %add3A_692 : i32 to vector<16xi32>
      %add3A_694 = arith.addi %add3A_693, %and3A_691 : vector<16xi32>
      %gather3A_695 = tpu.vector_load_idx %arg4[%add3A_56, %add3A_694] : memref<512x100xf32, #tpu.memory_space<vmem>>[vector<16xi32>, vector<16xi32>], vector<16xf32>,
      %add3A_696 = arith.constant 3 : i32
      %add3A_697 = vector.broadcast %add3A_696 : i32 to vector<16xi32>
      %add3A_698 = arith.addi %iota3A, %add3A_697 : vector<16xi32>
      %and3A_699 = arith.constant 15 : i32
      %and3A_700 = vector.broadcast %and3A_699 : i32 to vector<16xi32>
      %and3A_701 = arith.andi %add3A_698, %and3A_700 : vector<16xi32>
      %add3A_702 = arith.constant 36 : i32
      %add3A_703 = vector.broadcast %add3A_702 : i32 to vector<16xi32>
      %add3A_704 = arith.addi %add3A_703, %and3A_701 : vector<16xi32>
      %gather3A_705 = tpu.vector_load_idx %arg4[%add3A_56, %add3A_704] : memref<512x100xf32, #tpu.memory_space<vmem>>[vector<16xi32>, vector<16xi32>], vector<16xf32>,
      %add3A_706 = arith.constant 4 : i32
      %add3A_707 = vector.broadcast %add3A_706 : i32 to vector<16xi32>
      %add3A_708 = arith.addi %iota3A, %add3A_707 : vector<16xi32>
      %and3A_709 = arith.constant 15 : i32
      %and3A_710 = vector.broadcast %and3A_709 : i32 to vector<16xi32>
      %and3A_711 = arith.andi %add3A_708, %and3A_710 : vector<16xi32>
      %add3A_712 = arith.constant 36 : i32
      %add3A_713 = vector.broadcast %add3A_712 : i32 to vector<16xi32>
      %add3A_714 = arith.addi %add3A_713, %and3A_711 : vector<16xi32>
      %gather3A_715 = tpu.vector_load_idx %arg4[%add3A_56, %add3A_714] : memref<512x100xf32, #tpu.memory_space<vmem>>[vector<16xi32>, vector<16xi32>], vector<16xf32>,
      %add3A_716 = arith.constant 5 : i32
      %add3A_717 = vector.broadcast %add3A_716 : i32 to vector<16xi32>
      %add3A_718 = arith.addi %iota3A, %add3A_717 : vector<16xi32>
      %and3A_719 = arith.constant 15 : i32
      %and3A_720 = vector.broadcast %and3A_719 : i32 to vector<16xi32>
      %and3A_721 = arith.andi %add3A_718, %and3A_720 : vector<16xi32>
      %add3A_722 = arith.constant 36 : i32
      %add3A_723 = vector.broadcast %add3A_722 : i32 to vector<16xi32>
      %add3A_724 = arith.addi %add3A_723, %and3A_721 : vector<16xi32>
      %gather3A_725 = tpu.vector_load_idx %arg4[%add3A_56, %add3A_724] : memref<512x100xf32, #tpu.memory_space<vmem>>[vector<16xi32>, vector<16xi32>], vector<16xf32>,
      %add3A_726 = arith.constant 6 : i32
      %add3A_727 = vector.broadcast %add3A_726 : i32 to vector<16xi32>
      %add3A_728 = arith.addi %iota3A, %add3A_727 : vector<16xi32>
      %and3A_729 = arith.constant 15 : i32
      %and3A_730 = vector.broadcast %and3A_729 : i32 to vector<16xi32>
      %and3A_731 = arith.andi %add3A_728, %and3A_730 : vector<16xi32>
      %add3A_732 = arith.constant 36 : i32
      %add3A_733 = vector.broadcast %add3A_732 : i32 to vector<16xi32>
      %add3A_734 = arith.addi %add3A_733, %and3A_731 : vector<16xi32>
      %gather3A_735 = tpu.vector_load_idx %arg4[%add3A_56, %add3A_734] : memref<512x100xf32, #tpu.memory_space<vmem>>[vector<16xi32>, vector<16xi32>], vector<16xf32>,
      %add3A_736 = arith.constant 7 : i32
      %add3A_737 = vector.broadcast %add3A_736 : i32 to vector<16xi32>
      %add3A_738 = arith.addi %iota3A, %add3A_737 : vector<16xi32>
      %and3A_739 = arith.constant 15 : i32
      %and3A_740 = vector.broadcast %and3A_739 : i32 to vector<16xi32>
      %and3A_741 = arith.andi %add3A_738, %and3A_740 : vector<16xi32>
      %add3A_742 = arith.constant 36 : i32
      %add3A_743 = vector.broadcast %add3A_742 : i32 to vector<16xi32>
      %add3A_744 = arith.addi %add3A_743, %and3A_741 : vector<16xi32>
      %gather3A_745 = tpu.vector_load_idx %arg4[%add3A_56, %add3A_744] : memref<512x100xf32, #tpu.memory_space<vmem>>[vector<16xi32>, vector<16xi32>], vector<16xf32>,
      %add3A_746 = arith.constant 8 : i32
      %add3A_747 = vector.broadcast %add3A_746 : i32 to vector<16xi32>
      %add3A_748 = arith.addi %iota3A, %add3A_747 : vector<16xi32>
      %and3A_749 = arith.constant 15 : i32
      %and3A_750 = vector.broadcast %and3A_749 : i32 to vector<16xi32>
      %and3A_751 = arith.andi %add3A_748, %and3A_750 : vector<16xi32>
      %add3A_752 = arith.constant 36 : i32
      %add3A_753 = vector.broadcast %add3A_752 : i32 to vector<16xi32>
      %add3A_754 = arith.addi %add3A_753, %and3A_751 : vector<16xi32>
      %gather3A_755 = tpu.vector_load_idx %arg4[%add3A_56, %add3A_754] : memref<512x100xf32, #tpu.memory_space<vmem>>[vector<16xi32>, vector<16xi32>], vector<16xf32>,
      %add3A_756 = arith.constant 9 : i32
      %add3A_757 = vector.broadcast %add3A_756 : i32 to vector<16xi32>
      %add3A_758 = arith.addi %iota3A, %add3A_757 : vector<16xi32>
      %and3A_759 = arith.constant 15 : i32
      %and3A_760 = vector.broadcast %and3A_759 : i32 to vector<16xi32>
      %and3A_761 = arith.andi %add3A_758, %and3A_760 : vector<16xi32>
      %add3A_762 = arith.constant 36 : i32
      %add3A_763 = vector.broadcast %add3A_762 : i32 to vector<16xi32>
      %add3A_764 = arith.addi %add3A_763, %and3A_761 : vector<16xi32>
      %gather3A_765 = tpu.vector_load_idx %arg4[%add3A_56, %add3A_764] : memref<512x100xf32, #tpu.memory_space<vmem>>[vector<16xi32>, vector<16xi32>], vector<16xf32>,
      %add3A_766 = arith.constant 10 : i32
      %add3A_767 = vector.broadcast %add3A_766 : i32 to vector<16xi32>
      %add3A_768 = arith.addi %iota3A, %add3A_767 : vector<16xi32>
      %and3A_769 = arith.constant 15 : i32
      %and3A_770 = vector.broadcast %and3A_769 : i32 to vector<16xi32>
      %and3A_771 = arith.andi %add3A_768, %and3A_770 : vector<16xi32>
      %add3A_772 = arith.constant 36 : i32
      %add3A_773 = vector.broadcast %add3A_772 : i32 to vector<16xi32>
      %add3A_774 = arith.addi %add3A_773, %and3A_771 : vector<16xi32>
      %gather3A_775 = tpu.vector_load_idx %arg4[%add3A_56, %add3A_774] : memref<512x100xf32, #tpu.memory_space<vmem>>[vector<16xi32>, vector<16xi32>], vector<16xf32>,
      %add3A_776 = arith.constant 11 : i32
      %add3A_777 = vector.broadcast %add3A_776 : i32 to vector<16xi32>
      %add3A_778 = arith.addi %iota3A, %add3A_777 : vector<16xi32>
      %and3A_779 = arith.constant 15 : i32
      %and3A_780 = vector.broadcast %and3A_779 : i32 to vector<16xi32>
      %and3A_781 = arith.andi %add3A_778, %and3A_780 : vector<16xi32>
      %add3A_782 = arith.constant 36 : i32
      %add3A_783 = vector.broadcast %add3A_782 : i32 to vector<16xi32>
      %add3A_784 = arith.addi %add3A_783, %and3A_781 : vector<16xi32>
      %gather3A_785 = tpu.vector_load_idx %arg4[%add3A_56, %add3A_784] : memref<512x100xf32, #tpu.memory_space<vmem>>[vector<16xi32>, vector<16xi32>], vector<16xf32>,
      %add3A_786 = arith.constant 12 : i32
      %add3A_787 = vector.broadcast %add3A_786 : i32 to vector<16xi32>
      %add3A_788 = arith.addi %iota3A, %add3A_787 : vector<16xi32>
      %and3A_789 = arith.constant 15 : i32
      %and3A_790 = vector.broadcast %and3A_789 : i32 to vector<16xi32>
      %and3A_791 = arith.andi %add3A_788, %and3A_790 : vector<16xi32>
      %add3A_792 = arith.constant 36 : i32
      %add3A_793 = vector.broadcast %add3A_792 : i32 to vector<16xi32>
      %add3A_794 = arith.addi %add3A_793, %and3A_791 : vector<16xi32>
      %gather3A_795 = tpu.vector_load_idx %arg4[%add3A_56, %add3A_794] : memref<512x100xf32, #tpu.memory_space<vmem>>[vector<16xi32>, vector<16xi32>], vector<16xf32>,
      %add3A_796 = arith.constant 13 : i32
      %add3A_797 = vector.broadcast %add3A_796 : i32 to vector<16xi32>
      %add3A_798 = arith.addi %iota3A, %add3A_797 : vector<16xi32>
      %and3A_799 = arith.constant 15 : i32
      %and3A_800 = vector.broadcast %and3A_799 : i32 to vector<16xi32>
      %and3A_801 = arith.andi %add3A_798, %and3A_800 : vector<16xi32>
      %add3A_802 = arith.constant 36 : i32
      %add3A_803 = vector.broadcast %add3A_802 : i32 to vector<16xi32>
      %add3A_804 = arith.addi %add3A_803, %and3A_801 : vector<16xi32>
      %gather3A_805 = tpu.vector_load_idx %arg4[%add3A_56, %add3A_804] : memref<512x100xf32, #tpu.memory_space<vmem>>[vector<16xi32>, vector<16xi32>], vector<16xf32>,
      %add3A_806 = arith.constant 14 : i32
      %add3A_807 = vector.broadcast %add3A_806 : i32 to vector<16xi32>
      %add3A_808 = arith.addi %iota3A, %add3A_807 : vector<16xi32>
      %and3A_809 = arith.constant 15 : i32
      %and3A_810 = vector.broadcast %and3A_809 : i32 to vector<16xi32>
      %and3A_811 = arith.andi %add3A_808, %and3A_810 : vector<16xi32>
      %add3A_812 = arith.constant 36 : i32
      %add3A_813 = vector.broadcast %add3A_812 : i32 to vector<16xi32>
      %add3A_814 = arith.addi %add3A_813, %and3A_811 : vector<16xi32>
      %gather3A_815 = tpu.vector_load_idx %arg4[%add3A_56, %add3A_814] : memref<512x100xf32, #tpu.memory_space<vmem>>[vector<16xi32>, vector<16xi32>], vector<16xf32>,
      %add3A_816 = arith.constant 15 : i32
      %add3A_817 = vector.broadcast %add3A_816 : i32 to vector<16xi32>
      %add3A_818 = arith.addi %iota3A, %add3A_817 : vector<16xi32>
      %and3A_819 = arith.constant 15 : i32
      %and3A_820 = vector.broadcast %and3A_819 : i32 to vector<16xi32>
      %and3A_821 = arith.andi %add3A_818, %and3A_820 : vector<16xi32>
      %add3A_822 = arith.constant 36 : i32
      %add3A_823 = vector.broadcast %add3A_822 : i32 to vector<16xi32>
      %add3A_824 = arith.addi %add3A_823, %and3A_821 : vector<16xi32>
      %gather3A_825 = tpu.vector_load_idx %arg4[%add3A_56, %add3A_824] : memref<512x100xf32, #tpu.memory_space<vmem>>[vector<16xi32>, vector<16xi32>], vector<16xf32>,
      %max3A_826 = arith.maximumf %gather3A_675, %gather3A_685 : vector<16xf32>
      %max3A_827 = arith.maximumf %gather3A_695, %gather3A_705 : vector<16xf32>
      %max3A_828 = arith.maximumf %gather3A_715, %gather3A_725 : vector<16xf32>
      %max3A_829 = arith.maximumf %gather3A_735, %gather3A_745 : vector<16xf32>
      %max3A_830 = arith.maximumf %gather3A_755, %gather3A_765 : vector<16xf32>
      %max3A_831 = arith.maximumf %gather3A_775, %gather3A_785 : vector<16xf32>
      %max3A_832 = arith.maximumf %gather3A_795, %gather3A_805 : vector<16xf32>
      %max3A_833 = arith.maximumf %gather3A_815, %gather3A_825 : vector<16xf32>
      %max3A_834 = arith.maximumf %max3A_826, %max3A_827 : vector<16xf32>
      %max3A_835 = arith.maximumf %max3A_828, %max3A_829 : vector<16xf32>
      %max3A_836 = arith.maximumf %max3A_830, %max3A_831 : vector<16xf32>
      %max3A_837 = arith.maximumf %max3A_832, %max3A_833 : vector<16xf32>
      %max3A_838 = arith.maximumf %max3A_834, %max3A_835 : vector<16xf32>
      %max3A_839 = arith.maximumf %max3A_836, %max3A_837 : vector<16xf32>
      %max3A_840 = arith.maximumf %max3A_838, %max3A_839 : vector<16xf32>
      %eq3A_841 = arith.cmpf oeq, %gather3A_675, %max3A_840 : vector<16xf32>
      %jit3A_842 = arith.constant 1 : i32
      %jit3A_843 = arith.constant 0 : i32
      %broadcast_in_dim3A_844 = vector.broadcast %jit3A_842 : i32 to vector<16xi32>
      %broadcast_in_dim3A_845 = vector.broadcast %jit3A_843 : i32 to vector<16xi32>
      %select_n3A_846 = arith.select %eq3A_841, %broadcast_in_dim3A_844, %broadcast_in_dim3A_845 : vector<16xi1>, vector<16xi32>
      %eq3A_847 = arith.cmpf oeq, %gather3A_685, %max3A_840 : vector<16xf32>
      %jit3A_848 = arith.constant 2 : i32
      %jit3A_849 = arith.constant 0 : i32
      %broadcast_in_dim3A_850 = vector.broadcast %jit3A_848 : i32 to vector<16xi32>
      %broadcast_in_dim3A_851 = vector.broadcast %jit3A_849 : i32 to vector<16xi32>
      %select_n3A_852 = arith.select %eq3A_847, %broadcast_in_dim3A_850, %broadcast_in_dim3A_851 : vector<16xi1>, vector<16xi32>
      %eq3A_853 = arith.cmpf oeq, %gather3A_695, %max3A_840 : vector<16xf32>
      %jit3A_854 = arith.constant 4 : i32
      %jit3A_855 = arith.constant 0 : i32
      %broadcast_in_dim3A_856 = vector.broadcast %jit3A_854 : i32 to vector<16xi32>
      %broadcast_in_dim3A_857 = vector.broadcast %jit3A_855 : i32 to vector<16xi32>
      %select_n3A_858 = arith.select %eq3A_853, %broadcast_in_dim3A_856, %broadcast_in_dim3A_857 : vector<16xi1>, vector<16xi32>
      %eq3A_859 = arith.cmpf oeq, %gather3A_705, %max3A_840 : vector<16xf32>
      %jit3A_860 = arith.constant 8 : i32
      %jit3A_861 = arith.constant 0 : i32
      %broadcast_in_dim3A_862 = vector.broadcast %jit3A_860 : i32 to vector<16xi32>
      %broadcast_in_dim3A_863 = vector.broadcast %jit3A_861 : i32 to vector<16xi32>
      %select_n3A_864 = arith.select %eq3A_859, %broadcast_in_dim3A_862, %broadcast_in_dim3A_863 : vector<16xi1>, vector<16xi32>
      %eq3A_865 = arith.cmpf oeq, %gather3A_715, %max3A_840 : vector<16xf32>
      %jit3A_866 = arith.constant 16 : i32
      %jit3A_867 = arith.constant 0 : i32
      %broadcast_in_dim3A_868 = vector.broadcast %jit3A_866 : i32 to vector<16xi32>
      %broadcast_in_dim3A_869 = vector.broadcast %jit3A_867 : i32 to vector<16xi32>
      %select_n3A_870 = arith.select %eq3A_865, %broadcast_in_dim3A_868, %broadcast_in_dim3A_869 : vector<16xi1>, vector<16xi32>
      %eq3A_871 = arith.cmpf oeq, %gather3A_725, %max3A_840 : vector<16xf32>
      %jit3A_872 = arith.constant 32 : i32
      %jit3A_873 = arith.constant 0 : i32
      %broadcast_in_dim3A_874 = vector.broadcast %jit3A_872 : i32 to vector<16xi32>
      %broadcast_in_dim3A_875 = vector.broadcast %jit3A_873 : i32 to vector<16xi32>
      %select_n3A_876 = arith.select %eq3A_871, %broadcast_in_dim3A_874, %broadcast_in_dim3A_875 : vector<16xi1>, vector<16xi32>
      %eq3A_877 = arith.cmpf oeq, %gather3A_735, %max3A_840 : vector<16xf32>
      %jit3A_878 = arith.constant 64 : i32
      %jit3A_879 = arith.constant 0 : i32
      %broadcast_in_dim3A_880 = vector.broadcast %jit3A_878 : i32 to vector<16xi32>
      %broadcast_in_dim3A_881 = vector.broadcast %jit3A_879 : i32 to vector<16xi32>
      %select_n3A_882 = arith.select %eq3A_877, %broadcast_in_dim3A_880, %broadcast_in_dim3A_881 : vector<16xi1>, vector<16xi32>
      %eq3A_883 = arith.cmpf oeq, %gather3A_745, %max3A_840 : vector<16xf32>
      %jit3A_884 = arith.constant 128 : i32
      %jit3A_885 = arith.constant 0 : i32
      %broadcast_in_dim3A_886 = vector.broadcast %jit3A_884 : i32 to vector<16xi32>
      %broadcast_in_dim3A_887 = vector.broadcast %jit3A_885 : i32 to vector<16xi32>
      %select_n3A_888 = arith.select %eq3A_883, %broadcast_in_dim3A_886, %broadcast_in_dim3A_887 : vector<16xi1>, vector<16xi32>
      %eq3A_889 = arith.cmpf oeq, %gather3A_755, %max3A_840 : vector<16xf32>
      %jit3A_890 = arith.constant 256 : i32
      %jit3A_891 = arith.constant 0 : i32
      %broadcast_in_dim3A_892 = vector.broadcast %jit3A_890 : i32 to vector<16xi32>
      %broadcast_in_dim3A_893 = vector.broadcast %jit3A_891 : i32 to vector<16xi32>
      %select_n3A_894 = arith.select %eq3A_889, %broadcast_in_dim3A_892, %broadcast_in_dim3A_893 : vector<16xi1>, vector<16xi32>
      %eq3A_895 = arith.cmpf oeq, %gather3A_765, %max3A_840 : vector<16xf32>
      %jit3A_896 = arith.constant 512 : i32
      %jit3A_897 = arith.constant 0 : i32
      %broadcast_in_dim3A_898 = vector.broadcast %jit3A_896 : i32 to vector<16xi32>
      %broadcast_in_dim3A_899 = vector.broadcast %jit3A_897 : i32 to vector<16xi32>
      %select_n3A_900 = arith.select %eq3A_895, %broadcast_in_dim3A_898, %broadcast_in_dim3A_899 : vector<16xi1>, vector<16xi32>
      %eq3A_901 = arith.cmpf oeq, %gather3A_775, %max3A_840 : vector<16xf32>
      %jit3A_902 = arith.constant 1024 : i32
      %jit3A_903 = arith.constant 0 : i32
      %broadcast_in_dim3A_904 = vector.broadcast %jit3A_902 : i32 to vector<16xi32>
      %broadcast_in_dim3A_905 = vector.broadcast %jit3A_903 : i32 to vector<16xi32>
      %select_n3A_906 = arith.select %eq3A_901, %broadcast_in_dim3A_904, %broadcast_in_dim3A_905 : vector<16xi1>, vector<16xi32>
      %eq3A_907 = arith.cmpf oeq, %gather3A_785, %max3A_840 : vector<16xf32>
      %jit3A_908 = arith.constant 2048 : i32
      %jit3A_909 = arith.constant 0 : i32
      %broadcast_in_dim3A_910 = vector.broadcast %jit3A_908 : i32 to vector<16xi32>
      %broadcast_in_dim3A_911 = vector.broadcast %jit3A_909 : i32 to vector<16xi32>
      %select_n3A_912 = arith.select %eq3A_907, %broadcast_in_dim3A_910, %broadcast_in_dim3A_911 : vector<16xi1>, vector<16xi32>
      %eq3A_913 = arith.cmpf oeq, %gather3A_795, %max3A_840 : vector<16xf32>
      %jit3A_914 = arith.constant 4096 : i32
      %jit3A_915 = arith.constant 0 : i32
      %broadcast_in_dim3A_916 = vector.broadcast %jit3A_914 : i32 to vector<16xi32>
      %broadcast_in_dim3A_917 = vector.broadcast %jit3A_915 : i32 to vector<16xi32>
      %select_n3A_918 = arith.select %eq3A_913, %broadcast_in_dim3A_916, %broadcast_in_dim3A_917 : vector<16xi1>, vector<16xi32>
      %eq3A_919 = arith.cmpf oeq, %gather3A_805, %max3A_840 : vector<16xf32>
      %jit3A_920 = arith.constant 8192 : i32
      %jit3A_921 = arith.constant 0 : i32
      %broadcast_in_dim3A_922 = vector.broadcast %jit3A_920 : i32 to vector<16xi32>
      %broadcast_in_dim3A_923 = vector.broadcast %jit3A_921 : i32 to vector<16xi32>
      %select_n3A_924 = arith.select %eq3A_919, %broadcast_in_dim3A_922, %broadcast_in_dim3A_923 : vector<16xi1>, vector<16xi32>
      %eq3A_925 = arith.cmpf oeq, %gather3A_815, %max3A_840 : vector<16xf32>
      %jit3A_926 = arith.constant 16384 : i32
      %jit3A_927 = arith.constant 0 : i32
      %broadcast_in_dim3A_928 = vector.broadcast %jit3A_926 : i32 to vector<16xi32>
      %broadcast_in_dim3A_929 = vector.broadcast %jit3A_927 : i32 to vector<16xi32>
      %select_n3A_930 = arith.select %eq3A_925, %broadcast_in_dim3A_928, %broadcast_in_dim3A_929 : vector<16xi1>, vector<16xi32>
      %eq3A_931 = arith.cmpf oeq, %gather3A_825, %max3A_840 : vector<16xf32>
      %jit3A_932 = arith.constant 32768 : i32
      %jit3A_933 = arith.constant 0 : i32
      %broadcast_in_dim3A_934 = vector.broadcast %jit3A_932 : i32 to vector<16xi32>
      %broadcast_in_dim3A_935 = vector.broadcast %jit3A_933 : i32 to vector<16xi32>
      %select_n3A_936 = arith.select %eq3A_931, %broadcast_in_dim3A_934, %broadcast_in_dim3A_935 : vector<16xi1>, vector<16xi32>
      %or3A_937 = arith.ori %select_n3A_846, %select_n3A_852 : vector<16xi32>
      %or3A_938 = arith.ori %select_n3A_858, %select_n3A_864 : vector<16xi32>
      %or3A_939 = arith.ori %select_n3A_870, %select_n3A_876 : vector<16xi32>
      %or3A_940 = arith.ori %select_n3A_882, %select_n3A_888 : vector<16xi32>
      %or3A_941 = arith.ori %select_n3A_894, %select_n3A_900 : vector<16xi32>
      %or3A_942 = arith.ori %select_n3A_906, %select_n3A_912 : vector<16xi32>
      %or3A_943 = arith.ori %select_n3A_918, %select_n3A_924 : vector<16xi32>
      %or3A_944 = arith.ori %select_n3A_930, %select_n3A_936 : vector<16xi32>
      %or3A_945 = arith.ori %or3A_937, %or3A_938 : vector<16xi32>
      %or3A_946 = arith.ori %or3A_939, %or3A_940 : vector<16xi32>
      %or3A_947 = arith.ori %or3A_941, %or3A_942 : vector<16xi32>
      %or3A_948 = arith.ori %or3A_943, %or3A_944 : vector<16xi32>
      %or3A_949 = arith.ori %or3A_945, %or3A_946 : vector<16xi32>
      %or3A_950 = arith.ori %or3A_947, %or3A_948 : vector<16xi32>
      %or3A_951 = arith.ori %or3A_949, %or3A_950 : vector<16xi32>
      %shift_left3A_952 = arith.shli %or3A_951, %iota3A : vector<16xi32>
      %sub3A_953 = arith.constant 16 : i32
      %sub3A_954 = vector.broadcast %sub3A_953 : i32 to vector<16xi32>
      %sub3A_955 = arith.subi %sub3A_954, %iota3A : vector<16xi32>
      %shift_right_arithmetic3A_956 = arith.shrsi %or3A_951, %sub3A_955 : vector<16xi32>
      %or3A_957 = arith.ori %shift_left3A_952, %shift_right_arithmetic3A_956 : vector<16xi32>
      %and3A_958 = arith.constant 65535 : i32
      %and3A_959 = vector.broadcast %and3A_958 : i32 to vector<16xi32>
      %and3A_960 = arith.andi %or3A_957, %and3A_959 : vector<16xi32>
      %neg3A_961 = arith.constant 0 : i32
      %neg3A_962 = vector.broadcast %neg3A_961 : i32 to vector<16xi32>
      %neg3A_963 = arith.subi %neg3A_962, %and3A_960 : vector<16xi32>
      %and3A_964 = arith.andi %and3A_960, %neg3A_963 : vector<16xi32>
      %convert_element_type3A_965 = arith.sitofp %and3A_964 : vector<16xi32> to vector<16xf32>
      %bitcast3A_966 = vector.bitcast %convert_element_type3A_965 : vector<16xf32> to vector<16xi32>
      %shift_right_arithmetic3A_967 = arith.constant 23 : i32
      %shift_right_arithmetic3A_968 = vector.broadcast %shift_right_arithmetic3A_967 : i32 to vector<16xi32>
      %shift_right_arithmetic3A_969 = arith.shrsi %bitcast3A_966, %shift_right_arithmetic3A_968 : vector<16xi32>
      %sub3A_970 = arith.constant 127 : i32
      %sub3A_971 = vector.broadcast %sub3A_970 : i32 to vector<16xi32>
      %sub3A_972 = arith.subi %shift_right_arithmetic3A_969, %sub3A_971 : vector<16xi32>
      %add3A_973 = arith.constant 0 : i32
      %add3A_974 = vector.broadcast %add3A_973 : i32 to vector<16xi32>
      %add3A_975 = arith.addi %iota3A, %add3A_974 : vector<16xi32>
      %and3A_976 = arith.constant 15 : i32
      %and3A_977 = vector.broadcast %and3A_976 : i32 to vector<16xi32>
      %and3A_978 = arith.andi %add3A_975, %and3A_977 : vector<16xi32>
      %add3A_979 = arith.constant 52 : i32
      %add3A_980 = vector.broadcast %add3A_979 : i32 to vector<16xi32>
      %add3A_981 = arith.addi %add3A_980, %and3A_978 : vector<16xi32>
      %gather3A_982 = tpu.vector_load_idx %arg4[%add3A_56, %add3A_981] : memref<512x100xf32, #tpu.memory_space<vmem>>[vector<16xi32>, vector<16xi32>], vector<16xf32>,
      %add3A_983 = arith.constant 1 : i32
      %add3A_984 = vector.broadcast %add3A_983 : i32 to vector<16xi32>
      %add3A_985 = arith.addi %iota3A, %add3A_984 : vector<16xi32>
      %and3A_986 = arith.constant 15 : i32
      %and3A_987 = vector.broadcast %and3A_986 : i32 to vector<16xi32>
      %and3A_988 = arith.andi %add3A_985, %and3A_987 : vector<16xi32>
      %add3A_989 = arith.constant 52 : i32
      %add3A_990 = vector.broadcast %add3A_989 : i32 to vector<16xi32>
      %add3A_991 = arith.addi %add3A_990, %and3A_988 : vector<16xi32>
      %gather3A_992 = tpu.vector_load_idx %arg4[%add3A_56, %add3A_991] : memref<512x100xf32, #tpu.memory_space<vmem>>[vector<16xi32>, vector<16xi32>], vector<16xf32>,
      %add3A_993 = arith.constant 2 : i32
      %add3A_994 = vector.broadcast %add3A_993 : i32 to vector<16xi32>
      %add3A_995 = arith.addi %iota3A, %add3A_994 : vector<16xi32>
      %and3A_996 = arith.constant 15 : i32
      %and3A_997 = vector.broadcast %and3A_996 : i32 to vector<16xi32>
      %and3A_998 = arith.andi %add3A_995, %and3A_997 : vector<16xi32>
      %add3A_999 = arith.constant 52 : i32
      %add3A_1000 = vector.broadcast %add3A_999 : i32 to vector<16xi32>
      %add3A_1001 = arith.addi %add3A_1000, %and3A_998 : vector<16xi32>
      %gather3A_1002 = tpu.vector_load_idx %arg4[%add3A_56, %add3A_1001] : memref<512x100xf32, #tpu.memory_space<vmem>>[vector<16xi32>, vector<16xi32>], vector<16xf32>,
      %add3A_1003 = arith.constant 3 : i32
      %add3A_1004 = vector.broadcast %add3A_1003 : i32 to vector<16xi32>
      %add3A_1005 = arith.addi %iota3A, %add3A_1004 : vector<16xi32>
      %and3A_1006 = arith.constant 15 : i32
      %and3A_1007 = vector.broadcast %and3A_1006 : i32 to vector<16xi32>
      %and3A_1008 = arith.andi %add3A_1005, %and3A_1007 : vector<16xi32>
      %add3A_1009 = arith.constant 52 : i32
      %add3A_1010 = vector.broadcast %add3A_1009 : i32 to vector<16xi32>
      %add3A_1011 = arith.addi %add3A_1010, %and3A_1008 : vector<16xi32>
      %gather3A_1012 = tpu.vector_load_idx %arg4[%add3A_56, %add3A_1011] : memref<512x100xf32, #tpu.memory_space<vmem>>[vector<16xi32>, vector<16xi32>], vector<16xf32>,
      %add3A_1013 = arith.constant 4 : i32
      %add3A_1014 = vector.broadcast %add3A_1013 : i32 to vector<16xi32>
      %add3A_1015 = arith.addi %iota3A, %add3A_1014 : vector<16xi32>
      %and3A_1016 = arith.constant 15 : i32
      %and3A_1017 = vector.broadcast %and3A_1016 : i32 to vector<16xi32>
      %and3A_1018 = arith.andi %add3A_1015, %and3A_1017 : vector<16xi32>
      %add3A_1019 = arith.constant 52 : i32
      %add3A_1020 = vector.broadcast %add3A_1019 : i32 to vector<16xi32>
      %add3A_1021 = arith.addi %add3A_1020, %and3A_1018 : vector<16xi32>
      %gather3A_1022 = tpu.vector_load_idx %arg4[%add3A_56, %add3A_1021] : memref<512x100xf32, #tpu.memory_space<vmem>>[vector<16xi32>, vector<16xi32>], vector<16xf32>,
      %add3A_1023 = arith.constant 5 : i32
      %add3A_1024 = vector.broadcast %add3A_1023 : i32 to vector<16xi32>
      %add3A_1025 = arith.addi %iota3A, %add3A_1024 : vector<16xi32>
      %and3A_1026 = arith.constant 15 : i32
      %and3A_1027 = vector.broadcast %and3A_1026 : i32 to vector<16xi32>
      %and3A_1028 = arith.andi %add3A_1025, %and3A_1027 : vector<16xi32>
      %add3A_1029 = arith.constant 52 : i32
      %add3A_1030 = vector.broadcast %add3A_1029 : i32 to vector<16xi32>
      %add3A_1031 = arith.addi %add3A_1030, %and3A_1028 : vector<16xi32>
      %gather3A_1032 = tpu.vector_load_idx %arg4[%add3A_56, %add3A_1031] : memref<512x100xf32, #tpu.memory_space<vmem>>[vector<16xi32>, vector<16xi32>], vector<16xf32>,
      %add3A_1033 = arith.constant 6 : i32
      %add3A_1034 = vector.broadcast %add3A_1033 : i32 to vector<16xi32>
      %add3A_1035 = arith.addi %iota3A, %add3A_1034 : vector<16xi32>
      %and3A_1036 = arith.constant 15 : i32
      %and3A_1037 = vector.broadcast %and3A_1036 : i32 to vector<16xi32>
      %and3A_1038 = arith.andi %add3A_1035, %and3A_1037 : vector<16xi32>
      %add3A_1039 = arith.constant 52 : i32
      %add3A_1040 = vector.broadcast %add3A_1039 : i32 to vector<16xi32>
      %add3A_1041 = arith.addi %add3A_1040, %and3A_1038 : vector<16xi32>
      %gather3A_1042 = tpu.vector_load_idx %arg4[%add3A_56, %add3A_1041] : memref<512x100xf32, #tpu.memory_space<vmem>>[vector<16xi32>, vector<16xi32>], vector<16xf32>,
      %add3A_1043 = arith.constant 7 : i32
      %add3A_1044 = vector.broadcast %add3A_1043 : i32 to vector<16xi32>
      %add3A_1045 = arith.addi %iota3A, %add3A_1044 : vector<16xi32>
      %and3A_1046 = arith.constant 15 : i32
      %and3A_1047 = vector.broadcast %and3A_1046 : i32 to vector<16xi32>
      %and3A_1048 = arith.andi %add3A_1045, %and3A_1047 : vector<16xi32>
      %add3A_1049 = arith.constant 52 : i32
      %add3A_1050 = vector.broadcast %add3A_1049 : i32 to vector<16xi32>
      %add3A_1051 = arith.addi %add3A_1050, %and3A_1048 : vector<16xi32>
      %gather3A_1052 = tpu.vector_load_idx %arg4[%add3A_56, %add3A_1051] : memref<512x100xf32, #tpu.memory_space<vmem>>[vector<16xi32>, vector<16xi32>], vector<16xf32>,
      %add3A_1053 = arith.constant 8 : i32
      %add3A_1054 = vector.broadcast %add3A_1053 : i32 to vector<16xi32>
      %add3A_1055 = arith.addi %iota3A, %add3A_1054 : vector<16xi32>
      %and3A_1056 = arith.constant 15 : i32
      %and3A_1057 = vector.broadcast %and3A_1056 : i32 to vector<16xi32>
      %and3A_1058 = arith.andi %add3A_1055, %and3A_1057 : vector<16xi32>
      %add3A_1059 = arith.constant 52 : i32
      %add3A_1060 = vector.broadcast %add3A_1059 : i32 to vector<16xi32>
      %add3A_1061 = arith.addi %add3A_1060, %and3A_1058 : vector<16xi32>
      %gather3A_1062 = tpu.vector_load_idx %arg4[%add3A_56, %add3A_1061] : memref<512x100xf32, #tpu.memory_space<vmem>>[vector<16xi32>, vector<16xi32>], vector<16xf32>,
      %add3A_1063 = arith.constant 9 : i32
      %add3A_1064 = vector.broadcast %add3A_1063 : i32 to vector<16xi32>
      %add3A_1065 = arith.addi %iota3A, %add3A_1064 : vector<16xi32>
      %and3A_1066 = arith.constant 15 : i32
      %and3A_1067 = vector.broadcast %and3A_1066 : i32 to vector<16xi32>
      %and3A_1068 = arith.andi %add3A_1065, %and3A_1067 : vector<16xi32>
      %add3A_1069 = arith.constant 52 : i32
      %add3A_1070 = vector.broadcast %add3A_1069 : i32 to vector<16xi32>
      %add3A_1071 = arith.addi %add3A_1070, %and3A_1068 : vector<16xi32>
      %gather3A_1072 = tpu.vector_load_idx %arg4[%add3A_56, %add3A_1071] : memref<512x100xf32, #tpu.memory_space<vmem>>[vector<16xi32>, vector<16xi32>], vector<16xf32>,
      %add3A_1073 = arith.constant 10 : i32
      %add3A_1074 = vector.broadcast %add3A_1073 : i32 to vector<16xi32>
      %add3A_1075 = arith.addi %iota3A, %add3A_1074 : vector<16xi32>
      %and3A_1076 = arith.constant 15 : i32
      %and3A_1077 = vector.broadcast %and3A_1076 : i32 to vector<16xi32>
      %and3A_1078 = arith.andi %add3A_1075, %and3A_1077 : vector<16xi32>
      %add3A_1079 = arith.constant 52 : i32
      %add3A_1080 = vector.broadcast %add3A_1079 : i32 to vector<16xi32>
      %add3A_1081 = arith.addi %add3A_1080, %and3A_1078 : vector<16xi32>
      %gather3A_1082 = tpu.vector_load_idx %arg4[%add3A_56, %add3A_1081] : memref<512x100xf32, #tpu.memory_space<vmem>>[vector<16xi32>, vector<16xi32>], vector<16xf32>,
      %add3A_1083 = arith.constant 11 : i32
      %add3A_1084 = vector.broadcast %add3A_1083 : i32 to vector<16xi32>
      %add3A_1085 = arith.addi %iota3A, %add3A_1084 : vector<16xi32>
      %and3A_1086 = arith.constant 15 : i32
      %and3A_1087 = vector.broadcast %and3A_1086 : i32 to vector<16xi32>
      %and3A_1088 = arith.andi %add3A_1085, %and3A_1087 : vector<16xi32>
      %add3A_1089 = arith.constant 52 : i32
      %add3A_1090 = vector.broadcast %add3A_1089 : i32 to vector<16xi32>
      %add3A_1091 = arith.addi %add3A_1090, %and3A_1088 : vector<16xi32>
      %gather3A_1092 = tpu.vector_load_idx %arg4[%add3A_56, %add3A_1091] : memref<512x100xf32, #tpu.memory_space<vmem>>[vector<16xi32>, vector<16xi32>], vector<16xf32>,
      %add3A_1093 = arith.constant 12 : i32
      %add3A_1094 = vector.broadcast %add3A_1093 : i32 to vector<16xi32>
      %add3A_1095 = arith.addi %iota3A, %add3A_1094 : vector<16xi32>
      %and3A_1096 = arith.constant 15 : i32
      %and3A_1097 = vector.broadcast %and3A_1096 : i32 to vector<16xi32>
      %and3A_1098 = arith.andi %add3A_1095, %and3A_1097 : vector<16xi32>
      %add3A_1099 = arith.constant 52 : i32
      %add3A_1100 = vector.broadcast %add3A_1099 : i32 to vector<16xi32>
      %add3A_1101 = arith.addi %add3A_1100, %and3A_1098 : vector<16xi32>
      %gather3A_1102 = tpu.vector_load_idx %arg4[%add3A_56, %add3A_1101] : memref<512x100xf32, #tpu.memory_space<vmem>>[vector<16xi32>, vector<16xi32>], vector<16xf32>,
      %add3A_1103 = arith.constant 13 : i32
      %add3A_1104 = vector.broadcast %add3A_1103 : i32 to vector<16xi32>
      %add3A_1105 = arith.addi %iota3A, %add3A_1104 : vector<16xi32>
      %and3A_1106 = arith.constant 15 : i32
      %and3A_1107 = vector.broadcast %and3A_1106 : i32 to vector<16xi32>
      %and3A_1108 = arith.andi %add3A_1105, %and3A_1107 : vector<16xi32>
      %add3A_1109 = arith.constant 52 : i32
      %add3A_1110 = vector.broadcast %add3A_1109 : i32 to vector<16xi32>
      %add3A_1111 = arith.addi %add3A_1110, %and3A_1108 : vector<16xi32>
      %gather3A_1112 = tpu.vector_load_idx %arg4[%add3A_56, %add3A_1111] : memref<512x100xf32, #tpu.memory_space<vmem>>[vector<16xi32>, vector<16xi32>], vector<16xf32>,
      %add3A_1113 = arith.constant 14 : i32
      %add3A_1114 = vector.broadcast %add3A_1113 : i32 to vector<16xi32>
      %add3A_1115 = arith.addi %iota3A, %add3A_1114 : vector<16xi32>
      %and3A_1116 = arith.constant 15 : i32
      %and3A_1117 = vector.broadcast %and3A_1116 : i32 to vector<16xi32>
      %and3A_1118 = arith.andi %add3A_1115, %and3A_1117 : vector<16xi32>
      %add3A_1119 = arith.constant 52 : i32
      %add3A_1120 = vector.broadcast %add3A_1119 : i32 to vector<16xi32>
      %add3A_1121 = arith.addi %add3A_1120, %and3A_1118 : vector<16xi32>
      %gather3A_1122 = tpu.vector_load_idx %arg4[%add3A_56, %add3A_1121] : memref<512x100xf32, #tpu.memory_space<vmem>>[vector<16xi32>, vector<16xi32>], vector<16xf32>,
      %add3A_1123 = arith.constant 15 : i32
      %add3A_1124 = vector.broadcast %add3A_1123 : i32 to vector<16xi32>
      %add3A_1125 = arith.addi %iota3A, %add3A_1124 : vector<16xi32>
      %and3A_1126 = arith.constant 15 : i32
      %and3A_1127 = vector.broadcast %and3A_1126 : i32 to vector<16xi32>
      %and3A_1128 = arith.andi %add3A_1125, %and3A_1127 : vector<16xi32>
      %add3A_1129 = arith.constant 52 : i32
      %add3A_1130 = vector.broadcast %add3A_1129 : i32 to vector<16xi32>
      %add3A_1131 = arith.addi %add3A_1130, %and3A_1128 : vector<16xi32>
      %gather3A_1132 = tpu.vector_load_idx %arg4[%add3A_56, %add3A_1131] : memref<512x100xf32, #tpu.memory_space<vmem>>[vector<16xi32>, vector<16xi32>], vector<16xf32>,
      %max3A_1133 = arith.maximumf %gather3A_982, %gather3A_992 : vector<16xf32>
      %max3A_1134 = arith.maximumf %gather3A_1002, %gather3A_1012 : vector<16xf32>
      %max3A_1135 = arith.maximumf %gather3A_1022, %gather3A_1032 : vector<16xf32>
      %max3A_1136 = arith.maximumf %gather3A_1042, %gather3A_1052 : vector<16xf32>
      %max3A_1137 = arith.maximumf %gather3A_1062, %gather3A_1072 : vector<16xf32>
      %max3A_1138 = arith.maximumf %gather3A_1082, %gather3A_1092 : vector<16xf32>
      %max3A_1139 = arith.maximumf %gather3A_1102, %gather3A_1112 : vector<16xf32>
      %max3A_1140 = arith.maximumf %gather3A_1122, %gather3A_1132 : vector<16xf32>
      %max3A_1141 = arith.maximumf %max3A_1133, %max3A_1134 : vector<16xf32>
      %max3A_1142 = arith.maximumf %max3A_1135, %max3A_1136 : vector<16xf32>
      %max3A_1143 = arith.maximumf %max3A_1137, %max3A_1138 : vector<16xf32>
      %max3A_1144 = arith.maximumf %max3A_1139, %max3A_1140 : vector<16xf32>
      %max3A_1145 = arith.maximumf %max3A_1141, %max3A_1142 : vector<16xf32>
      %max3A_1146 = arith.maximumf %max3A_1143, %max3A_1144 : vector<16xf32>
      %max3A_1147 = arith.maximumf %max3A_1145, %max3A_1146 : vector<16xf32>
      %eq3A_1148 = arith.cmpf oeq, %gather3A_982, %max3A_1147 : vector<16xf32>
      %jit3A_1149 = arith.constant 1 : i32
      %jit3A_1150 = arith.constant 0 : i32
      %broadcast_in_dim3A_1151 = vector.broadcast %jit3A_1149 : i32 to vector<16xi32>
      %broadcast_in_dim3A_1152 = vector.broadcast %jit3A_1150 : i32 to vector<16xi32>
      %select_n3A_1153 = arith.select %eq3A_1148, %broadcast_in_dim3A_1151, %broadcast_in_dim3A_1152 : vector<16xi1>, vector<16xi32>
      %eq3A_1154 = arith.cmpf oeq, %gather3A_992, %max3A_1147 : vector<16xf32>
      %jit3A_1155 = arith.constant 2 : i32
      %jit3A_1156 = arith.constant 0 : i32
      %broadcast_in_dim3A_1157 = vector.broadcast %jit3A_1155 : i32 to vector<16xi32>
      %broadcast_in_dim3A_1158 = vector.broadcast %jit3A_1156 : i32 to vector<16xi32>
      %select_n3A_1159 = arith.select %eq3A_1154, %broadcast_in_dim3A_1157, %broadcast_in_dim3A_1158 : vector<16xi1>, vector<16xi32>
      %eq3A_1160 = arith.cmpf oeq, %gather3A_1002, %max3A_1147 : vector<16xf32>
      %jit3A_1161 = arith.constant 4 : i32
      %jit3A_1162 = arith.constant 0 : i32
      %broadcast_in_dim3A_1163 = vector.broadcast %jit3A_1161 : i32 to vector<16xi32>
      %broadcast_in_dim3A_1164 = vector.broadcast %jit3A_1162 : i32 to vector<16xi32>
      %select_n3A_1165 = arith.select %eq3A_1160, %broadcast_in_dim3A_1163, %broadcast_in_dim3A_1164 : vector<16xi1>, vector<16xi32>
      %eq3A_1166 = arith.cmpf oeq, %gather3A_1012, %max3A_1147 : vector<16xf32>
      %jit3A_1167 = arith.constant 8 : i32
      %jit3A_1168 = arith.constant 0 : i32
      %broadcast_in_dim3A_1169 = vector.broadcast %jit3A_1167 : i32 to vector<16xi32>
      %broadcast_in_dim3A_1170 = vector.broadcast %jit3A_1168 : i32 to vector<16xi32>
      %select_n3A_1171 = arith.select %eq3A_1166, %broadcast_in_dim3A_1169, %broadcast_in_dim3A_1170 : vector<16xi1>, vector<16xi32>
      %eq3A_1172 = arith.cmpf oeq, %gather3A_1022, %max3A_1147 : vector<16xf32>
      %jit3A_1173 = arith.constant 16 : i32
      %jit3A_1174 = arith.constant 0 : i32
      %broadcast_in_dim3A_1175 = vector.broadcast %jit3A_1173 : i32 to vector<16xi32>
      %broadcast_in_dim3A_1176 = vector.broadcast %jit3A_1174 : i32 to vector<16xi32>
      %select_n3A_1177 = arith.select %eq3A_1172, %broadcast_in_dim3A_1175, %broadcast_in_dim3A_1176 : vector<16xi1>, vector<16xi32>
      %eq3A_1178 = arith.cmpf oeq, %gather3A_1032, %max3A_1147 : vector<16xf32>
      %jit3A_1179 = arith.constant 32 : i32
      %jit3A_1180 = arith.constant 0 : i32
      %broadcast_in_dim3A_1181 = vector.broadcast %jit3A_1179 : i32 to vector<16xi32>
      %broadcast_in_dim3A_1182 = vector.broadcast %jit3A_1180 : i32 to vector<16xi32>
      %select_n3A_1183 = arith.select %eq3A_1178, %broadcast_in_dim3A_1181, %broadcast_in_dim3A_1182 : vector<16xi1>, vector<16xi32>
      %eq3A_1184 = arith.cmpf oeq, %gather3A_1042, %max3A_1147 : vector<16xf32>
      %jit3A_1185 = arith.constant 64 : i32
      %jit3A_1186 = arith.constant 0 : i32
      %broadcast_in_dim3A_1187 = vector.broadcast %jit3A_1185 : i32 to vector<16xi32>
      %broadcast_in_dim3A_1188 = vector.broadcast %jit3A_1186 : i32 to vector<16xi32>
      %select_n3A_1189 = arith.select %eq3A_1184, %broadcast_in_dim3A_1187, %broadcast_in_dim3A_1188 : vector<16xi1>, vector<16xi32>
      %eq3A_1190 = arith.cmpf oeq, %gather3A_1052, %max3A_1147 : vector<16xf32>
      %jit3A_1191 = arith.constant 128 : i32
      %jit3A_1192 = arith.constant 0 : i32
      %broadcast_in_dim3A_1193 = vector.broadcast %jit3A_1191 : i32 to vector<16xi32>
      %broadcast_in_dim3A_1194 = vector.broadcast %jit3A_1192 : i32 to vector<16xi32>
      %select_n3A_1195 = arith.select %eq3A_1190, %broadcast_in_dim3A_1193, %broadcast_in_dim3A_1194 : vector<16xi1>, vector<16xi32>
      %eq3A_1196 = arith.cmpf oeq, %gather3A_1062, %max3A_1147 : vector<16xf32>
      %jit3A_1197 = arith.constant 256 : i32
      %jit3A_1198 = arith.constant 0 : i32
      %broadcast_in_dim3A_1199 = vector.broadcast %jit3A_1197 : i32 to vector<16xi32>
      %broadcast_in_dim3A_1200 = vector.broadcast %jit3A_1198 : i32 to vector<16xi32>
      %select_n3A_1201 = arith.select %eq3A_1196, %broadcast_in_dim3A_1199, %broadcast_in_dim3A_1200 : vector<16xi1>, vector<16xi32>
      %eq3A_1202 = arith.cmpf oeq, %gather3A_1072, %max3A_1147 : vector<16xf32>
      %jit3A_1203 = arith.constant 512 : i32
      %jit3A_1204 = arith.constant 0 : i32
      %broadcast_in_dim3A_1205 = vector.broadcast %jit3A_1203 : i32 to vector<16xi32>
      %broadcast_in_dim3A_1206 = vector.broadcast %jit3A_1204 : i32 to vector<16xi32>
      %select_n3A_1207 = arith.select %eq3A_1202, %broadcast_in_dim3A_1205, %broadcast_in_dim3A_1206 : vector<16xi1>, vector<16xi32>
      %eq3A_1208 = arith.cmpf oeq, %gather3A_1082, %max3A_1147 : vector<16xf32>
      %jit3A_1209 = arith.constant 1024 : i32
      %jit3A_1210 = arith.constant 0 : i32
      %broadcast_in_dim3A_1211 = vector.broadcast %jit3A_1209 : i32 to vector<16xi32>
      %broadcast_in_dim3A_1212 = vector.broadcast %jit3A_1210 : i32 to vector<16xi32>
      %select_n3A_1213 = arith.select %eq3A_1208, %broadcast_in_dim3A_1211, %broadcast_in_dim3A_1212 : vector<16xi1>, vector<16xi32>
      %eq3A_1214 = arith.cmpf oeq, %gather3A_1092, %max3A_1147 : vector<16xf32>
      %jit3A_1215 = arith.constant 2048 : i32
      %jit3A_1216 = arith.constant 0 : i32
      %broadcast_in_dim3A_1217 = vector.broadcast %jit3A_1215 : i32 to vector<16xi32>
      %broadcast_in_dim3A_1218 = vector.broadcast %jit3A_1216 : i32 to vector<16xi32>
      %select_n3A_1219 = arith.select %eq3A_1214, %broadcast_in_dim3A_1217, %broadcast_in_dim3A_1218 : vector<16xi1>, vector<16xi32>
      %eq3A_1220 = arith.cmpf oeq, %gather3A_1102, %max3A_1147 : vector<16xf32>
      %jit3A_1221 = arith.constant 4096 : i32
      %jit3A_1222 = arith.constant 0 : i32
      %broadcast_in_dim3A_1223 = vector.broadcast %jit3A_1221 : i32 to vector<16xi32>
      %broadcast_in_dim3A_1224 = vector.broadcast %jit3A_1222 : i32 to vector<16xi32>
      %select_n3A_1225 = arith.select %eq3A_1220, %broadcast_in_dim3A_1223, %broadcast_in_dim3A_1224 : vector<16xi1>, vector<16xi32>
      %eq3A_1226 = arith.cmpf oeq, %gather3A_1112, %max3A_1147 : vector<16xf32>
      %jit3A_1227 = arith.constant 8192 : i32
      %jit3A_1228 = arith.constant 0 : i32
      %broadcast_in_dim3A_1229 = vector.broadcast %jit3A_1227 : i32 to vector<16xi32>
      %broadcast_in_dim3A_1230 = vector.broadcast %jit3A_1228 : i32 to vector<16xi32>
      %select_n3A_1231 = arith.select %eq3A_1226, %broadcast_in_dim3A_1229, %broadcast_in_dim3A_1230 : vector<16xi1>, vector<16xi32>
      %eq3A_1232 = arith.cmpf oeq, %gather3A_1122, %max3A_1147 : vector<16xf32>
      %jit3A_1233 = arith.constant 16384 : i32
      %jit3A_1234 = arith.constant 0 : i32
      %broadcast_in_dim3A_1235 = vector.broadcast %jit3A_1233 : i32 to vector<16xi32>
      %broadcast_in_dim3A_1236 = vector.broadcast %jit3A_1234 : i32 to vector<16xi32>
      %select_n3A_1237 = arith.select %eq3A_1232, %broadcast_in_dim3A_1235, %broadcast_in_dim3A_1236 : vector<16xi1>, vector<16xi32>
      %eq3A_1238 = arith.cmpf oeq, %gather3A_1132, %max3A_1147 : vector<16xf32>
      %jit3A_1239 = arith.constant 32768 : i32
      %jit3A_1240 = arith.constant 0 : i32
      %broadcast_in_dim3A_1241 = vector.broadcast %jit3A_1239 : i32 to vector<16xi32>
      %broadcast_in_dim3A_1242 = vector.broadcast %jit3A_1240 : i32 to vector<16xi32>
      %select_n3A_1243 = arith.select %eq3A_1238, %broadcast_in_dim3A_1241, %broadcast_in_dim3A_1242 : vector<16xi1>, vector<16xi32>
      %or3A_1244 = arith.ori %select_n3A_1153, %select_n3A_1159 : vector<16xi32>
      %or3A_1245 = arith.ori %select_n3A_1165, %select_n3A_1171 : vector<16xi32>
      %or3A_1246 = arith.ori %select_n3A_1177, %select_n3A_1183 : vector<16xi32>
      %or3A_1247 = arith.ori %select_n3A_1189, %select_n3A_1195 : vector<16xi32>
      %or3A_1248 = arith.ori %select_n3A_1201, %select_n3A_1207 : vector<16xi32>
      %or3A_1249 = arith.ori %select_n3A_1213, %select_n3A_1219 : vector<16xi32>
      %or3A_1250 = arith.ori %select_n3A_1225, %select_n3A_1231 : vector<16xi32>
      %or3A_1251 = arith.ori %select_n3A_1237, %select_n3A_1243 : vector<16xi32>
      %or3A_1252 = arith.ori %or3A_1244, %or3A_1245 : vector<16xi32>
      %or3A_1253 = arith.ori %or3A_1246, %or3A_1247 : vector<16xi32>
      %or3A_1254 = arith.ori %or3A_1248, %or3A_1249 : vector<16xi32>
      %or3A_1255 = arith.ori %or3A_1250, %or3A_1251 : vector<16xi32>
      %or3A_1256 = arith.ori %or3A_1252, %or3A_1253 : vector<16xi32>
      %or3A_1257 = arith.ori %or3A_1254, %or3A_1255 : vector<16xi32>
      %or3A_1258 = arith.ori %or3A_1256, %or3A_1257 : vector<16xi32>
      %shift_left3A_1259 = arith.shli %or3A_1258, %iota3A : vector<16xi32>
      %sub3A_1260 = arith.constant 16 : i32
      %sub3A_1261 = vector.broadcast %sub3A_1260 : i32 to vector<16xi32>
      %sub3A_1262 = arith.subi %sub3A_1261, %iota3A : vector<16xi32>
      %shift_right_arithmetic3A_1263 = arith.shrsi %or3A_1258, %sub3A_1262 : vector<16xi32>
      %or3A_1264 = arith.ori %shift_left3A_1259, %shift_right_arithmetic3A_1263 : vector<16xi32>
      %and3A_1265 = arith.constant 65535 : i32
      %and3A_1266 = vector.broadcast %and3A_1265 : i32 to vector<16xi32>
      %and3A_1267 = arith.andi %or3A_1264, %and3A_1266 : vector<16xi32>
      %neg3A_1268 = arith.constant 0 : i32
      %neg3A_1269 = vector.broadcast %neg3A_1268 : i32 to vector<16xi32>
      %neg3A_1270 = arith.subi %neg3A_1269, %and3A_1267 : vector<16xi32>
      %and3A_1271 = arith.andi %and3A_1267, %neg3A_1270 : vector<16xi32>
      %convert_element_type3A_1272 = arith.sitofp %and3A_1271 : vector<16xi32> to vector<16xf32>
      %bitcast3A_1273 = vector.bitcast %convert_element_type3A_1272 : vector<16xf32> to vector<16xi32>
      %shift_right_arithmetic3A_1274 = arith.constant 23 : i32
      %shift_right_arithmetic3A_1275 = vector.broadcast %shift_right_arithmetic3A_1274 : i32 to vector<16xi32>
      %shift_right_arithmetic3A_1276 = arith.shrsi %bitcast3A_1273, %shift_right_arithmetic3A_1275 : vector<16xi32>
      %sub3A_1277 = arith.constant 127 : i32
      %sub3A_1278 = vector.broadcast %sub3A_1277 : i32 to vector<16xi32>
      %sub3A_1279 = arith.subi %shift_right_arithmetic3A_1276, %sub3A_1278 : vector<16xi32>
      %shift_left3A_1280 = arith.constant 4 : i32
      %shift_left3A_1281 = vector.broadcast %shift_left3A_1280 : i32 to vector<16xi32>
      %shift_left3A_1282 = arith.shli %sub3A_1279, %shift_left3A_1281 : vector<16xi32>
      %or3A_1283 = arith.ori %sub3A_972, %shift_left3A_1282 : vector<16xi32>
      %broadcast_in_dim3A_1284 = arith.constant 0 : i32
      %broadcast_in_dim3A_1285 = vector.broadcast %broadcast_in_dim3A_1284 : i32 to vector<16xi32>
      %gather3A_1286 = tpu.vector_load_idx %arg4[%add3A_56, %broadcast_in_dim3A_1285] : memref<512x100xf32, #tpu.memory_space<vmem>>[vector<16xi32>, vector<16xi32>], vector<16xf32>,
      %ge3A = arith.constant 5.000000e-01 : f32
      %ge3A_1287 = vector.broadcast %ge3A : f32 to vector<16xf32>
      %ge3A_1288 = arith.cmpf oge, %gather3A_1286, %ge3A_1287 : vector<16xf32>
      %broadcast_in_dim3A_1289 = arith.constant 1 : i32
      %broadcast_in_dim3A_1290 = vector.broadcast %broadcast_in_dim3A_1289 : i32 to vector<16xi32>
      %gather3A_1291 = tpu.vector_load_idx %arg4[%add3A_56, %broadcast_in_dim3A_1290] : memref<512x100xf32, #tpu.memory_space<vmem>>[vector<16xi32>, vector<16xi32>], vector<16xf32>,
      %gt3A = arith.constant 5.000000e-01 : f32
      %gt3A_1292 = vector.broadcast %gt3A : f32 to vector<16xf32>
      %gt3A_1293 = arith.cmpf ogt, %gather3A_1291, %gt3A_1292 : vector<16xf32>
      %broadcast_in_dim3A_1294 = arith.constant 2 : i32
      %broadcast_in_dim3A_1295 = vector.broadcast %broadcast_in_dim3A_1294 : i32 to vector<16xi32>
      %gather3A_1296 = tpu.vector_load_idx %arg4[%add3A_56, %broadcast_in_dim3A_1295] : memref<512x100xf32, #tpu.memory_space<vmem>>[vector<16xi32>, vector<16xi32>], vector<16xf32>,
      %gt3A_1297 = arith.constant 5.000000e-01 : f32
      %gt3A_1298 = vector.broadcast %gt3A_1297 : f32 to vector<16xf32>
      %gt3A_1299 = arith.cmpf ogt, %gather3A_1296, %gt3A_1298 : vector<16xf32>
      %broadcast_in_dim3A_1300 = arith.constant 3 : i32
      %broadcast_in_dim3A_1301 = vector.broadcast %broadcast_in_dim3A_1300 : i32 to vector<16xi32>
      %gather3A_1302 = tpu.vector_load_idx %arg4[%add3A_56, %broadcast_in_dim3A_1301] : memref<512x100xf32, #tpu.memory_space<vmem>>[vector<16xi32>, vector<16xi32>], vector<16xf32>,
      %gt3A_1303 = arith.constant 5.000000e-01 : f32
      %gt3A_1304 = vector.broadcast %gt3A_1303 : f32 to vector<16xf32>
      %gt3A_1305 = arith.cmpf ogt, %gather3A_1302, %gt3A_1304 : vector<16xf32>
      %and3A_1306 = arith.andi %or3A_665, %or3A_1283 : vector<16xi32>
      %or3A_1307 = arith.ori %or3A_665, %or3A_1283 : vector<16xi32>
      %xor3A = arith.xori %or3A_665, %or3A_1283 : vector<16xi32>
      %select_n3A_1308 = arith.select %gt3A_1299, %or3A_1307, %xor3A : vector<16xi1>, vector<16xi32>
      %select_n3A_1309 = arith.select %gt3A_1293, %and3A_1306, %select_n3A_1308 : vector<16xi1>, vector<16xi32>
      %or3A_1310 = arith.ori %gt3A_1293, %gt3A_1299 : vector<16xi1>
      %or3A_1311 = arith.ori %or3A_1310, %gt3A_1305 : vector<16xi1>
      %and3A_1312 = arith.andi %ge3A_1288, %or3A_1311 : vector<16xi1>
      %broadcast_in_dim3A_1313 = arith.constant 2.000000e+00 : f32
      %broadcast_in_dim3A_1314 = vector.broadcast %broadcast_in_dim3A_1313 : f32 to vector<16xf32>
      %and3A_1315 = arith.constant 15 : i32
      %and3A_1316 = vector.broadcast %and3A_1315 : i32 to vector<16xi32>
      %and3A_1317 = arith.andi %select_n3A_1309, %and3A_1316 : vector<16xi32>
      %add3A_1318 = arith.constant 68 : i32
      %add3A_1319 = vector.broadcast %add3A_1318 : i32 to vector<16xi32>
      %add3A_1320 = arith.addi %add3A_1319, %and3A_1317 : vector<16xi32>
      tpu.vector_store_idx %arg4[%add3A_56, %add3A_1320], %broadcast_in_dim3A_1314 masked %and3A_1312 {add = true} : memref<512x100xf32, #tpu.memory_space<vmem>>[vector<16xi32>, vector<16xi32>], vector<16xf32>, vector<16xi1>
      %shift_right_arithmetic3A_1321 = arith.constant 4 : i32
      %shift_right_arithmetic3A_1322 = vector.broadcast %shift_right_arithmetic3A_1321 : i32 to vector<16xi32>
      %shift_right_arithmetic3A_1323 = arith.shrsi %select_n3A_1309, %shift_right_arithmetic3A_1322 : vector<16xi32>
      %add3A_1324 = arith.constant 84 : i32
      %add3A_1325 = vector.broadcast %add3A_1324 : i32 to vector<16xi32>
      %add3A_1326 = arith.addi %add3A_1325, %shift_right_arithmetic3A_1323 : vector<16xi32>
      tpu.vector_store_idx %arg4[%add3A_56, %add3A_1326], %broadcast_in_dim3A_1314 masked %and3A_1312 {add = true} : memref<512x100xf32, #tpu.memory_space<vmem>>[vector<16xi32>, vector<16xi32>], vector<16xf32>, vector<16xi1>
    }
    %scan3A_39 = arith.constant 32 : i32
    %add3A_40 = arith.constant 0 : i32
    %add3A_41 = arith.addi %mul3A_32, %add3A_40 : i32
    "tpu.region"() ({
      %run_scoped3A = tpu.sem_alloc : memref<!tpu.dma_semaphore, #tpu.memory_space<semaphore_mem>>
      %dma_start3A = arith.constant 0 : i32
      %dma_start3A_52 = tpu.memref_slice %arg3[%select_n3A, %add3A_41, %dma_start3A] : memref<16x2048x100xf32, #tpu.memory_space<hbm>> -> memref<1x512x100xf32, #tpu.memory_space<hbm>>
      %dma_start3A_53 = tpu.memref_squeeze %dma_start3A_52 : memref<1x512x100xf32, #tpu.memory_space<hbm>> -> memref<512x100xf32, #tpu.memory_space<hbm>>
      %dma_start3A_54 = arith.constant 0 : i32
      %dma_start3A_55 = tpu.memref_slice %arg3[%select_n3A, %add3A_41, %dma_start3A_54] : memref<16x2048x100xf32, #tpu.memory_space<hbm>> -> memref<1x512x100xf32, #tpu.memory_space<hbm>>
      %dma_start3A_56 = tpu.memref_squeeze %dma_start3A_55 : memref<1x512x100xf32, #tpu.memory_space<hbm>> -> memref<512x100xf32, #tpu.memory_space<hbm>>
      tpu.enqueue_dma source(%arg4 : memref<512x100xf32, #tpu.memory_space<vmem>>) target(%dma_start3A_56 : memref<512x100xf32, #tpu.memory_space<hbm>>) target_semaphore(%run_scoped3A : memref<!tpu.dma_semaphore, #tpu.memory_space<semaphore_mem>>)
      %dma_wait3A = arith.constant 0 : i32
      %dma_wait3A_57 = tpu.memref_slice %arg3[%select_n3A, %add3A_41, %dma_wait3A] : memref<16x2048x100xf32, #tpu.memory_space<hbm>> -> memref<1x512x100xf32, #tpu.memory_space<hbm>>
      %dma_wait3A_58 = tpu.memref_squeeze %dma_wait3A_57 : memref<1x512x100xf32, #tpu.memory_space<hbm>> -> memref<512x100xf32, #tpu.memory_space<hbm>>
      %dma_wait3A_59 = arith.constant 0 : i32
      %dma_wait3A_60 = tpu.memref_slice %arg3[%select_n3A, %add3A_41, %dma_wait3A_59] : memref<16x2048x100xf32, #tpu.memory_space<hbm>> -> memref<1x512x100xf32, #tpu.memory_space<hbm>>
      %dma_wait3A_61 = tpu.memref_squeeze %dma_wait3A_60 : memref<1x512x100xf32, #tpu.memory_space<hbm>> -> memref<512x100xf32, #tpu.memory_space<hbm>>
      tpu.wait_dma2 semaphore(%run_scoped3A : memref<!tpu.dma_semaphore, #tpu.memory_space<semaphore_mem>>) src(%arg4 : memref<512x100xf32, #tpu.memory_space<vmem>>) dst(%dma_wait3A_61 : memref<512x100xf32, #tpu.memory_space<hbm>>)
      tpu.yield
    }) : () -> ()
    %add3A_42 = arith.constant 512 : i32
    %add3A_43 = arith.addi %mul3A_32, %add3A_42 : i32
    "tpu.region"() ({
      %run_scoped3A = tpu.sem_alloc : memref<!tpu.dma_semaphore, #tpu.memory_space<semaphore_mem>>
      %dma_start3A = arith.constant 0 : i32
      %dma_start3A_52 = tpu.memref_slice %arg2[%select_n3A, %add3A_43, %dma_start3A] : memref<16x2048x100xf32, #tpu.memory_space<hbm>> -> memref<1x512x100xf32, #tpu.memory_space<hbm>>
      %dma_start3A_53 = tpu.memref_squeeze %dma_start3A_52 : memref<1x512x100xf32, #tpu.memory_space<hbm>> -> memref<512x100xf32, #tpu.memory_space<hbm>>
      %dma_start3A_54 = arith.constant 0 : i32
      %dma_start3A_55 = tpu.memref_slice %arg2[%select_n3A, %add3A_43, %dma_start3A_54] : memref<16x2048x100xf32, #tpu.memory_space<hbm>> -> memref<1x512x100xf32, #tpu.memory_space<hbm>>
      %dma_start3A_56 = tpu.memref_squeeze %dma_start3A_55 : memref<1x512x100xf32, #tpu.memory_space<hbm>> -> memref<512x100xf32, #tpu.memory_space<hbm>>
      tpu.enqueue_dma source(%dma_start3A_56 : memref<512x100xf32, #tpu.memory_space<hbm>>) target(%arg4 : memref<512x100xf32, #tpu.memory_space<vmem>>) target_semaphore(%run_scoped3A : memref<!tpu.dma_semaphore, #tpu.memory_space<semaphore_mem>>)
      %dma_wait3A = arith.constant 0 : i32
      %dma_wait3A_57 = tpu.memref_slice %arg2[%select_n3A, %add3A_43, %dma_wait3A] : memref<16x2048x100xf32, #tpu.memory_space<hbm>> -> memref<1x512x100xf32, #tpu.memory_space<hbm>>
      %dma_wait3A_58 = tpu.memref_squeeze %dma_wait3A_57 : memref<1x512x100xf32, #tpu.memory_space<hbm>> -> memref<512x100xf32, #tpu.memory_space<hbm>>
      %dma_wait3A_59 = arith.constant 0 : i32
      %dma_wait3A_60 = tpu.memref_slice %arg2[%select_n3A, %add3A_43, %dma_wait3A_59] : memref<16x2048x100xf32, #tpu.memory_space<hbm>> -> memref<1x512x100xf32, #tpu.memory_space<hbm>>
      %dma_wait3A_61 = tpu.memref_squeeze %dma_wait3A_60 : memref<1x512x100xf32, #tpu.memory_space<hbm>> -> memref<512x100xf32, #tpu.memory_space<hbm>>
      tpu.wait_dma2 semaphore(%run_scoped3A : memref<!tpu.dma_semaphore, #tpu.memory_space<semaphore_mem>>) src(%dma_wait3A_61 : memref<512x100xf32, #tpu.memory_space<hbm>>) dst(%arg4 : memref<512x100xf32, #tpu.memory_space<vmem>>)
      tpu.yield
    }) : () -> ()
    %scan3A_44 = arith.constant 0 : i32
    %scan3A_45 = arith.constant 0 : i32
    %scan3A_46 = arith.constant 32 : i32
    %scan3A_47 = arith.addi %scan3A_45, %scan3A_46 : i32
    %scan3A_48 = arith.constant 1 : i32
    scf.for %scan3A_52 = %scan3A_45 to %scan3A_47 step %scan3A_48  : i32 {
      %mul3A_53 = arith.constant 16 : i32
      %mul3A_54 = arith.muli %scan3A_52, %mul3A_53 : i32
      %add3A_55 = vector.broadcast %mul3A_54 : i32 to vector<16xi32>
      %add3A_56 = arith.addi %add3A_55, %iota3A : vector<16xi32>
      %add3A_57 = arith.constant 0 : i32
      %add3A_58 = vector.broadcast %add3A_57 : i32 to vector<16xi32>
      %add3A_59 = arith.addi %iota3A, %add3A_58 : vector<16xi32>
      %and3A_60 = arith.constant 15 : i32
      %and3A_61 = vector.broadcast %and3A_60 : i32 to vector<16xi32>
      %and3A_62 = arith.andi %add3A_59, %and3A_61 : vector<16xi32>
      %add3A_63 = arith.constant 4 : i32
      %add3A_64 = vector.broadcast %add3A_63 : i32 to vector<16xi32>
      %add3A_65 = arith.addi %add3A_64, %and3A_62 : vector<16xi32>
      %gather3A = tpu.vector_load_idx %arg4[%add3A_56, %add3A_65] : memref<512x100xf32, #tpu.memory_space<vmem>>[vector<16xi32>, vector<16xi32>], vector<16xf32>,
      %add3A_66 = arith.constant 1 : i32
      %add3A_67 = vector.broadcast %add3A_66 : i32 to vector<16xi32>
      %add3A_68 = arith.addi %iota3A, %add3A_67 : vector<16xi32>
      %and3A_69 = arith.constant 15 : i32
      %and3A_70 = vector.broadcast %and3A_69 : i32 to vector<16xi32>
      %and3A_71 = arith.andi %add3A_68, %and3A_70 : vector<16xi32>
      %add3A_72 = arith.constant 4 : i32
      %add3A_73 = vector.broadcast %add3A_72 : i32 to vector<16xi32>
      %add3A_74 = arith.addi %add3A_73, %and3A_71 : vector<16xi32>
      %gather3A_75 = tpu.vector_load_idx %arg4[%add3A_56, %add3A_74] : memref<512x100xf32, #tpu.memory_space<vmem>>[vector<16xi32>, vector<16xi32>], vector<16xf32>,
      %add3A_76 = arith.constant 2 : i32
      %add3A_77 = vector.broadcast %add3A_76 : i32 to vector<16xi32>
      %add3A_78 = arith.addi %iota3A, %add3A_77 : vector<16xi32>
      %and3A_79 = arith.constant 15 : i32
      %and3A_80 = vector.broadcast %and3A_79 : i32 to vector<16xi32>
      %and3A_81 = arith.andi %add3A_78, %and3A_80 : vector<16xi32>
      %add3A_82 = arith.constant 4 : i32
      %add3A_83 = vector.broadcast %add3A_82 : i32 to vector<16xi32>
      %add3A_84 = arith.addi %add3A_83, %and3A_81 : vector<16xi32>
      %gather3A_85 = tpu.vector_load_idx %arg4[%add3A_56, %add3A_84] : memref<512x100xf32, #tpu.memory_space<vmem>>[vector<16xi32>, vector<16xi32>], vector<16xf32>,
      %add3A_86 = arith.constant 3 : i32
      %add3A_87 = vector.broadcast %add3A_86 : i32 to vector<16xi32>
      %add3A_88 = arith.addi %iota3A, %add3A_87 : vector<16xi32>
      %and3A_89 = arith.constant 15 : i32
      %and3A_90 = vector.broadcast %and3A_89 : i32 to vector<16xi32>
      %and3A_91 = arith.andi %add3A_88, %and3A_90 : vector<16xi32>
      %add3A_92 = arith.constant 4 : i32
      %add3A_93 = vector.broadcast %add3A_92 : i32 to vector<16xi32>
      %add3A_94 = arith.addi %add3A_93, %and3A_91 : vector<16xi32>
      %gather3A_95 = tpu.vector_load_idx %arg4[%add3A_56, %add3A_94] : memref<512x100xf32, #tpu.memory_space<vmem>>[vector<16xi32>, vector<16xi32>], vector<16xf32>,
      %add3A_96 = arith.constant 4 : i32
      %add3A_97 = vector.broadcast %add3A_96 : i32 to vector<16xi32>
      %add3A_98 = arith.addi %iota3A, %add3A_97 : vector<16xi32>
      %and3A_99 = arith.constant 15 : i32
      %and3A_100 = vector.broadcast %and3A_99 : i32 to vector<16xi32>
      %and3A_101 = arith.andi %add3A_98, %and3A_100 : vector<16xi32>
      %add3A_102 = arith.constant 4 : i32
      %add3A_103 = vector.broadcast %add3A_102 : i32 to vector<16xi32>
      %add3A_104 = arith.addi %add3A_103, %and3A_101 : vector<16xi32>
      %gather3A_105 = tpu.vector_load_idx %arg4[%add3A_56, %add3A_104] : memref<512x100xf32, #tpu.memory_space<vmem>>[vector<16xi32>, vector<16xi32>], vector<16xf32>,
      %add3A_106 = arith.constant 5 : i32
      %add3A_107 = vector.broadcast %add3A_106 : i32 to vector<16xi32>
      %add3A_108 = arith.addi %iota3A, %add3A_107 : vector<16xi32>
      %and3A_109 = arith.constant 15 : i32
      %and3A_110 = vector.broadcast %and3A_109 : i32 to vector<16xi32>
      %and3A_111 = arith.andi %add3A_108, %and3A_110 : vector<16xi32>
      %add3A_112 = arith.constant 4 : i32
      %add3A_113 = vector.broadcast %add3A_112 : i32 to vector<16xi32>
      %add3A_114 = arith.addi %add3A_113, %and3A_111 : vector<16xi32>
      %gather3A_115 = tpu.vector_load_idx %arg4[%add3A_56, %add3A_114] : memref<512x100xf32, #tpu.memory_space<vmem>>[vector<16xi32>, vector<16xi32>], vector<16xf32>,
      %add3A_116 = arith.constant 6 : i32
      %add3A_117 = vector.broadcast %add3A_116 : i32 to vector<16xi32>
      %add3A_118 = arith.addi %iota3A, %add3A_117 : vector<16xi32>
      %and3A_119 = arith.constant 15 : i32
      %and3A_120 = vector.broadcast %and3A_119 : i32 to vector<16xi32>
      %and3A_121 = arith.andi %add3A_118, %and3A_120 : vector<16xi32>
      %add3A_122 = arith.constant 4 : i32
      %add3A_123 = vector.broadcast %add3A_122 : i32 to vector<16xi32>
      %add3A_124 = arith.addi %add3A_123, %and3A_121 : vector<16xi32>
      %gather3A_125 = tpu.vector_load_idx %arg4[%add3A_56, %add3A_124] : memref<512x100xf32, #tpu.memory_space<vmem>>[vector<16xi32>, vector<16xi32>], vector<16xf32>,
      %add3A_126 = arith.constant 7 : i32
      %add3A_127 = vector.broadcast %add3A_126 : i32 to vector<16xi32>
      %add3A_128 = arith.addi %iota3A, %add3A_127 : vector<16xi32>
      %and3A_129 = arith.constant 15 : i32
      %and3A_130 = vector.broadcast %and3A_129 : i32 to vector<16xi32>
      %and3A_131 = arith.andi %add3A_128, %and3A_130 : vector<16xi32>
      %add3A_132 = arith.constant 4 : i32
      %add3A_133 = vector.broadcast %add3A_132 : i32 to vector<16xi32>
      %add3A_134 = arith.addi %add3A_133, %and3A_131 : vector<16xi32>
      %gather3A_135 = tpu.vector_load_idx %arg4[%add3A_56, %add3A_134] : memref<512x100xf32, #tpu.memory_space<vmem>>[vector<16xi32>, vector<16xi32>], vector<16xf32>,
      %add3A_136 = arith.constant 8 : i32
      %add3A_137 = vector.broadcast %add3A_136 : i32 to vector<16xi32>
      %add3A_138 = arith.addi %iota3A, %add3A_137 : vector<16xi32>
      %and3A_139 = arith.constant 15 : i32
      %and3A_140 = vector.broadcast %and3A_139 : i32 to vector<16xi32>
      %and3A_141 = arith.andi %add3A_138, %and3A_140 : vector<16xi32>
      %add3A_142 = arith.constant 4 : i32
      %add3A_143 = vector.broadcast %add3A_142 : i32 to vector<16xi32>
      %add3A_144 = arith.addi %add3A_143, %and3A_141 : vector<16xi32>
      %gather3A_145 = tpu.vector_load_idx %arg4[%add3A_56, %add3A_144] : memref<512x100xf32, #tpu.memory_space<vmem>>[vector<16xi32>, vector<16xi32>], vector<16xf32>,
      %add3A_146 = arith.constant 9 : i32
      %add3A_147 = vector.broadcast %add3A_146 : i32 to vector<16xi32>
      %add3A_148 = arith.addi %iota3A, %add3A_147 : vector<16xi32>
      %and3A_149 = arith.constant 15 : i32
      %and3A_150 = vector.broadcast %and3A_149 : i32 to vector<16xi32>
      %and3A_151 = arith.andi %add3A_148, %and3A_150 : vector<16xi32>
      %add3A_152 = arith.constant 4 : i32
      %add3A_153 = vector.broadcast %add3A_152 : i32 to vector<16xi32>
      %add3A_154 = arith.addi %add3A_153, %and3A_151 : vector<16xi32>
      %gather3A_155 = tpu.vector_load_idx %arg4[%add3A_56, %add3A_154] : memref<512x100xf32, #tpu.memory_space<vmem>>[vector<16xi32>, vector<16xi32>], vector<16xf32>,
      %add3A_156 = arith.constant 10 : i32
      %add3A_157 = vector.broadcast %add3A_156 : i32 to vector<16xi32>
      %add3A_158 = arith.addi %iota3A, %add3A_157 : vector<16xi32>
      %and3A_159 = arith.constant 15 : i32
      %and3A_160 = vector.broadcast %and3A_159 : i32 to vector<16xi32>
      %and3A_161 = arith.andi %add3A_158, %and3A_160 : vector<16xi32>
      %add3A_162 = arith.constant 4 : i32
      %add3A_163 = vector.broadcast %add3A_162 : i32 to vector<16xi32>
      %add3A_164 = arith.addi %add3A_163, %and3A_161 : vector<16xi32>
      %gather3A_165 = tpu.vector_load_idx %arg4[%add3A_56, %add3A_164] : memref<512x100xf32, #tpu.memory_space<vmem>>[vector<16xi32>, vector<16xi32>], vector<16xf32>,
      %add3A_166 = arith.constant 11 : i32
      %add3A_167 = vector.broadcast %add3A_166 : i32 to vector<16xi32>
      %add3A_168 = arith.addi %iota3A, %add3A_167 : vector<16xi32>
      %and3A_169 = arith.constant 15 : i32
      %and3A_170 = vector.broadcast %and3A_169 : i32 to vector<16xi32>
      %and3A_171 = arith.andi %add3A_168, %and3A_170 : vector<16xi32>
      %add3A_172 = arith.constant 4 : i32
      %add3A_173 = vector.broadcast %add3A_172 : i32 to vector<16xi32>
      %add3A_174 = arith.addi %add3A_173, %and3A_171 : vector<16xi32>
      %gather3A_175 = tpu.vector_load_idx %arg4[%add3A_56, %add3A_174] : memref<512x100xf32, #tpu.memory_space<vmem>>[vector<16xi32>, vector<16xi32>], vector<16xf32>,
      %add3A_176 = arith.constant 12 : i32
      %add3A_177 = vector.broadcast %add3A_176 : i32 to vector<16xi32>
      %add3A_178 = arith.addi %iota3A, %add3A_177 : vector<16xi32>
      %and3A_179 = arith.constant 15 : i32
      %and3A_180 = vector.broadcast %and3A_179 : i32 to vector<16xi32>
      %and3A_181 = arith.andi %add3A_178, %and3A_180 : vector<16xi32>
      %add3A_182 = arith.constant 4 : i32
      %add3A_183 = vector.broadcast %add3A_182 : i32 to vector<16xi32>
      %add3A_184 = arith.addi %add3A_183, %and3A_181 : vector<16xi32>
      %gather3A_185 = tpu.vector_load_idx %arg4[%add3A_56, %add3A_184] : memref<512x100xf32, #tpu.memory_space<vmem>>[vector<16xi32>, vector<16xi32>], vector<16xf32>,
      %add3A_186 = arith.constant 13 : i32
      %add3A_187 = vector.broadcast %add3A_186 : i32 to vector<16xi32>
      %add3A_188 = arith.addi %iota3A, %add3A_187 : vector<16xi32>
      %and3A_189 = arith.constant 15 : i32
      %and3A_190 = vector.broadcast %and3A_189 : i32 to vector<16xi32>
      %and3A_191 = arith.andi %add3A_188, %and3A_190 : vector<16xi32>
      %add3A_192 = arith.constant 4 : i32
      %add3A_193 = vector.broadcast %add3A_192 : i32 to vector<16xi32>
      %add3A_194 = arith.addi %add3A_193, %and3A_191 : vector<16xi32>
      %gather3A_195 = tpu.vector_load_idx %arg4[%add3A_56, %add3A_194] : memref<512x100xf32, #tpu.memory_space<vmem>>[vector<16xi32>, vector<16xi32>], vector<16xf32>,
      %add3A_196 = arith.constant 14 : i32
      %add3A_197 = vector.broadcast %add3A_196 : i32 to vector<16xi32>
      %add3A_198 = arith.addi %iota3A, %add3A_197 : vector<16xi32>
      %and3A_199 = arith.constant 15 : i32
      %and3A_200 = vector.broadcast %and3A_199 : i32 to vector<16xi32>
      %and3A_201 = arith.andi %add3A_198, %and3A_200 : vector<16xi32>
      %add3A_202 = arith.constant 4 : i32
      %add3A_203 = vector.broadcast %add3A_202 : i32 to vector<16xi32>
      %add3A_204 = arith.addi %add3A_203, %and3A_201 : vector<16xi32>
      %gather3A_205 = tpu.vector_load_idx %arg4[%add3A_56, %add3A_204] : memref<512x100xf32, #tpu.memory_space<vmem>>[vector<16xi32>, vector<16xi32>], vector<16xf32>,
      %add3A_206 = arith.constant 15 : i32
      %add3A_207 = vector.broadcast %add3A_206 : i32 to vector<16xi32>
      %add3A_208 = arith.addi %iota3A, %add3A_207 : vector<16xi32>
      %and3A_209 = arith.constant 15 : i32
      %and3A_210 = vector.broadcast %and3A_209 : i32 to vector<16xi32>
      %and3A_211 = arith.andi %add3A_208, %and3A_210 : vector<16xi32>
      %add3A_212 = arith.constant 4 : i32
      %add3A_213 = vector.broadcast %add3A_212 : i32 to vector<16xi32>
      %add3A_214 = arith.addi %add3A_213, %and3A_211 : vector<16xi32>
      %gather3A_215 = tpu.vector_load_idx %arg4[%add3A_56, %add3A_214] : memref<512x100xf32, #tpu.memory_space<vmem>>[vector<16xi32>, vector<16xi32>], vector<16xf32>,
      %max3A = arith.maximumf %gather3A, %gather3A_75 : vector<16xf32>
      %max3A_216 = arith.maximumf %gather3A_85, %gather3A_95 : vector<16xf32>
      %max3A_217 = arith.maximumf %gather3A_105, %gather3A_115 : vector<16xf32>
      %max3A_218 = arith.maximumf %gather3A_125, %gather3A_135 : vector<16xf32>
      %max3A_219 = arith.maximumf %gather3A_145, %gather3A_155 : vector<16xf32>
      %max3A_220 = arith.maximumf %gather3A_165, %gather3A_175 : vector<16xf32>
      %max3A_221 = arith.maximumf %gather3A_185, %gather3A_195 : vector<16xf32>
      %max3A_222 = arith.maximumf %gather3A_205, %gather3A_215 : vector<16xf32>
      %max3A_223 = arith.maximumf %max3A, %max3A_216 : vector<16xf32>
      %max3A_224 = arith.maximumf %max3A_217, %max3A_218 : vector<16xf32>
      %max3A_225 = arith.maximumf %max3A_219, %max3A_220 : vector<16xf32>
      %max3A_226 = arith.maximumf %max3A_221, %max3A_222 : vector<16xf32>
      %max3A_227 = arith.maximumf %max3A_223, %max3A_224 : vector<16xf32>
      %max3A_228 = arith.maximumf %max3A_225, %max3A_226 : vector<16xf32>
      %max3A_229 = arith.maximumf %max3A_227, %max3A_228 : vector<16xf32>
      %eq3A_230 = arith.cmpf oeq, %gather3A, %max3A_229 : vector<16xf32>
      %jit3A_231 = arith.constant 1 : i32
      %jit3A_232 = arith.constant 0 : i32
      %broadcast_in_dim3A = vector.broadcast %jit3A_231 : i32 to vector<16xi32>
      %broadcast_in_dim3A_233 = vector.broadcast %jit3A_232 : i32 to vector<16xi32>
      %select_n3A_234 = arith.select %eq3A_230, %broadcast_in_dim3A, %broadcast_in_dim3A_233 : vector<16xi1>, vector<16xi32>
      %eq3A_235 = arith.cmpf oeq, %gather3A_75, %max3A_229 : vector<16xf32>
      %jit3A_236 = arith.constant 2 : i32
      %jit3A_237 = arith.constant 0 : i32
      %broadcast_in_dim3A_238 = vector.broadcast %jit3A_236 : i32 to vector<16xi32>
      %broadcast_in_dim3A_239 = vector.broadcast %jit3A_237 : i32 to vector<16xi32>
      %select_n3A_240 = arith.select %eq3A_235, %broadcast_in_dim3A_238, %broadcast_in_dim3A_239 : vector<16xi1>, vector<16xi32>
      %eq3A_241 = arith.cmpf oeq, %gather3A_85, %max3A_229 : vector<16xf32>
      %jit3A_242 = arith.constant 4 : i32
      %jit3A_243 = arith.constant 0 : i32
      %broadcast_in_dim3A_244 = vector.broadcast %jit3A_242 : i32 to vector<16xi32>
      %broadcast_in_dim3A_245 = vector.broadcast %jit3A_243 : i32 to vector<16xi32>
      %select_n3A_246 = arith.select %eq3A_241, %broadcast_in_dim3A_244, %broadcast_in_dim3A_245 : vector<16xi1>, vector<16xi32>
      %eq3A_247 = arith.cmpf oeq, %gather3A_95, %max3A_229 : vector<16xf32>
      %jit3A_248 = arith.constant 8 : i32
      %jit3A_249 = arith.constant 0 : i32
      %broadcast_in_dim3A_250 = vector.broadcast %jit3A_248 : i32 to vector<16xi32>
      %broadcast_in_dim3A_251 = vector.broadcast %jit3A_249 : i32 to vector<16xi32>
      %select_n3A_252 = arith.select %eq3A_247, %broadcast_in_dim3A_250, %broadcast_in_dim3A_251 : vector<16xi1>, vector<16xi32>
      %eq3A_253 = arith.cmpf oeq, %gather3A_105, %max3A_229 : vector<16xf32>
      %jit3A_254 = arith.constant 16 : i32
      %jit3A_255 = arith.constant 0 : i32
      %broadcast_in_dim3A_256 = vector.broadcast %jit3A_254 : i32 to vector<16xi32>
      %broadcast_in_dim3A_257 = vector.broadcast %jit3A_255 : i32 to vector<16xi32>
      %select_n3A_258 = arith.select %eq3A_253, %broadcast_in_dim3A_256, %broadcast_in_dim3A_257 : vector<16xi1>, vector<16xi32>
      %eq3A_259 = arith.cmpf oeq, %gather3A_115, %max3A_229 : vector<16xf32>
      %jit3A_260 = arith.constant 32 : i32
      %jit3A_261 = arith.constant 0 : i32
      %broadcast_in_dim3A_262 = vector.broadcast %jit3A_260 : i32 to vector<16xi32>
      %broadcast_in_dim3A_263 = vector.broadcast %jit3A_261 : i32 to vector<16xi32>
      %select_n3A_264 = arith.select %eq3A_259, %broadcast_in_dim3A_262, %broadcast_in_dim3A_263 : vector<16xi1>, vector<16xi32>
      %eq3A_265 = arith.cmpf oeq, %gather3A_125, %max3A_229 : vector<16xf32>
      %jit3A_266 = arith.constant 64 : i32
      %jit3A_267 = arith.constant 0 : i32
      %broadcast_in_dim3A_268 = vector.broadcast %jit3A_266 : i32 to vector<16xi32>
      %broadcast_in_dim3A_269 = vector.broadcast %jit3A_267 : i32 to vector<16xi32>
      %select_n3A_270 = arith.select %eq3A_265, %broadcast_in_dim3A_268, %broadcast_in_dim3A_269 : vector<16xi1>, vector<16xi32>
      %eq3A_271 = arith.cmpf oeq, %gather3A_135, %max3A_229 : vector<16xf32>
      %jit3A_272 = arith.constant 128 : i32
      %jit3A_273 = arith.constant 0 : i32
      %broadcast_in_dim3A_274 = vector.broadcast %jit3A_272 : i32 to vector<16xi32>
      %broadcast_in_dim3A_275 = vector.broadcast %jit3A_273 : i32 to vector<16xi32>
      %select_n3A_276 = arith.select %eq3A_271, %broadcast_in_dim3A_274, %broadcast_in_dim3A_275 : vector<16xi1>, vector<16xi32>
      %eq3A_277 = arith.cmpf oeq, %gather3A_145, %max3A_229 : vector<16xf32>
      %jit3A_278 = arith.constant 256 : i32
      %jit3A_279 = arith.constant 0 : i32
      %broadcast_in_dim3A_280 = vector.broadcast %jit3A_278 : i32 to vector<16xi32>
      %broadcast_in_dim3A_281 = vector.broadcast %jit3A_279 : i32 to vector<16xi32>
      %select_n3A_282 = arith.select %eq3A_277, %broadcast_in_dim3A_280, %broadcast_in_dim3A_281 : vector<16xi1>, vector<16xi32>
      %eq3A_283 = arith.cmpf oeq, %gather3A_155, %max3A_229 : vector<16xf32>
      %jit3A_284 = arith.constant 512 : i32
      %jit3A_285 = arith.constant 0 : i32
      %broadcast_in_dim3A_286 = vector.broadcast %jit3A_284 : i32 to vector<16xi32>
      %broadcast_in_dim3A_287 = vector.broadcast %jit3A_285 : i32 to vector<16xi32>
      %select_n3A_288 = arith.select %eq3A_283, %broadcast_in_dim3A_286, %broadcast_in_dim3A_287 : vector<16xi1>, vector<16xi32>
      %eq3A_289 = arith.cmpf oeq, %gather3A_165, %max3A_229 : vector<16xf32>
      %jit3A_290 = arith.constant 1024 : i32
      %jit3A_291 = arith.constant 0 : i32
      %broadcast_in_dim3A_292 = vector.broadcast %jit3A_290 : i32 to vector<16xi32>
      %broadcast_in_dim3A_293 = vector.broadcast %jit3A_291 : i32 to vector<16xi32>
      %select_n3A_294 = arith.select %eq3A_289, %broadcast_in_dim3A_292, %broadcast_in_dim3A_293 : vector<16xi1>, vector<16xi32>
      %eq3A_295 = arith.cmpf oeq, %gather3A_175, %max3A_229 : vector<16xf32>
      %jit3A_296 = arith.constant 2048 : i32
      %jit3A_297 = arith.constant 0 : i32
      %broadcast_in_dim3A_298 = vector.broadcast %jit3A_296 : i32 to vector<16xi32>
      %broadcast_in_dim3A_299 = vector.broadcast %jit3A_297 : i32 to vector<16xi32>
      %select_n3A_300 = arith.select %eq3A_295, %broadcast_in_dim3A_298, %broadcast_in_dim3A_299 : vector<16xi1>, vector<16xi32>
      %eq3A_301 = arith.cmpf oeq, %gather3A_185, %max3A_229 : vector<16xf32>
      %jit3A_302 = arith.constant 4096 : i32
      %jit3A_303 = arith.constant 0 : i32
      %broadcast_in_dim3A_304 = vector.broadcast %jit3A_302 : i32 to vector<16xi32>
      %broadcast_in_dim3A_305 = vector.broadcast %jit3A_303 : i32 to vector<16xi32>
      %select_n3A_306 = arith.select %eq3A_301, %broadcast_in_dim3A_304, %broadcast_in_dim3A_305 : vector<16xi1>, vector<16xi32>
      %eq3A_307 = arith.cmpf oeq, %gather3A_195, %max3A_229 : vector<16xf32>
      %jit3A_308 = arith.constant 8192 : i32
      %jit3A_309 = arith.constant 0 : i32
      %broadcast_in_dim3A_310 = vector.broadcast %jit3A_308 : i32 to vector<16xi32>
      %broadcast_in_dim3A_311 = vector.broadcast %jit3A_309 : i32 to vector<16xi32>
      %select_n3A_312 = arith.select %eq3A_307, %broadcast_in_dim3A_310, %broadcast_in_dim3A_311 : vector<16xi1>, vector<16xi32>
      %eq3A_313 = arith.cmpf oeq, %gather3A_205, %max3A_229 : vector<16xf32>
      %jit3A_314 = arith.constant 16384 : i32
      %jit3A_315 = arith.constant 0 : i32
      %broadcast_in_dim3A_316 = vector.broadcast %jit3A_314 : i32 to vector<16xi32>
      %broadcast_in_dim3A_317 = vector.broadcast %jit3A_315 : i32 to vector<16xi32>
      %select_n3A_318 = arith.select %eq3A_313, %broadcast_in_dim3A_316, %broadcast_in_dim3A_317 : vector<16xi1>, vector<16xi32>
      %eq3A_319 = arith.cmpf oeq, %gather3A_215, %max3A_229 : vector<16xf32>
      %jit3A_320 = arith.constant 32768 : i32
      %jit3A_321 = arith.constant 0 : i32
      %broadcast_in_dim3A_322 = vector.broadcast %jit3A_320 : i32 to vector<16xi32>
      %broadcast_in_dim3A_323 = vector.broadcast %jit3A_321 : i32 to vector<16xi32>
      %select_n3A_324 = arith.select %eq3A_319, %broadcast_in_dim3A_322, %broadcast_in_dim3A_323 : vector<16xi1>, vector<16xi32>
      %or3A = arith.ori %select_n3A_234, %select_n3A_240 : vector<16xi32>
      %or3A_325 = arith.ori %select_n3A_246, %select_n3A_252 : vector<16xi32>
      %or3A_326 = arith.ori %select_n3A_258, %select_n3A_264 : vector<16xi32>
      %or3A_327 = arith.ori %select_n3A_270, %select_n3A_276 : vector<16xi32>
      %or3A_328 = arith.ori %select_n3A_282, %select_n3A_288 : vector<16xi32>
      %or3A_329 = arith.ori %select_n3A_294, %select_n3A_300 : vector<16xi32>
      %or3A_330 = arith.ori %select_n3A_306, %select_n3A_312 : vector<16xi32>
      %or3A_331 = arith.ori %select_n3A_318, %select_n3A_324 : vector<16xi32>
      %or3A_332 = arith.ori %or3A, %or3A_325 : vector<16xi32>
      %or3A_333 = arith.ori %or3A_326, %or3A_327 : vector<16xi32>
      %or3A_334 = arith.ori %or3A_328, %or3A_329 : vector<16xi32>
      %or3A_335 = arith.ori %or3A_330, %or3A_331 : vector<16xi32>
      %or3A_336 = arith.ori %or3A_332, %or3A_333 : vector<16xi32>
      %or3A_337 = arith.ori %or3A_334, %or3A_335 : vector<16xi32>
      %or3A_338 = arith.ori %or3A_336, %or3A_337 : vector<16xi32>
      %shift_left3A = arith.shli %or3A_338, %iota3A : vector<16xi32>
      %sub3A_339 = arith.constant 16 : i32
      %sub3A_340 = vector.broadcast %sub3A_339 : i32 to vector<16xi32>
      %sub3A_341 = arith.subi %sub3A_340, %iota3A : vector<16xi32>
      %shift_right_arithmetic3A = arith.shrsi %or3A_338, %sub3A_341 : vector<16xi32>
      %or3A_342 = arith.ori %shift_left3A, %shift_right_arithmetic3A : vector<16xi32>
      %and3A_343 = arith.constant 65535 : i32
      %and3A_344 = vector.broadcast %and3A_343 : i32 to vector<16xi32>
      %and3A_345 = arith.andi %or3A_342, %and3A_344 : vector<16xi32>
      %neg3A = arith.constant 0 : i32
      %neg3A_346 = vector.broadcast %neg3A : i32 to vector<16xi32>
      %neg3A_347 = arith.subi %neg3A_346, %and3A_345 : vector<16xi32>
      %and3A_348 = arith.andi %and3A_345, %neg3A_347 : vector<16xi32>
      %convert_element_type3A = arith.sitofp %and3A_348 : vector<16xi32> to vector<16xf32>
      %bitcast3A = vector.bitcast %convert_element_type3A : vector<16xf32> to vector<16xi32>
      %shift_right_arithmetic3A_349 = arith.constant 23 : i32
      %shift_right_arithmetic3A_350 = vector.broadcast %shift_right_arithmetic3A_349 : i32 to vector<16xi32>
      %shift_right_arithmetic3A_351 = arith.shrsi %bitcast3A, %shift_right_arithmetic3A_350 : vector<16xi32>
      %sub3A_352 = arith.constant 127 : i32
      %sub3A_353 = vector.broadcast %sub3A_352 : i32 to vector<16xi32>
      %sub3A_354 = arith.subi %shift_right_arithmetic3A_351, %sub3A_353 : vector<16xi32>
      %add3A_355 = arith.constant 0 : i32
      %add3A_356 = vector.broadcast %add3A_355 : i32 to vector<16xi32>
      %add3A_357 = arith.addi %iota3A, %add3A_356 : vector<16xi32>
      %and3A_358 = arith.constant 15 : i32
      %and3A_359 = vector.broadcast %and3A_358 : i32 to vector<16xi32>
      %and3A_360 = arith.andi %add3A_357, %and3A_359 : vector<16xi32>
      %add3A_361 = arith.constant 20 : i32
      %add3A_362 = vector.broadcast %add3A_361 : i32 to vector<16xi32>
      %add3A_363 = arith.addi %add3A_362, %and3A_360 : vector<16xi32>
      %gather3A_364 = tpu.vector_load_idx %arg4[%add3A_56, %add3A_363] : memref<512x100xf32, #tpu.memory_space<vmem>>[vector<16xi32>, vector<16xi32>], vector<16xf32>,
      %add3A_365 = arith.constant 1 : i32
      %add3A_366 = vector.broadcast %add3A_365 : i32 to vector<16xi32>
      %add3A_367 = arith.addi %iota3A, %add3A_366 : vector<16xi32>
      %and3A_368 = arith.constant 15 : i32
      %and3A_369 = vector.broadcast %and3A_368 : i32 to vector<16xi32>
      %and3A_370 = arith.andi %add3A_367, %and3A_369 : vector<16xi32>
      %add3A_371 = arith.constant 20 : i32
      %add3A_372 = vector.broadcast %add3A_371 : i32 to vector<16xi32>
      %add3A_373 = arith.addi %add3A_372, %and3A_370 : vector<16xi32>
      %gather3A_374 = tpu.vector_load_idx %arg4[%add3A_56, %add3A_373] : memref<512x100xf32, #tpu.memory_space<vmem>>[vector<16xi32>, vector<16xi32>], vector<16xf32>,
      %add3A_375 = arith.constant 2 : i32
      %add3A_376 = vector.broadcast %add3A_375 : i32 to vector<16xi32>
      %add3A_377 = arith.addi %iota3A, %add3A_376 : vector<16xi32>
      %and3A_378 = arith.constant 15 : i32
      %and3A_379 = vector.broadcast %and3A_378 : i32 to vector<16xi32>
      %and3A_380 = arith.andi %add3A_377, %and3A_379 : vector<16xi32>
      %add3A_381 = arith.constant 20 : i32
      %add3A_382 = vector.broadcast %add3A_381 : i32 to vector<16xi32>
      %add3A_383 = arith.addi %add3A_382, %and3A_380 : vector<16xi32>
      %gather3A_384 = tpu.vector_load_idx %arg4[%add3A_56, %add3A_383] : memref<512x100xf32, #tpu.memory_space<vmem>>[vector<16xi32>, vector<16xi32>], vector<16xf32>,
      %add3A_385 = arith.constant 3 : i32
      %add3A_386 = vector.broadcast %add3A_385 : i32 to vector<16xi32>
      %add3A_387 = arith.addi %iota3A, %add3A_386 : vector<16xi32>
      %and3A_388 = arith.constant 15 : i32
      %and3A_389 = vector.broadcast %and3A_388 : i32 to vector<16xi32>
      %and3A_390 = arith.andi %add3A_387, %and3A_389 : vector<16xi32>
      %add3A_391 = arith.constant 20 : i32
      %add3A_392 = vector.broadcast %add3A_391 : i32 to vector<16xi32>
      %add3A_393 = arith.addi %add3A_392, %and3A_390 : vector<16xi32>
      %gather3A_394 = tpu.vector_load_idx %arg4[%add3A_56, %add3A_393] : memref<512x100xf32, #tpu.memory_space<vmem>>[vector<16xi32>, vector<16xi32>], vector<16xf32>,
      %add3A_395 = arith.constant 4 : i32
      %add3A_396 = vector.broadcast %add3A_395 : i32 to vector<16xi32>
      %add3A_397 = arith.addi %iota3A, %add3A_396 : vector<16xi32>
      %and3A_398 = arith.constant 15 : i32
      %and3A_399 = vector.broadcast %and3A_398 : i32 to vector<16xi32>
      %and3A_400 = arith.andi %add3A_397, %and3A_399 : vector<16xi32>
      %add3A_401 = arith.constant 20 : i32
      %add3A_402 = vector.broadcast %add3A_401 : i32 to vector<16xi32>
      %add3A_403 = arith.addi %add3A_402, %and3A_400 : vector<16xi32>
      %gather3A_404 = tpu.vector_load_idx %arg4[%add3A_56, %add3A_403] : memref<512x100xf32, #tpu.memory_space<vmem>>[vector<16xi32>, vector<16xi32>], vector<16xf32>,
      %add3A_405 = arith.constant 5 : i32
      %add3A_406 = vector.broadcast %add3A_405 : i32 to vector<16xi32>
      %add3A_407 = arith.addi %iota3A, %add3A_406 : vector<16xi32>
      %and3A_408 = arith.constant 15 : i32
      %and3A_409 = vector.broadcast %and3A_408 : i32 to vector<16xi32>
      %and3A_410 = arith.andi %add3A_407, %and3A_409 : vector<16xi32>
      %add3A_411 = arith.constant 20 : i32
      %add3A_412 = vector.broadcast %add3A_411 : i32 to vector<16xi32>
      %add3A_413 = arith.addi %add3A_412, %and3A_410 : vector<16xi32>
      %gather3A_414 = tpu.vector_load_idx %arg4[%add3A_56, %add3A_413] : memref<512x100xf32, #tpu.memory_space<vmem>>[vector<16xi32>, vector<16xi32>], vector<16xf32>,
      %add3A_415 = arith.constant 6 : i32
      %add3A_416 = vector.broadcast %add3A_415 : i32 to vector<16xi32>
      %add3A_417 = arith.addi %iota3A, %add3A_416 : vector<16xi32>
      %and3A_418 = arith.constant 15 : i32
      %and3A_419 = vector.broadcast %and3A_418 : i32 to vector<16xi32>
      %and3A_420 = arith.andi %add3A_417, %and3A_419 : vector<16xi32>
      %add3A_421 = arith.constant 20 : i32
      %add3A_422 = vector.broadcast %add3A_421 : i32 to vector<16xi32>
      %add3A_423 = arith.addi %add3A_422, %and3A_420 : vector<16xi32>
      %gather3A_424 = tpu.vector_load_idx %arg4[%add3A_56, %add3A_423] : memref<512x100xf32, #tpu.memory_space<vmem>>[vector<16xi32>, vector<16xi32>], vector<16xf32>,
      %add3A_425 = arith.constant 7 : i32
      %add3A_426 = vector.broadcast %add3A_425 : i32 to vector<16xi32>
      %add3A_427 = arith.addi %iota3A, %add3A_426 : vector<16xi32>
      %and3A_428 = arith.constant 15 : i32
      %and3A_429 = vector.broadcast %and3A_428 : i32 to vector<16xi32>
      %and3A_430 = arith.andi %add3A_427, %and3A_429 : vector<16xi32>
      %add3A_431 = arith.constant 20 : i32
      %add3A_432 = vector.broadcast %add3A_431 : i32 to vector<16xi32>
      %add3A_433 = arith.addi %add3A_432, %and3A_430 : vector<16xi32>
      %gather3A_434 = tpu.vector_load_idx %arg4[%add3A_56, %add3A_433] : memref<512x100xf32, #tpu.memory_space<vmem>>[vector<16xi32>, vector<16xi32>], vector<16xf32>,
      %add3A_435 = arith.constant 8 : i32
      %add3A_436 = vector.broadcast %add3A_435 : i32 to vector<16xi32>
      %add3A_437 = arith.addi %iota3A, %add3A_436 : vector<16xi32>
      %and3A_438 = arith.constant 15 : i32
      %and3A_439 = vector.broadcast %and3A_438 : i32 to vector<16xi32>
      %and3A_440 = arith.andi %add3A_437, %and3A_439 : vector<16xi32>
      %add3A_441 = arith.constant 20 : i32
      %add3A_442 = vector.broadcast %add3A_441 : i32 to vector<16xi32>
      %add3A_443 = arith.addi %add3A_442, %and3A_440 : vector<16xi32>
      %gather3A_444 = tpu.vector_load_idx %arg4[%add3A_56, %add3A_443] : memref<512x100xf32, #tpu.memory_space<vmem>>[vector<16xi32>, vector<16xi32>], vector<16xf32>,
      %add3A_445 = arith.constant 9 : i32
      %add3A_446 = vector.broadcast %add3A_445 : i32 to vector<16xi32>
      %add3A_447 = arith.addi %iota3A, %add3A_446 : vector<16xi32>
      %and3A_448 = arith.constant 15 : i32
      %and3A_449 = vector.broadcast %and3A_448 : i32 to vector<16xi32>
      %and3A_450 = arith.andi %add3A_447, %and3A_449 : vector<16xi32>
      %add3A_451 = arith.constant 20 : i32
      %add3A_452 = vector.broadcast %add3A_451 : i32 to vector<16xi32>
      %add3A_453 = arith.addi %add3A_452, %and3A_450 : vector<16xi32>
      %gather3A_454 = tpu.vector_load_idx %arg4[%add3A_56, %add3A_453] : memref<512x100xf32, #tpu.memory_space<vmem>>[vector<16xi32>, vector<16xi32>], vector<16xf32>,
      %add3A_455 = arith.constant 10 : i32
      %add3A_456 = vector.broadcast %add3A_455 : i32 to vector<16xi32>
      %add3A_457 = arith.addi %iota3A, %add3A_456 : vector<16xi32>
      %and3A_458 = arith.constant 15 : i32
      %and3A_459 = vector.broadcast %and3A_458 : i32 to vector<16xi32>
      %and3A_460 = arith.andi %add3A_457, %and3A_459 : vector<16xi32>
      %add3A_461 = arith.constant 20 : i32
      %add3A_462 = vector.broadcast %add3A_461 : i32 to vector<16xi32>
      %add3A_463 = arith.addi %add3A_462, %and3A_460 : vector<16xi32>
      %gather3A_464 = tpu.vector_load_idx %arg4[%add3A_56, %add3A_463] : memref<512x100xf32, #tpu.memory_space<vmem>>[vector<16xi32>, vector<16xi32>], vector<16xf32>,
      %add3A_465 = arith.constant 11 : i32
      %add3A_466 = vector.broadcast %add3A_465 : i32 to vector<16xi32>
      %add3A_467 = arith.addi %iota3A, %add3A_466 : vector<16xi32>
      %and3A_468 = arith.constant 15 : i32
      %and3A_469 = vector.broadcast %and3A_468 : i32 to vector<16xi32>
      %and3A_470 = arith.andi %add3A_467, %and3A_469 : vector<16xi32>
      %add3A_471 = arith.constant 20 : i32
      %add3A_472 = vector.broadcast %add3A_471 : i32 to vector<16xi32>
      %add3A_473 = arith.addi %add3A_472, %and3A_470 : vector<16xi32>
      %gather3A_474 = tpu.vector_load_idx %arg4[%add3A_56, %add3A_473] : memref<512x100xf32, #tpu.memory_space<vmem>>[vector<16xi32>, vector<16xi32>], vector<16xf32>,
      %add3A_475 = arith.constant 12 : i32
      %add3A_476 = vector.broadcast %add3A_475 : i32 to vector<16xi32>
      %add3A_477 = arith.addi %iota3A, %add3A_476 : vector<16xi32>
      %and3A_478 = arith.constant 15 : i32
      %and3A_479 = vector.broadcast %and3A_478 : i32 to vector<16xi32>
      %and3A_480 = arith.andi %add3A_477, %and3A_479 : vector<16xi32>
      %add3A_481 = arith.constant 20 : i32
      %add3A_482 = vector.broadcast %add3A_481 : i32 to vector<16xi32>
      %add3A_483 = arith.addi %add3A_482, %and3A_480 : vector<16xi32>
      %gather3A_484 = tpu.vector_load_idx %arg4[%add3A_56, %add3A_483] : memref<512x100xf32, #tpu.memory_space<vmem>>[vector<16xi32>, vector<16xi32>], vector<16xf32>,
      %add3A_485 = arith.constant 13 : i32
      %add3A_486 = vector.broadcast %add3A_485 : i32 to vector<16xi32>
      %add3A_487 = arith.addi %iota3A, %add3A_486 : vector<16xi32>
      %and3A_488 = arith.constant 15 : i32
      %and3A_489 = vector.broadcast %and3A_488 : i32 to vector<16xi32>
      %and3A_490 = arith.andi %add3A_487, %and3A_489 : vector<16xi32>
      %add3A_491 = arith.constant 20 : i32
      %add3A_492 = vector.broadcast %add3A_491 : i32 to vector<16xi32>
      %add3A_493 = arith.addi %add3A_492, %and3A_490 : vector<16xi32>
      %gather3A_494 = tpu.vector_load_idx %arg4[%add3A_56, %add3A_493] : memref<512x100xf32, #tpu.memory_space<vmem>>[vector<16xi32>, vector<16xi32>], vector<16xf32>,
      %add3A_495 = arith.constant 14 : i32
      %add3A_496 = vector.broadcast %add3A_495 : i32 to vector<16xi32>
      %add3A_497 = arith.addi %iota3A, %add3A_496 : vector<16xi32>
      %and3A_498 = arith.constant 15 : i32
      %and3A_499 = vector.broadcast %and3A_498 : i32 to vector<16xi32>
      %and3A_500 = arith.andi %add3A_497, %and3A_499 : vector<16xi32>
      %add3A_501 = arith.constant 20 : i32
      %add3A_502 = vector.broadcast %add3A_501 : i32 to vector<16xi32>
      %add3A_503 = arith.addi %add3A_502, %and3A_500 : vector<16xi32>
      %gather3A_504 = tpu.vector_load_idx %arg4[%add3A_56, %add3A_503] : memref<512x100xf32, #tpu.memory_space<vmem>>[vector<16xi32>, vector<16xi32>], vector<16xf32>,
      %add3A_505 = arith.constant 15 : i32
      %add3A_506 = vector.broadcast %add3A_505 : i32 to vector<16xi32>
      %add3A_507 = arith.addi %iota3A, %add3A_506 : vector<16xi32>
      %and3A_508 = arith.constant 15 : i32
      %and3A_509 = vector.broadcast %and3A_508 : i32 to vector<16xi32>
      %and3A_510 = arith.andi %add3A_507, %and3A_509 : vector<16xi32>
      %add3A_511 = arith.constant 20 : i32
      %add3A_512 = vector.broadcast %add3A_511 : i32 to vector<16xi32>
      %add3A_513 = arith.addi %add3A_512, %and3A_510 : vector<16xi32>
      %gather3A_514 = tpu.vector_load_idx %arg4[%add3A_56, %add3A_513] : memref<512x100xf32, #tpu.memory_space<vmem>>[vector<16xi32>, vector<16xi32>], vector<16xf32>,
      %max3A_515 = arith.maximumf %gather3A_364, %gather3A_374 : vector<16xf32>
      %max3A_516 = arith.maximumf %gather3A_384, %gather3A_394 : vector<16xf32>
      %max3A_517 = arith.maximumf %gather3A_404, %gather3A_414 : vector<16xf32>
      %max3A_518 = arith.maximumf %gather3A_424, %gather3A_434 : vector<16xf32>
      %max3A_519 = arith.maximumf %gather3A_444, %gather3A_454 : vector<16xf32>
      %max3A_520 = arith.maximumf %gather3A_464, %gather3A_474 : vector<16xf32>
      %max3A_521 = arith.maximumf %gather3A_484, %gather3A_494 : vector<16xf32>
      %max3A_522 = arith.maximumf %gather3A_504, %gather3A_514 : vector<16xf32>
      %max3A_523 = arith.maximumf %max3A_515, %max3A_516 : vector<16xf32>
      %max3A_524 = arith.maximumf %max3A_517, %max3A_518 : vector<16xf32>
      %max3A_525 = arith.maximumf %max3A_519, %max3A_520 : vector<16xf32>
      %max3A_526 = arith.maximumf %max3A_521, %max3A_522 : vector<16xf32>
      %max3A_527 = arith.maximumf %max3A_523, %max3A_524 : vector<16xf32>
      %max3A_528 = arith.maximumf %max3A_525, %max3A_526 : vector<16xf32>
      %max3A_529 = arith.maximumf %max3A_527, %max3A_528 : vector<16xf32>
      %eq3A_530 = arith.cmpf oeq, %gather3A_364, %max3A_529 : vector<16xf32>
      %jit3A_531 = arith.constant 1 : i32
      %jit3A_532 = arith.constant 0 : i32
      %broadcast_in_dim3A_533 = vector.broadcast %jit3A_531 : i32 to vector<16xi32>
      %broadcast_in_dim3A_534 = vector.broadcast %jit3A_532 : i32 to vector<16xi32>
      %select_n3A_535 = arith.select %eq3A_530, %broadcast_in_dim3A_533, %broadcast_in_dim3A_534 : vector<16xi1>, vector<16xi32>
      %eq3A_536 = arith.cmpf oeq, %gather3A_374, %max3A_529 : vector<16xf32>
      %jit3A_537 = arith.constant 2 : i32
      %jit3A_538 = arith.constant 0 : i32
      %broadcast_in_dim3A_539 = vector.broadcast %jit3A_537 : i32 to vector<16xi32>
      %broadcast_in_dim3A_540 = vector.broadcast %jit3A_538 : i32 to vector<16xi32>
      %select_n3A_541 = arith.select %eq3A_536, %broadcast_in_dim3A_539, %broadcast_in_dim3A_540 : vector<16xi1>, vector<16xi32>
      %eq3A_542 = arith.cmpf oeq, %gather3A_384, %max3A_529 : vector<16xf32>
      %jit3A_543 = arith.constant 4 : i32
      %jit3A_544 = arith.constant 0 : i32
      %broadcast_in_dim3A_545 = vector.broadcast %jit3A_543 : i32 to vector<16xi32>
      %broadcast_in_dim3A_546 = vector.broadcast %jit3A_544 : i32 to vector<16xi32>
      %select_n3A_547 = arith.select %eq3A_542, %broadcast_in_dim3A_545, %broadcast_in_dim3A_546 : vector<16xi1>, vector<16xi32>
      %eq3A_548 = arith.cmpf oeq, %gather3A_394, %max3A_529 : vector<16xf32>
      %jit3A_549 = arith.constant 8 : i32
      %jit3A_550 = arith.constant 0 : i32
      %broadcast_in_dim3A_551 = vector.broadcast %jit3A_549 : i32 to vector<16xi32>
      %broadcast_in_dim3A_552 = vector.broadcast %jit3A_550 : i32 to vector<16xi32>
      %select_n3A_553 = arith.select %eq3A_548, %broadcast_in_dim3A_551, %broadcast_in_dim3A_552 : vector<16xi1>, vector<16xi32>
      %eq3A_554 = arith.cmpf oeq, %gather3A_404, %max3A_529 : vector<16xf32>
      %jit3A_555 = arith.constant 16 : i32
      %jit3A_556 = arith.constant 0 : i32
      %broadcast_in_dim3A_557 = vector.broadcast %jit3A_555 : i32 to vector<16xi32>
      %broadcast_in_dim3A_558 = vector.broadcast %jit3A_556 : i32 to vector<16xi32>
      %select_n3A_559 = arith.select %eq3A_554, %broadcast_in_dim3A_557, %broadcast_in_dim3A_558 : vector<16xi1>, vector<16xi32>
      %eq3A_560 = arith.cmpf oeq, %gather3A_414, %max3A_529 : vector<16xf32>
      %jit3A_561 = arith.constant 32 : i32
      %jit3A_562 = arith.constant 0 : i32
      %broadcast_in_dim3A_563 = vector.broadcast %jit3A_561 : i32 to vector<16xi32>
      %broadcast_in_dim3A_564 = vector.broadcast %jit3A_562 : i32 to vector<16xi32>
      %select_n3A_565 = arith.select %eq3A_560, %broadcast_in_dim3A_563, %broadcast_in_dim3A_564 : vector<16xi1>, vector<16xi32>
      %eq3A_566 = arith.cmpf oeq, %gather3A_424, %max3A_529 : vector<16xf32>
      %jit3A_567 = arith.constant 64 : i32
      %jit3A_568 = arith.constant 0 : i32
      %broadcast_in_dim3A_569 = vector.broadcast %jit3A_567 : i32 to vector<16xi32>
      %broadcast_in_dim3A_570 = vector.broadcast %jit3A_568 : i32 to vector<16xi32>
      %select_n3A_571 = arith.select %eq3A_566, %broadcast_in_dim3A_569, %broadcast_in_dim3A_570 : vector<16xi1>, vector<16xi32>
      %eq3A_572 = arith.cmpf oeq, %gather3A_434, %max3A_529 : vector<16xf32>
      %jit3A_573 = arith.constant 128 : i32
      %jit3A_574 = arith.constant 0 : i32
      %broadcast_in_dim3A_575 = vector.broadcast %jit3A_573 : i32 to vector<16xi32>
      %broadcast_in_dim3A_576 = vector.broadcast %jit3A_574 : i32 to vector<16xi32>
      %select_n3A_577 = arith.select %eq3A_572, %broadcast_in_dim3A_575, %broadcast_in_dim3A_576 : vector<16xi1>, vector<16xi32>
      %eq3A_578 = arith.cmpf oeq, %gather3A_444, %max3A_529 : vector<16xf32>
      %jit3A_579 = arith.constant 256 : i32
      %jit3A_580 = arith.constant 0 : i32
      %broadcast_in_dim3A_581 = vector.broadcast %jit3A_579 : i32 to vector<16xi32>
      %broadcast_in_dim3A_582 = vector.broadcast %jit3A_580 : i32 to vector<16xi32>
      %select_n3A_583 = arith.select %eq3A_578, %broadcast_in_dim3A_581, %broadcast_in_dim3A_582 : vector<16xi1>, vector<16xi32>
      %eq3A_584 = arith.cmpf oeq, %gather3A_454, %max3A_529 : vector<16xf32>
      %jit3A_585 = arith.constant 512 : i32
      %jit3A_586 = arith.constant 0 : i32
      %broadcast_in_dim3A_587 = vector.broadcast %jit3A_585 : i32 to vector<16xi32>
      %broadcast_in_dim3A_588 = vector.broadcast %jit3A_586 : i32 to vector<16xi32>
      %select_n3A_589 = arith.select %eq3A_584, %broadcast_in_dim3A_587, %broadcast_in_dim3A_588 : vector<16xi1>, vector<16xi32>
      %eq3A_590 = arith.cmpf oeq, %gather3A_464, %max3A_529 : vector<16xf32>
      %jit3A_591 = arith.constant 1024 : i32
      %jit3A_592 = arith.constant 0 : i32
      %broadcast_in_dim3A_593 = vector.broadcast %jit3A_591 : i32 to vector<16xi32>
      %broadcast_in_dim3A_594 = vector.broadcast %jit3A_592 : i32 to vector<16xi32>
      %select_n3A_595 = arith.select %eq3A_590, %broadcast_in_dim3A_593, %broadcast_in_dim3A_594 : vector<16xi1>, vector<16xi32>
      %eq3A_596 = arith.cmpf oeq, %gather3A_474, %max3A_529 : vector<16xf32>
      %jit3A_597 = arith.constant 2048 : i32
      %jit3A_598 = arith.constant 0 : i32
      %broadcast_in_dim3A_599 = vector.broadcast %jit3A_597 : i32 to vector<16xi32>
      %broadcast_in_dim3A_600 = vector.broadcast %jit3A_598 : i32 to vector<16xi32>
      %select_n3A_601 = arith.select %eq3A_596, %broadcast_in_dim3A_599, %broadcast_in_dim3A_600 : vector<16xi1>, vector<16xi32>
      %eq3A_602 = arith.cmpf oeq, %gather3A_484, %max3A_529 : vector<16xf32>
      %jit3A_603 = arith.constant 4096 : i32
      %jit3A_604 = arith.constant 0 : i32
      %broadcast_in_dim3A_605 = vector.broadcast %jit3A_603 : i32 to vector<16xi32>
      %broadcast_in_dim3A_606 = vector.broadcast %jit3A_604 : i32 to vector<16xi32>
      %select_n3A_607 = arith.select %eq3A_602, %broadcast_in_dim3A_605, %broadcast_in_dim3A_606 : vector<16xi1>, vector<16xi32>
      %eq3A_608 = arith.cmpf oeq, %gather3A_494, %max3A_529 : vector<16xf32>
      %jit3A_609 = arith.constant 8192 : i32
      %jit3A_610 = arith.constant 0 : i32
      %broadcast_in_dim3A_611 = vector.broadcast %jit3A_609 : i32 to vector<16xi32>
      %broadcast_in_dim3A_612 = vector.broadcast %jit3A_610 : i32 to vector<16xi32>
      %select_n3A_613 = arith.select %eq3A_608, %broadcast_in_dim3A_611, %broadcast_in_dim3A_612 : vector<16xi1>, vector<16xi32>
      %eq3A_614 = arith.cmpf oeq, %gather3A_504, %max3A_529 : vector<16xf32>
      %jit3A_615 = arith.constant 16384 : i32
      %jit3A_616 = arith.constant 0 : i32
      %broadcast_in_dim3A_617 = vector.broadcast %jit3A_615 : i32 to vector<16xi32>
      %broadcast_in_dim3A_618 = vector.broadcast %jit3A_616 : i32 to vector<16xi32>
      %select_n3A_619 = arith.select %eq3A_614, %broadcast_in_dim3A_617, %broadcast_in_dim3A_618 : vector<16xi1>, vector<16xi32>
      %eq3A_620 = arith.cmpf oeq, %gather3A_514, %max3A_529 : vector<16xf32>
      %jit3A_621 = arith.constant 32768 : i32
      %jit3A_622 = arith.constant 0 : i32
      %broadcast_in_dim3A_623 = vector.broadcast %jit3A_621 : i32 to vector<16xi32>
      %broadcast_in_dim3A_624 = vector.broadcast %jit3A_622 : i32 to vector<16xi32>
      %select_n3A_625 = arith.select %eq3A_620, %broadcast_in_dim3A_623, %broadcast_in_dim3A_624 : vector<16xi1>, vector<16xi32>
      %or3A_626 = arith.ori %select_n3A_535, %select_n3A_541 : vector<16xi32>
      %or3A_627 = arith.ori %select_n3A_547, %select_n3A_553 : vector<16xi32>
      %or3A_628 = arith.ori %select_n3A_559, %select_n3A_565 : vector<16xi32>
      %or3A_629 = arith.ori %select_n3A_571, %select_n3A_577 : vector<16xi32>
      %or3A_630 = arith.ori %select_n3A_583, %select_n3A_589 : vector<16xi32>
      %or3A_631 = arith.ori %select_n3A_595, %select_n3A_601 : vector<16xi32>
      %or3A_632 = arith.ori %select_n3A_607, %select_n3A_613 : vector<16xi32>
      %or3A_633 = arith.ori %select_n3A_619, %select_n3A_625 : vector<16xi32>
      %or3A_634 = arith.ori %or3A_626, %or3A_627 : vector<16xi32>
      %or3A_635 = arith.ori %or3A_628, %or3A_629 : vector<16xi32>
      %or3A_636 = arith.ori %or3A_630, %or3A_631 : vector<16xi32>
      %or3A_637 = arith.ori %or3A_632, %or3A_633 : vector<16xi32>
      %or3A_638 = arith.ori %or3A_634, %or3A_635 : vector<16xi32>
      %or3A_639 = arith.ori %or3A_636, %or3A_637 : vector<16xi32>
      %or3A_640 = arith.ori %or3A_638, %or3A_639 : vector<16xi32>
      %shift_left3A_641 = arith.shli %or3A_640, %iota3A : vector<16xi32>
      %sub3A_642 = arith.constant 16 : i32
      %sub3A_643 = vector.broadcast %sub3A_642 : i32 to vector<16xi32>
      %sub3A_644 = arith.subi %sub3A_643, %iota3A : vector<16xi32>
      %shift_right_arithmetic3A_645 = arith.shrsi %or3A_640, %sub3A_644 : vector<16xi32>
      %or3A_646 = arith.ori %shift_left3A_641, %shift_right_arithmetic3A_645 : vector<16xi32>
      %and3A_647 = arith.constant 65535 : i32
      %and3A_648 = vector.broadcast %and3A_647 : i32 to vector<16xi32>
      %and3A_649 = arith.andi %or3A_646, %and3A_648 : vector<16xi32>
      %neg3A_650 = arith.constant 0 : i32
      %neg3A_651 = vector.broadcast %neg3A_650 : i32 to vector<16xi32>
      %neg3A_652 = arith.subi %neg3A_651, %and3A_649 : vector<16xi32>
      %and3A_653 = arith.andi %and3A_649, %neg3A_652 : vector<16xi32>
      %convert_element_type3A_654 = arith.sitofp %and3A_653 : vector<16xi32> to vector<16xf32>
      %bitcast3A_655 = vector.bitcast %convert_element_type3A_654 : vector<16xf32> to vector<16xi32>
      %shift_right_arithmetic3A_656 = arith.constant 23 : i32
      %shift_right_arithmetic3A_657 = vector.broadcast %shift_right_arithmetic3A_656 : i32 to vector<16xi32>
      %shift_right_arithmetic3A_658 = arith.shrsi %bitcast3A_655, %shift_right_arithmetic3A_657 : vector<16xi32>
      %sub3A_659 = arith.constant 127 : i32
      %sub3A_660 = vector.broadcast %sub3A_659 : i32 to vector<16xi32>
      %sub3A_661 = arith.subi %shift_right_arithmetic3A_658, %sub3A_660 : vector<16xi32>
      %shift_left3A_662 = arith.constant 4 : i32
      %shift_left3A_663 = vector.broadcast %shift_left3A_662 : i32 to vector<16xi32>
      %shift_left3A_664 = arith.shli %sub3A_661, %shift_left3A_663 : vector<16xi32>
      %or3A_665 = arith.ori %sub3A_354, %shift_left3A_664 : vector<16xi32>
      %add3A_666 = arith.constant 0 : i32
      %add3A_667 = vector.broadcast %add3A_666 : i32 to vector<16xi32>
      %add3A_668 = arith.addi %iota3A, %add3A_667 : vector<16xi32>
      %and3A_669 = arith.constant 15 : i32
      %and3A_670 = vector.broadcast %and3A_669 : i32 to vector<16xi32>
      %and3A_671 = arith.andi %add3A_668, %and3A_670 : vector<16xi32>
      %add3A_672 = arith.constant 36 : i32
      %add3A_673 = vector.broadcast %add3A_672 : i32 to vector<16xi32>
      %add3A_674 = arith.addi %add3A_673, %and3A_671 : vector<16xi32>
      %gather3A_675 = tpu.vector_load_idx %arg4[%add3A_56, %add3A_674] : memref<512x100xf32, #tpu.memory_space<vmem>>[vector<16xi32>, vector<16xi32>], vector<16xf32>,
      %add3A_676 = arith.constant 1 : i32
      %add3A_677 = vector.broadcast %add3A_676 : i32 to vector<16xi32>
      %add3A_678 = arith.addi %iota3A, %add3A_677 : vector<16xi32>
      %and3A_679 = arith.constant 15 : i32
      %and3A_680 = vector.broadcast %and3A_679 : i32 to vector<16xi32>
      %and3A_681 = arith.andi %add3A_678, %and3A_680 : vector<16xi32>
      %add3A_682 = arith.constant 36 : i32
      %add3A_683 = vector.broadcast %add3A_682 : i32 to vector<16xi32>
      %add3A_684 = arith.addi %add3A_683, %and3A_681 : vector<16xi32>
      %gather3A_685 = tpu.vector_load_idx %arg4[%add3A_56, %add3A_684] : memref<512x100xf32, #tpu.memory_space<vmem>>[vector<16xi32>, vector<16xi32>], vector<16xf32>,
      %add3A_686 = arith.constant 2 : i32
      %add3A_687 = vector.broadcast %add3A_686 : i32 to vector<16xi32>
      %add3A_688 = arith.addi %iota3A, %add3A_687 : vector<16xi32>
      %and3A_689 = arith.constant 15 : i32
      %and3A_690 = vector.broadcast %and3A_689 : i32 to vector<16xi32>
      %and3A_691 = arith.andi %add3A_688, %and3A_690 : vector<16xi32>
      %add3A_692 = arith.constant 36 : i32
      %add3A_693 = vector.broadcast %add3A_692 : i32 to vector<16xi32>
      %add3A_694 = arith.addi %add3A_693, %and3A_691 : vector<16xi32>
      %gather3A_695 = tpu.vector_load_idx %arg4[%add3A_56, %add3A_694] : memref<512x100xf32, #tpu.memory_space<vmem>>[vector<16xi32>, vector<16xi32>], vector<16xf32>,
      %add3A_696 = arith.constant 3 : i32
      %add3A_697 = vector.broadcast %add3A_696 : i32 to vector<16xi32>
      %add3A_698 = arith.addi %iota3A, %add3A_697 : vector<16xi32>
      %and3A_699 = arith.constant 15 : i32
      %and3A_700 = vector.broadcast %and3A_699 : i32 to vector<16xi32>
      %and3A_701 = arith.andi %add3A_698, %and3A_700 : vector<16xi32>
      %add3A_702 = arith.constant 36 : i32
      %add3A_703 = vector.broadcast %add3A_702 : i32 to vector<16xi32>
      %add3A_704 = arith.addi %add3A_703, %and3A_701 : vector<16xi32>
      %gather3A_705 = tpu.vector_load_idx %arg4[%add3A_56, %add3A_704] : memref<512x100xf32, #tpu.memory_space<vmem>>[vector<16xi32>, vector<16xi32>], vector<16xf32>,
      %add3A_706 = arith.constant 4 : i32
      %add3A_707 = vector.broadcast %add3A_706 : i32 to vector<16xi32>
      %add3A_708 = arith.addi %iota3A, %add3A_707 : vector<16xi32>
      %and3A_709 = arith.constant 15 : i32
      %and3A_710 = vector.broadcast %and3A_709 : i32 to vector<16xi32>
      %and3A_711 = arith.andi %add3A_708, %and3A_710 : vector<16xi32>
      %add3A_712 = arith.constant 36 : i32
      %add3A_713 = vector.broadcast %add3A_712 : i32 to vector<16xi32>
      %add3A_714 = arith.addi %add3A_713, %and3A_711 : vector<16xi32>
      %gather3A_715 = tpu.vector_load_idx %arg4[%add3A_56, %add3A_714] : memref<512x100xf32, #tpu.memory_space<vmem>>[vector<16xi32>, vector<16xi32>], vector<16xf32>,
      %add3A_716 = arith.constant 5 : i32
      %add3A_717 = vector.broadcast %add3A_716 : i32 to vector<16xi32>
      %add3A_718 = arith.addi %iota3A, %add3A_717 : vector<16xi32>
      %and3A_719 = arith.constant 15 : i32
      %and3A_720 = vector.broadcast %and3A_719 : i32 to vector<16xi32>
      %and3A_721 = arith.andi %add3A_718, %and3A_720 : vector<16xi32>
      %add3A_722 = arith.constant 36 : i32
      %add3A_723 = vector.broadcast %add3A_722 : i32 to vector<16xi32>
      %add3A_724 = arith.addi %add3A_723, %and3A_721 : vector<16xi32>
      %gather3A_725 = tpu.vector_load_idx %arg4[%add3A_56, %add3A_724] : memref<512x100xf32, #tpu.memory_space<vmem>>[vector<16xi32>, vector<16xi32>], vector<16xf32>,
      %add3A_726 = arith.constant 6 : i32
      %add3A_727 = vector.broadcast %add3A_726 : i32 to vector<16xi32>
      %add3A_728 = arith.addi %iota3A, %add3A_727 : vector<16xi32>
      %and3A_729 = arith.constant 15 : i32
      %and3A_730 = vector.broadcast %and3A_729 : i32 to vector<16xi32>
      %and3A_731 = arith.andi %add3A_728, %and3A_730 : vector<16xi32>
      %add3A_732 = arith.constant 36 : i32
      %add3A_733 = vector.broadcast %add3A_732 : i32 to vector<16xi32>
      %add3A_734 = arith.addi %add3A_733, %and3A_731 : vector<16xi32>
      %gather3A_735 = tpu.vector_load_idx %arg4[%add3A_56, %add3A_734] : memref<512x100xf32, #tpu.memory_space<vmem>>[vector<16xi32>, vector<16xi32>], vector<16xf32>,
      %add3A_736 = arith.constant 7 : i32
      %add3A_737 = vector.broadcast %add3A_736 : i32 to vector<16xi32>
      %add3A_738 = arith.addi %iota3A, %add3A_737 : vector<16xi32>
      %and3A_739 = arith.constant 15 : i32
      %and3A_740 = vector.broadcast %and3A_739 : i32 to vector<16xi32>
      %and3A_741 = arith.andi %add3A_738, %and3A_740 : vector<16xi32>
      %add3A_742 = arith.constant 36 : i32
      %add3A_743 = vector.broadcast %add3A_742 : i32 to vector<16xi32>
      %add3A_744 = arith.addi %add3A_743, %and3A_741 : vector<16xi32>
      %gather3A_745 = tpu.vector_load_idx %arg4[%add3A_56, %add3A_744] : memref<512x100xf32, #tpu.memory_space<vmem>>[vector<16xi32>, vector<16xi32>], vector<16xf32>,
      %add3A_746 = arith.constant 8 : i32
      %add3A_747 = vector.broadcast %add3A_746 : i32 to vector<16xi32>
      %add3A_748 = arith.addi %iota3A, %add3A_747 : vector<16xi32>
      %and3A_749 = arith.constant 15 : i32
      %and3A_750 = vector.broadcast %and3A_749 : i32 to vector<16xi32>
      %and3A_751 = arith.andi %add3A_748, %and3A_750 : vector<16xi32>
      %add3A_752 = arith.constant 36 : i32
      %add3A_753 = vector.broadcast %add3A_752 : i32 to vector<16xi32>
      %add3A_754 = arith.addi %add3A_753, %and3A_751 : vector<16xi32>
      %gather3A_755 = tpu.vector_load_idx %arg4[%add3A_56, %add3A_754] : memref<512x100xf32, #tpu.memory_space<vmem>>[vector<16xi32>, vector<16xi32>], vector<16xf32>,
      %add3A_756 = arith.constant 9 : i32
      %add3A_757 = vector.broadcast %add3A_756 : i32 to vector<16xi32>
      %add3A_758 = arith.addi %iota3A, %add3A_757 : vector<16xi32>
      %and3A_759 = arith.constant 15 : i32
      %and3A_760 = vector.broadcast %and3A_759 : i32 to vector<16xi32>
      %and3A_761 = arith.andi %add3A_758, %and3A_760 : vector<16xi32>
      %add3A_762 = arith.constant 36 : i32
      %add3A_763 = vector.broadcast %add3A_762 : i32 to vector<16xi32>
      %add3A_764 = arith.addi %add3A_763, %and3A_761 : vector<16xi32>
      %gather3A_765 = tpu.vector_load_idx %arg4[%add3A_56, %add3A_764] : memref<512x100xf32, #tpu.memory_space<vmem>>[vector<16xi32>, vector<16xi32>], vector<16xf32>,
      %add3A_766 = arith.constant 10 : i32
      %add3A_767 = vector.broadcast %add3A_766 : i32 to vector<16xi32>
      %add3A_768 = arith.addi %iota3A, %add3A_767 : vector<16xi32>
      %and3A_769 = arith.constant 15 : i32
      %and3A_770 = vector.broadcast %and3A_769 : i32 to vector<16xi32>
      %and3A_771 = arith.andi %add3A_768, %and3A_770 : vector<16xi32>
      %add3A_772 = arith.constant 36 : i32
      %add3A_773 = vector.broadcast %add3A_772 : i32 to vector<16xi32>
      %add3A_774 = arith.addi %add3A_773, %and3A_771 : vector<16xi32>
      %gather3A_775 = tpu.vector_load_idx %arg4[%add3A_56, %add3A_774] : memref<512x100xf32, #tpu.memory_space<vmem>>[vector<16xi32>, vector<16xi32>], vector<16xf32>,
      %add3A_776 = arith.constant 11 : i32
      %add3A_777 = vector.broadcast %add3A_776 : i32 to vector<16xi32>
      %add3A_778 = arith.addi %iota3A, %add3A_777 : vector<16xi32>
      %and3A_779 = arith.constant 15 : i32
      %and3A_780 = vector.broadcast %and3A_779 : i32 to vector<16xi32>
      %and3A_781 = arith.andi %add3A_778, %and3A_780 : vector<16xi32>
      %add3A_782 = arith.constant 36 : i32
      %add3A_783 = vector.broadcast %add3A_782 : i32 to vector<16xi32>
      %add3A_784 = arith.addi %add3A_783, %and3A_781 : vector<16xi32>
      %gather3A_785 = tpu.vector_load_idx %arg4[%add3A_56, %add3A_784] : memref<512x100xf32, #tpu.memory_space<vmem>>[vector<16xi32>, vector<16xi32>], vector<16xf32>,
      %add3A_786 = arith.constant 12 : i32
      %add3A_787 = vector.broadcast %add3A_786 : i32 to vector<16xi32>
      %add3A_788 = arith.addi %iota3A, %add3A_787 : vector<16xi32>
      %and3A_789 = arith.constant 15 : i32
      %and3A_790 = vector.broadcast %and3A_789 : i32 to vector<16xi32>
      %and3A_791 = arith.andi %add3A_788, %and3A_790 : vector<16xi32>
      %add3A_792 = arith.constant 36 : i32
      %add3A_793 = vector.broadcast %add3A_792 : i32 to vector<16xi32>
      %add3A_794 = arith.addi %add3A_793, %and3A_791 : vector<16xi32>
      %gather3A_795 = tpu.vector_load_idx %arg4[%add3A_56, %add3A_794] : memref<512x100xf32, #tpu.memory_space<vmem>>[vector<16xi32>, vector<16xi32>], vector<16xf32>,
      %add3A_796 = arith.constant 13 : i32
      %add3A_797 = vector.broadcast %add3A_796 : i32 to vector<16xi32>
      %add3A_798 = arith.addi %iota3A, %add3A_797 : vector<16xi32>
      %and3A_799 = arith.constant 15 : i32
      %and3A_800 = vector.broadcast %and3A_799 : i32 to vector<16xi32>
      %and3A_801 = arith.andi %add3A_798, %and3A_800 : vector<16xi32>
      %add3A_802 = arith.constant 36 : i32
      %add3A_803 = vector.broadcast %add3A_802 : i32 to vector<16xi32>
      %add3A_804 = arith.addi %add3A_803, %and3A_801 : vector<16xi32>
      %gather3A_805 = tpu.vector_load_idx %arg4[%add3A_56, %add3A_804] : memref<512x100xf32, #tpu.memory_space<vmem>>[vector<16xi32>, vector<16xi32>], vector<16xf32>,
      %add3A_806 = arith.constant 14 : i32
      %add3A_807 = vector.broadcast %add3A_806 : i32 to vector<16xi32>
      %add3A_808 = arith.addi %iota3A, %add3A_807 : vector<16xi32>
      %and3A_809 = arith.constant 15 : i32
      %and3A_810 = vector.broadcast %and3A_809 : i32 to vector<16xi32>
      %and3A_811 = arith.andi %add3A_808, %and3A_810 : vector<16xi32>
      %add3A_812 = arith.constant 36 : i32
      %add3A_813 = vector.broadcast %add3A_812 : i32 to vector<16xi32>
      %add3A_814 = arith.addi %add3A_813, %and3A_811 : vector<16xi32>
      %gather3A_815 = tpu.vector_load_idx %arg4[%add3A_56, %add3A_814] : memref<512x100xf32, #tpu.memory_space<vmem>>[vector<16xi32>, vector<16xi32>], vector<16xf32>,
      %add3A_816 = arith.constant 15 : i32
      %add3A_817 = vector.broadcast %add3A_816 : i32 to vector<16xi32>
      %add3A_818 = arith.addi %iota3A, %add3A_817 : vector<16xi32>
      %and3A_819 = arith.constant 15 : i32
      %and3A_820 = vector.broadcast %and3A_819 : i32 to vector<16xi32>
      %and3A_821 = arith.andi %add3A_818, %and3A_820 : vector<16xi32>
      %add3A_822 = arith.constant 36 : i32
      %add3A_823 = vector.broadcast %add3A_822 : i32 to vector<16xi32>
      %add3A_824 = arith.addi %add3A_823, %and3A_821 : vector<16xi32>
      %gather3A_825 = tpu.vector_load_idx %arg4[%add3A_56, %add3A_824] : memref<512x100xf32, #tpu.memory_space<vmem>>[vector<16xi32>, vector<16xi32>], vector<16xf32>,
      %max3A_826 = arith.maximumf %gather3A_675, %gather3A_685 : vector<16xf32>
      %max3A_827 = arith.maximumf %gather3A_695, %gather3A_705 : vector<16xf32>
      %max3A_828 = arith.maximumf %gather3A_715, %gather3A_725 : vector<16xf32>
      %max3A_829 = arith.maximumf %gather3A_735, %gather3A_745 : vector<16xf32>
      %max3A_830 = arith.maximumf %gather3A_755, %gather3A_765 : vector<16xf32>
      %max3A_831 = arith.maximumf %gather3A_775, %gather3A_785 : vector<16xf32>
      %max3A_832 = arith.maximumf %gather3A_795, %gather3A_805 : vector<16xf32>
      %max3A_833 = arith.maximumf %gather3A_815, %gather3A_825 : vector<16xf32>
      %max3A_834 = arith.maximumf %max3A_826, %max3A_827 : vector<16xf32>
      %max3A_835 = arith.maximumf %max3A_828, %max3A_829 : vector<16xf32>
      %max3A_836 = arith.maximumf %max3A_830, %max3A_831 : vector<16xf32>
      %max3A_837 = arith.maximumf %max3A_832, %max3A_833 : vector<16xf32>
      %max3A_838 = arith.maximumf %max3A_834, %max3A_835 : vector<16xf32>
      %max3A_839 = arith.maximumf %max3A_836, %max3A_837 : vector<16xf32>
      %max3A_840 = arith.maximumf %max3A_838, %max3A_839 : vector<16xf32>
      %eq3A_841 = arith.cmpf oeq, %gather3A_675, %max3A_840 : vector<16xf32>
      %jit3A_842 = arith.constant 1 : i32
      %jit3A_843 = arith.constant 0 : i32
      %broadcast_in_dim3A_844 = vector.broadcast %jit3A_842 : i32 to vector<16xi32>
      %broadcast_in_dim3A_845 = vector.broadcast %jit3A_843 : i32 to vector<16xi32>
      %select_n3A_846 = arith.select %eq3A_841, %broadcast_in_dim3A_844, %broadcast_in_dim3A_845 : vector<16xi1>, vector<16xi32>
      %eq3A_847 = arith.cmpf oeq, %gather3A_685, %max3A_840 : vector<16xf32>
      %jit3A_848 = arith.constant 2 : i32
      %jit3A_849 = arith.constant 0 : i32
      %broadcast_in_dim3A_850 = vector.broadcast %jit3A_848 : i32 to vector<16xi32>
      %broadcast_in_dim3A_851 = vector.broadcast %jit3A_849 : i32 to vector<16xi32>
      %select_n3A_852 = arith.select %eq3A_847, %broadcast_in_dim3A_850, %broadcast_in_dim3A_851 : vector<16xi1>, vector<16xi32>
      %eq3A_853 = arith.cmpf oeq, %gather3A_695, %max3A_840 : vector<16xf32>
      %jit3A_854 = arith.constant 4 : i32
      %jit3A_855 = arith.constant 0 : i32
      %broadcast_in_dim3A_856 = vector.broadcast %jit3A_854 : i32 to vector<16xi32>
      %broadcast_in_dim3A_857 = vector.broadcast %jit3A_855 : i32 to vector<16xi32>
      %select_n3A_858 = arith.select %eq3A_853, %broadcast_in_dim3A_856, %broadcast_in_dim3A_857 : vector<16xi1>, vector<16xi32>
      %eq3A_859 = arith.cmpf oeq, %gather3A_705, %max3A_840 : vector<16xf32>
      %jit3A_860 = arith.constant 8 : i32
      %jit3A_861 = arith.constant 0 : i32
      %broadcast_in_dim3A_862 = vector.broadcast %jit3A_860 : i32 to vector<16xi32>
      %broadcast_in_dim3A_863 = vector.broadcast %jit3A_861 : i32 to vector<16xi32>
      %select_n3A_864 = arith.select %eq3A_859, %broadcast_in_dim3A_862, %broadcast_in_dim3A_863 : vector<16xi1>, vector<16xi32>
      %eq3A_865 = arith.cmpf oeq, %gather3A_715, %max3A_840 : vector<16xf32>
      %jit3A_866 = arith.constant 16 : i32
      %jit3A_867 = arith.constant 0 : i32
      %broadcast_in_dim3A_868 = vector.broadcast %jit3A_866 : i32 to vector<16xi32>
      %broadcast_in_dim3A_869 = vector.broadcast %jit3A_867 : i32 to vector<16xi32>
      %select_n3A_870 = arith.select %eq3A_865, %broadcast_in_dim3A_868, %broadcast_in_dim3A_869 : vector<16xi1>, vector<16xi32>
      %eq3A_871 = arith.cmpf oeq, %gather3A_725, %max3A_840 : vector<16xf32>
      %jit3A_872 = arith.constant 32 : i32
      %jit3A_873 = arith.constant 0 : i32
      %broadcast_in_dim3A_874 = vector.broadcast %jit3A_872 : i32 to vector<16xi32>
      %broadcast_in_dim3A_875 = vector.broadcast %jit3A_873 : i32 to vector<16xi32>
      %select_n3A_876 = arith.select %eq3A_871, %broadcast_in_dim3A_874, %broadcast_in_dim3A_875 : vector<16xi1>, vector<16xi32>
      %eq3A_877 = arith.cmpf oeq, %gather3A_735, %max3A_840 : vector<16xf32>
      %jit3A_878 = arith.constant 64 : i32
      %jit3A_879 = arith.constant 0 : i32
      %broadcast_in_dim3A_880 = vector.broadcast %jit3A_878 : i32 to vector<16xi32>
      %broadcast_in_dim3A_881 = vector.broadcast %jit3A_879 : i32 to vector<16xi32>
      %select_n3A_882 = arith.select %eq3A_877, %broadcast_in_dim3A_880, %broadcast_in_dim3A_881 : vector<16xi1>, vector<16xi32>
      %eq3A_883 = arith.cmpf oeq, %gather3A_745, %max3A_840 : vector<16xf32>
      %jit3A_884 = arith.constant 128 : i32
      %jit3A_885 = arith.constant 0 : i32
      %broadcast_in_dim3A_886 = vector.broadcast %jit3A_884 : i32 to vector<16xi32>
      %broadcast_in_dim3A_887 = vector.broadcast %jit3A_885 : i32 to vector<16xi32>
      %select_n3A_888 = arith.select %eq3A_883, %broadcast_in_dim3A_886, %broadcast_in_dim3A_887 : vector<16xi1>, vector<16xi32>
      %eq3A_889 = arith.cmpf oeq, %gather3A_755, %max3A_840 : vector<16xf32>
      %jit3A_890 = arith.constant 256 : i32
      %jit3A_891 = arith.constant 0 : i32
      %broadcast_in_dim3A_892 = vector.broadcast %jit3A_890 : i32 to vector<16xi32>
      %broadcast_in_dim3A_893 = vector.broadcast %jit3A_891 : i32 to vector<16xi32>
      %select_n3A_894 = arith.select %eq3A_889, %broadcast_in_dim3A_892, %broadcast_in_dim3A_893 : vector<16xi1>, vector<16xi32>
      %eq3A_895 = arith.cmpf oeq, %gather3A_765, %max3A_840 : vector<16xf32>
      %jit3A_896 = arith.constant 512 : i32
      %jit3A_897 = arith.constant 0 : i32
      %broadcast_in_dim3A_898 = vector.broadcast %jit3A_896 : i32 to vector<16xi32>
      %broadcast_in_dim3A_899 = vector.broadcast %jit3A_897 : i32 to vector<16xi32>
      %select_n3A_900 = arith.select %eq3A_895, %broadcast_in_dim3A_898, %broadcast_in_dim3A_899 : vector<16xi1>, vector<16xi32>
      %eq3A_901 = arith.cmpf oeq, %gather3A_775, %max3A_840 : vector<16xf32>
      %jit3A_902 = arith.constant 1024 : i32
      %jit3A_903 = arith.constant 0 : i32
      %broadcast_in_dim3A_904 = vector.broadcast %jit3A_902 : i32 to vector<16xi32>
      %broadcast_in_dim3A_905 = vector.broadcast %jit3A_903 : i32 to vector<16xi32>
      %select_n3A_906 = arith.select %eq3A_901, %broadcast_in_dim3A_904, %broadcast_in_dim3A_905 : vector<16xi1>, vector<16xi32>
      %eq3A_907 = arith.cmpf oeq, %gather3A_785, %max3A_840 : vector<16xf32>
      %jit3A_908 = arith.constant 2048 : i32
      %jit3A_909 = arith.constant 0 : i32
      %broadcast_in_dim3A_910 = vector.broadcast %jit3A_908 : i32 to vector<16xi32>
      %broadcast_in_dim3A_911 = vector.broadcast %jit3A_909 : i32 to vector<16xi32>
      %select_n3A_912 = arith.select %eq3A_907, %broadcast_in_dim3A_910, %broadcast_in_dim3A_911 : vector<16xi1>, vector<16xi32>
      %eq3A_913 = arith.cmpf oeq, %gather3A_795, %max3A_840 : vector<16xf32>
      %jit3A_914 = arith.constant 4096 : i32
      %jit3A_915 = arith.constant 0 : i32
      %broadcast_in_dim3A_916 = vector.broadcast %jit3A_914 : i32 to vector<16xi32>
      %broadcast_in_dim3A_917 = vector.broadcast %jit3A_915 : i32 to vector<16xi32>
      %select_n3A_918 = arith.select %eq3A_913, %broadcast_in_dim3A_916, %broadcast_in_dim3A_917 : vector<16xi1>, vector<16xi32>
      %eq3A_919 = arith.cmpf oeq, %gather3A_805, %max3A_840 : vector<16xf32>
      %jit3A_920 = arith.constant 8192 : i32
      %jit3A_921 = arith.constant 0 : i32
      %broadcast_in_dim3A_922 = vector.broadcast %jit3A_920 : i32 to vector<16xi32>
      %broadcast_in_dim3A_923 = vector.broadcast %jit3A_921 : i32 to vector<16xi32>
      %select_n3A_924 = arith.select %eq3A_919, %broadcast_in_dim3A_922, %broadcast_in_dim3A_923 : vector<16xi1>, vector<16xi32>
      %eq3A_925 = arith.cmpf oeq, %gather3A_815, %max3A_840 : vector<16xf32>
      %jit3A_926 = arith.constant 16384 : i32
      %jit3A_927 = arith.constant 0 : i32
      %broadcast_in_dim3A_928 = vector.broadcast %jit3A_926 : i32 to vector<16xi32>
      %broadcast_in_dim3A_929 = vector.broadcast %jit3A_927 : i32 to vector<16xi32>
      %select_n3A_930 = arith.select %eq3A_925, %broadcast_in_dim3A_928, %broadcast_in_dim3A_929 : vector<16xi1>, vector<16xi32>
      %eq3A_931 = arith.cmpf oeq, %gather3A_825, %max3A_840 : vector<16xf32>
      %jit3A_932 = arith.constant 32768 : i32
      %jit3A_933 = arith.constant 0 : i32
      %broadcast_in_dim3A_934 = vector.broadcast %jit3A_932 : i32 to vector<16xi32>
      %broadcast_in_dim3A_935 = vector.broadcast %jit3A_933 : i32 to vector<16xi32>
      %select_n3A_936 = arith.select %eq3A_931, %broadcast_in_dim3A_934, %broadcast_in_dim3A_935 : vector<16xi1>, vector<16xi32>
      %or3A_937 = arith.ori %select_n3A_846, %select_n3A_852 : vector<16xi32>
      %or3A_938 = arith.ori %select_n3A_858, %select_n3A_864 : vector<16xi32>
      %or3A_939 = arith.ori %select_n3A_870, %select_n3A_876 : vector<16xi32>
      %or3A_940 = arith.ori %select_n3A_882, %select_n3A_888 : vector<16xi32>
      %or3A_941 = arith.ori %select_n3A_894, %select_n3A_900 : vector<16xi32>
      %or3A_942 = arith.ori %select_n3A_906, %select_n3A_912 : vector<16xi32>
      %or3A_943 = arith.ori %select_n3A_918, %select_n3A_924 : vector<16xi32>
      %or3A_944 = arith.ori %select_n3A_930, %select_n3A_936 : vector<16xi32>
      %or3A_945 = arith.ori %or3A_937, %or3A_938 : vector<16xi32>
      %or3A_946 = arith.ori %or3A_939, %or3A_940 : vector<16xi32>
      %or3A_947 = arith.ori %or3A_941, %or3A_942 : vector<16xi32>
      %or3A_948 = arith.ori %or3A_943, %or3A_944 : vector<16xi32>
      %or3A_949 = arith.ori %or3A_945, %or3A_946 : vector<16xi32>
      %or3A_950 = arith.ori %or3A_947, %or3A_948 : vector<16xi32>
      %or3A_951 = arith.ori %or3A_949, %or3A_950 : vector<16xi32>
      %shift_left3A_952 = arith.shli %or3A_951, %iota3A : vector<16xi32>
      %sub3A_953 = arith.constant 16 : i32
      %sub3A_954 = vector.broadcast %sub3A_953 : i32 to vector<16xi32>
      %sub3A_955 = arith.subi %sub3A_954, %iota3A : vector<16xi32>
      %shift_right_arithmetic3A_956 = arith.shrsi %or3A_951, %sub3A_955 : vector<16xi32>
      %or3A_957 = arith.ori %shift_left3A_952, %shift_right_arithmetic3A_956 : vector<16xi32>
      %and3A_958 = arith.constant 65535 : i32
      %and3A_959 = vector.broadcast %and3A_958 : i32 to vector<16xi32>
      %and3A_960 = arith.andi %or3A_957, %and3A_959 : vector<16xi32>
      %neg3A_961 = arith.constant 0 : i32
      %neg3A_962 = vector.broadcast %neg3A_961 : i32 to vector<16xi32>
      %neg3A_963 = arith.subi %neg3A_962, %and3A_960 : vector<16xi32>
      %and3A_964 = arith.andi %and3A_960, %neg3A_963 : vector<16xi32>
      %convert_element_type3A_965 = arith.sitofp %and3A_964 : vector<16xi32> to vector<16xf32>
      %bitcast3A_966 = vector.bitcast %convert_element_type3A_965 : vector<16xf32> to vector<16xi32>
      %shift_right_arithmetic3A_967 = arith.constant 23 : i32
      %shift_right_arithmetic3A_968 = vector.broadcast %shift_right_arithmetic3A_967 : i32 to vector<16xi32>
      %shift_right_arithmetic3A_969 = arith.shrsi %bitcast3A_966, %shift_right_arithmetic3A_968 : vector<16xi32>
      %sub3A_970 = arith.constant 127 : i32
      %sub3A_971 = vector.broadcast %sub3A_970 : i32 to vector<16xi32>
      %sub3A_972 = arith.subi %shift_right_arithmetic3A_969, %sub3A_971 : vector<16xi32>
      %add3A_973 = arith.constant 0 : i32
      %add3A_974 = vector.broadcast %add3A_973 : i32 to vector<16xi32>
      %add3A_975 = arith.addi %iota3A, %add3A_974 : vector<16xi32>
      %and3A_976 = arith.constant 15 : i32
      %and3A_977 = vector.broadcast %and3A_976 : i32 to vector<16xi32>
      %and3A_978 = arith.andi %add3A_975, %and3A_977 : vector<16xi32>
      %add3A_979 = arith.constant 52 : i32
      %add3A_980 = vector.broadcast %add3A_979 : i32 to vector<16xi32>
      %add3A_981 = arith.addi %add3A_980, %and3A_978 : vector<16xi32>
      %gather3A_982 = tpu.vector_load_idx %arg4[%add3A_56, %add3A_981] : memref<512x100xf32, #tpu.memory_space<vmem>>[vector<16xi32>, vector<16xi32>], vector<16xf32>,
      %add3A_983 = arith.constant 1 : i32
      %add3A_984 = vector.broadcast %add3A_983 : i32 to vector<16xi32>
      %add3A_985 = arith.addi %iota3A, %add3A_984 : vector<16xi32>
      %and3A_986 = arith.constant 15 : i32
      %and3A_987 = vector.broadcast %and3A_986 : i32 to vector<16xi32>
      %and3A_988 = arith.andi %add3A_985, %and3A_987 : vector<16xi32>
      %add3A_989 = arith.constant 52 : i32
      %add3A_990 = vector.broadcast %add3A_989 : i32 to vector<16xi32>
      %add3A_991 = arith.addi %add3A_990, %and3A_988 : vector<16xi32>
      %gather3A_992 = tpu.vector_load_idx %arg4[%add3A_56, %add3A_991] : memref<512x100xf32, #tpu.memory_space<vmem>>[vector<16xi32>, vector<16xi32>], vector<16xf32>,
      %add3A_993 = arith.constant 2 : i32
      %add3A_994 = vector.broadcast %add3A_993 : i32 to vector<16xi32>
      %add3A_995 = arith.addi %iota3A, %add3A_994 : vector<16xi32>
      %and3A_996 = arith.constant 15 : i32
      %and3A_997 = vector.broadcast %and3A_996 : i32 to vector<16xi32>
      %and3A_998 = arith.andi %add3A_995, %and3A_997 : vector<16xi32>
      %add3A_999 = arith.constant 52 : i32
      %add3A_1000 = vector.broadcast %add3A_999 : i32 to vector<16xi32>
      %add3A_1001 = arith.addi %add3A_1000, %and3A_998 : vector<16xi32>
      %gather3A_1002 = tpu.vector_load_idx %arg4[%add3A_56, %add3A_1001] : memref<512x100xf32, #tpu.memory_space<vmem>>[vector<16xi32>, vector<16xi32>], vector<16xf32>,
      %add3A_1003 = arith.constant 3 : i32
      %add3A_1004 = vector.broadcast %add3A_1003 : i32 to vector<16xi32>
      %add3A_1005 = arith.addi %iota3A, %add3A_1004 : vector<16xi32>
      %and3A_1006 = arith.constant 15 : i32
      %and3A_1007 = vector.broadcast %and3A_1006 : i32 to vector<16xi32>
      %and3A_1008 = arith.andi %add3A_1005, %and3A_1007 : vector<16xi32>
      %add3A_1009 = arith.constant 52 : i32
      %add3A_1010 = vector.broadcast %add3A_1009 : i32 to vector<16xi32>
      %add3A_1011 = arith.addi %add3A_1010, %and3A_1008 : vector<16xi32>
      %gather3A_1012 = tpu.vector_load_idx %arg4[%add3A_56, %add3A_1011] : memref<512x100xf32, #tpu.memory_space<vmem>>[vector<16xi32>, vector<16xi32>], vector<16xf32>,
      %add3A_1013 = arith.constant 4 : i32
      %add3A_1014 = vector.broadcast %add3A_1013 : i32 to vector<16xi32>
      %add3A_1015 = arith.addi %iota3A, %add3A_1014 : vector<16xi32>
      %and3A_1016 = arith.constant 15 : i32
      %and3A_1017 = vector.broadcast %and3A_1016 : i32 to vector<16xi32>
      %and3A_1018 = arith.andi %add3A_1015, %and3A_1017 : vector<16xi32>
      %add3A_1019 = arith.constant 52 : i32
      %add3A_1020 = vector.broadcast %add3A_1019 : i32 to vector<16xi32>
      %add3A_1021 = arith.addi %add3A_1020, %and3A_1018 : vector<16xi32>
      %gather3A_1022 = tpu.vector_load_idx %arg4[%add3A_56, %add3A_1021] : memref<512x100xf32, #tpu.memory_space<vmem>>[vector<16xi32>, vector<16xi32>], vector<16xf32>,
      %add3A_1023 = arith.constant 5 : i32
      %add3A_1024 = vector.broadcast %add3A_1023 : i32 to vector<16xi32>
      %add3A_1025 = arith.addi %iota3A, %add3A_1024 : vector<16xi32>
      %and3A_1026 = arith.constant 15 : i32
      %and3A_1027 = vector.broadcast %and3A_1026 : i32 to vector<16xi32>
      %and3A_1028 = arith.andi %add3A_1025, %and3A_1027 : vector<16xi32>
      %add3A_1029 = arith.constant 52 : i32
      %add3A_1030 = vector.broadcast %add3A_1029 : i32 to vector<16xi32>
      %add3A_1031 = arith.addi %add3A_1030, %and3A_1028 : vector<16xi32>
      %gather3A_1032 = tpu.vector_load_idx %arg4[%add3A_56, %add3A_1031] : memref<512x100xf32, #tpu.memory_space<vmem>>[vector<16xi32>, vector<16xi32>], vector<16xf32>,
      %add3A_1033 = arith.constant 6 : i32
      %add3A_1034 = vector.broadcast %add3A_1033 : i32 to vector<16xi32>
      %add3A_1035 = arith.addi %iota3A, %add3A_1034 : vector<16xi32>
      %and3A_1036 = arith.constant 15 : i32
      %and3A_1037 = vector.broadcast %and3A_1036 : i32 to vector<16xi32>
      %and3A_1038 = arith.andi %add3A_1035, %and3A_1037 : vector<16xi32>
      %add3A_1039 = arith.constant 52 : i32
      %add3A_1040 = vector.broadcast %add3A_1039 : i32 to vector<16xi32>
      %add3A_1041 = arith.addi %add3A_1040, %and3A_1038 : vector<16xi32>
      %gather3A_1042 = tpu.vector_load_idx %arg4[%add3A_56, %add3A_1041] : memref<512x100xf32, #tpu.memory_space<vmem>>[vector<16xi32>, vector<16xi32>], vector<16xf32>,
      %add3A_1043 = arith.constant 7 : i32
      %add3A_1044 = vector.broadcast %add3A_1043 : i32 to vector<16xi32>
      %add3A_1045 = arith.addi %iota3A, %add3A_1044 : vector<16xi32>
      %and3A_1046 = arith.constant 15 : i32
      %and3A_1047 = vector.broadcast %and3A_1046 : i32 to vector<16xi32>
      %and3A_1048 = arith.andi %add3A_1045, %and3A_1047 : vector<16xi32>
      %add3A_1049 = arith.constant 52 : i32
      %add3A_1050 = vector.broadcast %add3A_1049 : i32 to vector<16xi32>
      %add3A_1051 = arith.addi %add3A_1050, %and3A_1048 : vector<16xi32>
      %gather3A_1052 = tpu.vector_load_idx %arg4[%add3A_56, %add3A_1051] : memref<512x100xf32, #tpu.memory_space<vmem>>[vector<16xi32>, vector<16xi32>], vector<16xf32>,
      %add3A_1053 = arith.constant 8 : i32
      %add3A_1054 = vector.broadcast %add3A_1053 : i32 to vector<16xi32>
      %add3A_1055 = arith.addi %iota3A, %add3A_1054 : vector<16xi32>
      %and3A_1056 = arith.constant 15 : i32
      %and3A_1057 = vector.broadcast %and3A_1056 : i32 to vector<16xi32>
      %and3A_1058 = arith.andi %add3A_1055, %and3A_1057 : vector<16xi32>
      %add3A_1059 = arith.constant 52 : i32
      %add3A_1060 = vector.broadcast %add3A_1059 : i32 to vector<16xi32>
      %add3A_1061 = arith.addi %add3A_1060, %and3A_1058 : vector<16xi32>
      %gather3A_1062 = tpu.vector_load_idx %arg4[%add3A_56, %add3A_1061] : memref<512x100xf32, #tpu.memory_space<vmem>>[vector<16xi32>, vector<16xi32>], vector<16xf32>,
      %add3A_1063 = arith.constant 9 : i32
      %add3A_1064 = vector.broadcast %add3A_1063 : i32 to vector<16xi32>
      %add3A_1065 = arith.addi %iota3A, %add3A_1064 : vector<16xi32>
      %and3A_1066 = arith.constant 15 : i32
      %and3A_1067 = vector.broadcast %and3A_1066 : i32 to vector<16xi32>
      %and3A_1068 = arith.andi %add3A_1065, %and3A_1067 : vector<16xi32>
      %add3A_1069 = arith.constant 52 : i32
      %add3A_1070 = vector.broadcast %add3A_1069 : i32 to vector<16xi32>
      %add3A_1071 = arith.addi %add3A_1070, %and3A_1068 : vector<16xi32>
      %gather3A_1072 = tpu.vector_load_idx %arg4[%add3A_56, %add3A_1071] : memref<512x100xf32, #tpu.memory_space<vmem>>[vector<16xi32>, vector<16xi32>], vector<16xf32>,
      %add3A_1073 = arith.constant 10 : i32
      %add3A_1074 = vector.broadcast %add3A_1073 : i32 to vector<16xi32>
      %add3A_1075 = arith.addi %iota3A, %add3A_1074 : vector<16xi32>
      %and3A_1076 = arith.constant 15 : i32
      %and3A_1077 = vector.broadcast %and3A_1076 : i32 to vector<16xi32>
      %and3A_1078 = arith.andi %add3A_1075, %and3A_1077 : vector<16xi32>
      %add3A_1079 = arith.constant 52 : i32
      %add3A_1080 = vector.broadcast %add3A_1079 : i32 to vector<16xi32>
      %add3A_1081 = arith.addi %add3A_1080, %and3A_1078 : vector<16xi32>
      %gather3A_1082 = tpu.vector_load_idx %arg4[%add3A_56, %add3A_1081] : memref<512x100xf32, #tpu.memory_space<vmem>>[vector<16xi32>, vector<16xi32>], vector<16xf32>,
      %add3A_1083 = arith.constant 11 : i32
      %add3A_1084 = vector.broadcast %add3A_1083 : i32 to vector<16xi32>
      %add3A_1085 = arith.addi %iota3A, %add3A_1084 : vector<16xi32>
      %and3A_1086 = arith.constant 15 : i32
      %and3A_1087 = vector.broadcast %and3A_1086 : i32 to vector<16xi32>
      %and3A_1088 = arith.andi %add3A_1085, %and3A_1087 : vector<16xi32>
      %add3A_1089 = arith.constant 52 : i32
      %add3A_1090 = vector.broadcast %add3A_1089 : i32 to vector<16xi32>
      %add3A_1091 = arith.addi %add3A_1090, %and3A_1088 : vector<16xi32>
      %gather3A_1092 = tpu.vector_load_idx %arg4[%add3A_56, %add3A_1091] : memref<512x100xf32, #tpu.memory_space<vmem>>[vector<16xi32>, vector<16xi32>], vector<16xf32>,
      %add3A_1093 = arith.constant 12 : i32
      %add3A_1094 = vector.broadcast %add3A_1093 : i32 to vector<16xi32>
      %add3A_1095 = arith.addi %iota3A, %add3A_1094 : vector<16xi32>
      %and3A_1096 = arith.constant 15 : i32
      %and3A_1097 = vector.broadcast %and3A_1096 : i32 to vector<16xi32>
      %and3A_1098 = arith.andi %add3A_1095, %and3A_1097 : vector<16xi32>
      %add3A_1099 = arith.constant 52 : i32
      %add3A_1100 = vector.broadcast %add3A_1099 : i32 to vector<16xi32>
      %add3A_1101 = arith.addi %add3A_1100, %and3A_1098 : vector<16xi32>
      %gather3A_1102 = tpu.vector_load_idx %arg4[%add3A_56, %add3A_1101] : memref<512x100xf32, #tpu.memory_space<vmem>>[vector<16xi32>, vector<16xi32>], vector<16xf32>,
      %add3A_1103 = arith.constant 13 : i32
      %add3A_1104 = vector.broadcast %add3A_1103 : i32 to vector<16xi32>
      %add3A_1105 = arith.addi %iota3A, %add3A_1104 : vector<16xi32>
      %and3A_1106 = arith.constant 15 : i32
      %and3A_1107 = vector.broadcast %and3A_1106 : i32 to vector<16xi32>
      %and3A_1108 = arith.andi %add3A_1105, %and3A_1107 : vector<16xi32>
      %add3A_1109 = arith.constant 52 : i32
      %add3A_1110 = vector.broadcast %add3A_1109 : i32 to vector<16xi32>
      %add3A_1111 = arith.addi %add3A_1110, %and3A_1108 : vector<16xi32>
      %gather3A_1112 = tpu.vector_load_idx %arg4[%add3A_56, %add3A_1111] : memref<512x100xf32, #tpu.memory_space<vmem>>[vector<16xi32>, vector<16xi32>], vector<16xf32>,
      %add3A_1113 = arith.constant 14 : i32
      %add3A_1114 = vector.broadcast %add3A_1113 : i32 to vector<16xi32>
      %add3A_1115 = arith.addi %iota3A, %add3A_1114 : vector<16xi32>
      %and3A_1116 = arith.constant 15 : i32
      %and3A_1117 = vector.broadcast %and3A_1116 : i32 to vector<16xi32>
      %and3A_1118 = arith.andi %add3A_1115, %and3A_1117 : vector<16xi32>
      %add3A_1119 = arith.constant 52 : i32
      %add3A_1120 = vector.broadcast %add3A_1119 : i32 to vector<16xi32>
      %add3A_1121 = arith.addi %add3A_1120, %and3A_1118 : vector<16xi32>
      %gather3A_1122 = tpu.vector_load_idx %arg4[%add3A_56, %add3A_1121] : memref<512x100xf32, #tpu.memory_space<vmem>>[vector<16xi32>, vector<16xi32>], vector<16xf32>,
      %add3A_1123 = arith.constant 15 : i32
      %add3A_1124 = vector.broadcast %add3A_1123 : i32 to vector<16xi32>
      %add3A_1125 = arith.addi %iota3A, %add3A_1124 : vector<16xi32>
      %and3A_1126 = arith.constant 15 : i32
      %and3A_1127 = vector.broadcast %and3A_1126 : i32 to vector<16xi32>
      %and3A_1128 = arith.andi %add3A_1125, %and3A_1127 : vector<16xi32>
      %add3A_1129 = arith.constant 52 : i32
      %add3A_1130 = vector.broadcast %add3A_1129 : i32 to vector<16xi32>
      %add3A_1131 = arith.addi %add3A_1130, %and3A_1128 : vector<16xi32>
      %gather3A_1132 = tpu.vector_load_idx %arg4[%add3A_56, %add3A_1131] : memref<512x100xf32, #tpu.memory_space<vmem>>[vector<16xi32>, vector<16xi32>], vector<16xf32>,
      %max3A_1133 = arith.maximumf %gather3A_982, %gather3A_992 : vector<16xf32>
      %max3A_1134 = arith.maximumf %gather3A_1002, %gather3A_1012 : vector<16xf32>
      %max3A_1135 = arith.maximumf %gather3A_1022, %gather3A_1032 : vector<16xf32>
      %max3A_1136 = arith.maximumf %gather3A_1042, %gather3A_1052 : vector<16xf32>
      %max3A_1137 = arith.maximumf %gather3A_1062, %gather3A_1072 : vector<16xf32>
      %max3A_1138 = arith.maximumf %gather3A_1082, %gather3A_1092 : vector<16xf32>
      %max3A_1139 = arith.maximumf %gather3A_1102, %gather3A_1112 : vector<16xf32>
      %max3A_1140 = arith.maximumf %gather3A_1122, %gather3A_1132 : vector<16xf32>
      %max3A_1141 = arith.maximumf %max3A_1133, %max3A_1134 : vector<16xf32>
      %max3A_1142 = arith.maximumf %max3A_1135, %max3A_1136 : vector<16xf32>
      %max3A_1143 = arith.maximumf %max3A_1137, %max3A_1138 : vector<16xf32>
      %max3A_1144 = arith.maximumf %max3A_1139, %max3A_1140 : vector<16xf32>
      %max3A_1145 = arith.maximumf %max3A_1141, %max3A_1142 : vector<16xf32>
      %max3A_1146 = arith.maximumf %max3A_1143, %max3A_1144 : vector<16xf32>
      %max3A_1147 = arith.maximumf %max3A_1145, %max3A_1146 : vector<16xf32>
      %eq3A_1148 = arith.cmpf oeq, %gather3A_982, %max3A_1147 : vector<16xf32>
      %jit3A_1149 = arith.constant 1 : i32
      %jit3A_1150 = arith.constant 0 : i32
      %broadcast_in_dim3A_1151 = vector.broadcast %jit3A_1149 : i32 to vector<16xi32>
      %broadcast_in_dim3A_1152 = vector.broadcast %jit3A_1150 : i32 to vector<16xi32>
      %select_n3A_1153 = arith.select %eq3A_1148, %broadcast_in_dim3A_1151, %broadcast_in_dim3A_1152 : vector<16xi1>, vector<16xi32>
      %eq3A_1154 = arith.cmpf oeq, %gather3A_992, %max3A_1147 : vector<16xf32>
      %jit3A_1155 = arith.constant 2 : i32
      %jit3A_1156 = arith.constant 0 : i32
      %broadcast_in_dim3A_1157 = vector.broadcast %jit3A_1155 : i32 to vector<16xi32>
      %broadcast_in_dim3A_1158 = vector.broadcast %jit3A_1156 : i32 to vector<16xi32>
      %select_n3A_1159 = arith.select %eq3A_1154, %broadcast_in_dim3A_1157, %broadcast_in_dim3A_1158 : vector<16xi1>, vector<16xi32>
      %eq3A_1160 = arith.cmpf oeq, %gather3A_1002, %max3A_1147 : vector<16xf32>
      %jit3A_1161 = arith.constant 4 : i32
      %jit3A_1162 = arith.constant 0 : i32
      %broadcast_in_dim3A_1163 = vector.broadcast %jit3A_1161 : i32 to vector<16xi32>
      %broadcast_in_dim3A_1164 = vector.broadcast %jit3A_1162 : i32 to vector<16xi32>
      %select_n3A_1165 = arith.select %eq3A_1160, %broadcast_in_dim3A_1163, %broadcast_in_dim3A_1164 : vector<16xi1>, vector<16xi32>
      %eq3A_1166 = arith.cmpf oeq, %gather3A_1012, %max3A_1147 : vector<16xf32>
      %jit3A_1167 = arith.constant 8 : i32
      %jit3A_1168 = arith.constant 0 : i32
      %broadcast_in_dim3A_1169 = vector.broadcast %jit3A_1167 : i32 to vector<16xi32>
      %broadcast_in_dim3A_1170 = vector.broadcast %jit3A_1168 : i32 to vector<16xi32>
      %select_n3A_1171 = arith.select %eq3A_1166, %broadcast_in_dim3A_1169, %broadcast_in_dim3A_1170 : vector<16xi1>, vector<16xi32>
      %eq3A_1172 = arith.cmpf oeq, %gather3A_1022, %max3A_1147 : vector<16xf32>
      %jit3A_1173 = arith.constant 16 : i32
      %jit3A_1174 = arith.constant 0 : i32
      %broadcast_in_dim3A_1175 = vector.broadcast %jit3A_1173 : i32 to vector<16xi32>
      %broadcast_in_dim3A_1176 = vector.broadcast %jit3A_1174 : i32 to vector<16xi32>
      %select_n3A_1177 = arith.select %eq3A_1172, %broadcast_in_dim3A_1175, %broadcast_in_dim3A_1176 : vector<16xi1>, vector<16xi32>
      %eq3A_1178 = arith.cmpf oeq, %gather3A_1032, %max3A_1147 : vector<16xf32>
      %jit3A_1179 = arith.constant 32 : i32
      %jit3A_1180 = arith.constant 0 : i32
      %broadcast_in_dim3A_1181 = vector.broadcast %jit3A_1179 : i32 to vector<16xi32>
      %broadcast_in_dim3A_1182 = vector.broadcast %jit3A_1180 : i32 to vector<16xi32>
      %select_n3A_1183 = arith.select %eq3A_1178, %broadcast_in_dim3A_1181, %broadcast_in_dim3A_1182 : vector<16xi1>, vector<16xi32>
      %eq3A_1184 = arith.cmpf oeq, %gather3A_1042, %max3A_1147 : vector<16xf32>
      %jit3A_1185 = arith.constant 64 : i32
      %jit3A_1186 = arith.constant 0 : i32
      %broadcast_in_dim3A_1187 = vector.broadcast %jit3A_1185 : i32 to vector<16xi32>
      %broadcast_in_dim3A_1188 = vector.broadcast %jit3A_1186 : i32 to vector<16xi32>
      %select_n3A_1189 = arith.select %eq3A_1184, %broadcast_in_dim3A_1187, %broadcast_in_dim3A_1188 : vector<16xi1>, vector<16xi32>
      %eq3A_1190 = arith.cmpf oeq, %gather3A_1052, %max3A_1147 : vector<16xf32>
      %jit3A_1191 = arith.constant 128 : i32
      %jit3A_1192 = arith.constant 0 : i32
      %broadcast_in_dim3A_1193 = vector.broadcast %jit3A_1191 : i32 to vector<16xi32>
      %broadcast_in_dim3A_1194 = vector.broadcast %jit3A_1192 : i32 to vector<16xi32>
      %select_n3A_1195 = arith.select %eq3A_1190, %broadcast_in_dim3A_1193, %broadcast_in_dim3A_1194 : vector<16xi1>, vector<16xi32>
      %eq3A_1196 = arith.cmpf oeq, %gather3A_1062, %max3A_1147 : vector<16xf32>
      %jit3A_1197 = arith.constant 256 : i32
      %jit3A_1198 = arith.constant 0 : i32
      %broadcast_in_dim3A_1199 = vector.broadcast %jit3A_1197 : i32 to vector<16xi32>
      %broadcast_in_dim3A_1200 = vector.broadcast %jit3A_1198 : i32 to vector<16xi32>
      %select_n3A_1201 = arith.select %eq3A_1196, %broadcast_in_dim3A_1199, %broadcast_in_dim3A_1200 : vector<16xi1>, vector<16xi32>
      %eq3A_1202 = arith.cmpf oeq, %gather3A_1072, %max3A_1147 : vector<16xf32>
      %jit3A_1203 = arith.constant 512 : i32
      %jit3A_1204 = arith.constant 0 : i32
      %broadcast_in_dim3A_1205 = vector.broadcast %jit3A_1203 : i32 to vector<16xi32>
      %broadcast_in_dim3A_1206 = vector.broadcast %jit3A_1204 : i32 to vector<16xi32>
      %select_n3A_1207 = arith.select %eq3A_1202, %broadcast_in_dim3A_1205, %broadcast_in_dim3A_1206 : vector<16xi1>, vector<16xi32>
      %eq3A_1208 = arith.cmpf oeq, %gather3A_1082, %max3A_1147 : vector<16xf32>
      %jit3A_1209 = arith.constant 1024 : i32
      %jit3A_1210 = arith.constant 0 : i32
      %broadcast_in_dim3A_1211 = vector.broadcast %jit3A_1209 : i32 to vector<16xi32>
      %broadcast_in_dim3A_1212 = vector.broadcast %jit3A_1210 : i32 to vector<16xi32>
      %select_n3A_1213 = arith.select %eq3A_1208, %broadcast_in_dim3A_1211, %broadcast_in_dim3A_1212 : vector<16xi1>, vector<16xi32>
      %eq3A_1214 = arith.cmpf oeq, %gather3A_1092, %max3A_1147 : vector<16xf32>
      %jit3A_1215 = arith.constant 2048 : i32
      %jit3A_1216 = arith.constant 0 : i32
      %broadcast_in_dim3A_1217 = vector.broadcast %jit3A_1215 : i32 to vector<16xi32>
      %broadcast_in_dim3A_1218 = vector.broadcast %jit3A_1216 : i32 to vector<16xi32>
      %select_n3A_1219 = arith.select %eq3A_1214, %broadcast_in_dim3A_1217, %broadcast_in_dim3A_1218 : vector<16xi1>, vector<16xi32>
      %eq3A_1220 = arith.cmpf oeq, %gather3A_1102, %max3A_1147 : vector<16xf32>
      %jit3A_1221 = arith.constant 4096 : i32
      %jit3A_1222 = arith.constant 0 : i32
      %broadcast_in_dim3A_1223 = vector.broadcast %jit3A_1221 : i32 to vector<16xi32>
      %broadcast_in_dim3A_1224 = vector.broadcast %jit3A_1222 : i32 to vector<16xi32>
      %select_n3A_1225 = arith.select %eq3A_1220, %broadcast_in_dim3A_1223, %broadcast_in_dim3A_1224 : vector<16xi1>, vector<16xi32>
      %eq3A_1226 = arith.cmpf oeq, %gather3A_1112, %max3A_1147 : vector<16xf32>
      %jit3A_1227 = arith.constant 8192 : i32
      %jit3A_1228 = arith.constant 0 : i32
      %broadcast_in_dim3A_1229 = vector.broadcast %jit3A_1227 : i32 to vector<16xi32>
      %broadcast_in_dim3A_1230 = vector.broadcast %jit3A_1228 : i32 to vector<16xi32>
      %select_n3A_1231 = arith.select %eq3A_1226, %broadcast_in_dim3A_1229, %broadcast_in_dim3A_1230 : vector<16xi1>, vector<16xi32>
      %eq3A_1232 = arith.cmpf oeq, %gather3A_1122, %max3A_1147 : vector<16xf32>
      %jit3A_1233 = arith.constant 16384 : i32
      %jit3A_1234 = arith.constant 0 : i32
      %broadcast_in_dim3A_1235 = vector.broadcast %jit3A_1233 : i32 to vector<16xi32>
      %broadcast_in_dim3A_1236 = vector.broadcast %jit3A_1234 : i32 to vector<16xi32>
      %select_n3A_1237 = arith.select %eq3A_1232, %broadcast_in_dim3A_1235, %broadcast_in_dim3A_1236 : vector<16xi1>, vector<16xi32>
      %eq3A_1238 = arith.cmpf oeq, %gather3A_1132, %max3A_1147 : vector<16xf32>
      %jit3A_1239 = arith.constant 32768 : i32
      %jit3A_1240 = arith.constant 0 : i32
      %broadcast_in_dim3A_1241 = vector.broadcast %jit3A_1239 : i32 to vector<16xi32>
      %broadcast_in_dim3A_1242 = vector.broadcast %jit3A_1240 : i32 to vector<16xi32>
      %select_n3A_1243 = arith.select %eq3A_1238, %broadcast_in_dim3A_1241, %broadcast_in_dim3A_1242 : vector<16xi1>, vector<16xi32>
      %or3A_1244 = arith.ori %select_n3A_1153, %select_n3A_1159 : vector<16xi32>
      %or3A_1245 = arith.ori %select_n3A_1165, %select_n3A_1171 : vector<16xi32>
      %or3A_1246 = arith.ori %select_n3A_1177, %select_n3A_1183 : vector<16xi32>
      %or3A_1247 = arith.ori %select_n3A_1189, %select_n3A_1195 : vector<16xi32>
      %or3A_1248 = arith.ori %select_n3A_1201, %select_n3A_1207 : vector<16xi32>
      %or3A_1249 = arith.ori %select_n3A_1213, %select_n3A_1219 : vector<16xi32>
      %or3A_1250 = arith.ori %select_n3A_1225, %select_n3A_1231 : vector<16xi32>
      %or3A_1251 = arith.ori %select_n3A_1237, %select_n3A_1243 : vector<16xi32>
      %or3A_1252 = arith.ori %or3A_1244, %or3A_1245 : vector<16xi32>
      %or3A_1253 = arith.ori %or3A_1246, %or3A_1247 : vector<16xi32>
      %or3A_1254 = arith.ori %or3A_1248, %or3A_1249 : vector<16xi32>
      %or3A_1255 = arith.ori %or3A_1250, %or3A_1251 : vector<16xi32>
      %or3A_1256 = arith.ori %or3A_1252, %or3A_1253 : vector<16xi32>
      %or3A_1257 = arith.ori %or3A_1254, %or3A_1255 : vector<16xi32>
      %or3A_1258 = arith.ori %or3A_1256, %or3A_1257 : vector<16xi32>
      %shift_left3A_1259 = arith.shli %or3A_1258, %iota3A : vector<16xi32>
      %sub3A_1260 = arith.constant 16 : i32
      %sub3A_1261 = vector.broadcast %sub3A_1260 : i32 to vector<16xi32>
      %sub3A_1262 = arith.subi %sub3A_1261, %iota3A : vector<16xi32>
      %shift_right_arithmetic3A_1263 = arith.shrsi %or3A_1258, %sub3A_1262 : vector<16xi32>
      %or3A_1264 = arith.ori %shift_left3A_1259, %shift_right_arithmetic3A_1263 : vector<16xi32>
      %and3A_1265 = arith.constant 65535 : i32
      %and3A_1266 = vector.broadcast %and3A_1265 : i32 to vector<16xi32>
      %and3A_1267 = arith.andi %or3A_1264, %and3A_1266 : vector<16xi32>
      %neg3A_1268 = arith.constant 0 : i32
      %neg3A_1269 = vector.broadcast %neg3A_1268 : i32 to vector<16xi32>
      %neg3A_1270 = arith.subi %neg3A_1269, %and3A_1267 : vector<16xi32>
      %and3A_1271 = arith.andi %and3A_1267, %neg3A_1270 : vector<16xi32>
      %convert_element_type3A_1272 = arith.sitofp %and3A_1271 : vector<16xi32> to vector<16xf32>
      %bitcast3A_1273 = vector.bitcast %convert_element_type3A_1272 : vector<16xf32> to vector<16xi32>
      %shift_right_arithmetic3A_1274 = arith.constant 23 : i32
      %shift_right_arithmetic3A_1275 = vector.broadcast %shift_right_arithmetic3A_1274 : i32 to vector<16xi32>
      %shift_right_arithmetic3A_1276 = arith.shrsi %bitcast3A_1273, %shift_right_arithmetic3A_1275 : vector<16xi32>
      %sub3A_1277 = arith.constant 127 : i32
      %sub3A_1278 = vector.broadcast %sub3A_1277 : i32 to vector<16xi32>
      %sub3A_1279 = arith.subi %shift_right_arithmetic3A_1276, %sub3A_1278 : vector<16xi32>
      %shift_left3A_1280 = arith.constant 4 : i32
      %shift_left3A_1281 = vector.broadcast %shift_left3A_1280 : i32 to vector<16xi32>
      %shift_left3A_1282 = arith.shli %sub3A_1279, %shift_left3A_1281 : vector<16xi32>
      %or3A_1283 = arith.ori %sub3A_972, %shift_left3A_1282 : vector<16xi32>
      %broadcast_in_dim3A_1284 = arith.constant 0 : i32
      %broadcast_in_dim3A_1285 = vector.broadcast %broadcast_in_dim3A_1284 : i32 to vector<16xi32>
      %gather3A_1286 = tpu.vector_load_idx %arg4[%add3A_56, %broadcast_in_dim3A_1285] : memref<512x100xf32, #tpu.memory_space<vmem>>[vector<16xi32>, vector<16xi32>], vector<16xf32>,
      %ge3A = arith.constant 5.000000e-01 : f32
      %ge3A_1287 = vector.broadcast %ge3A : f32 to vector<16xf32>
      %ge3A_1288 = arith.cmpf oge, %gather3A_1286, %ge3A_1287 : vector<16xf32>
      %broadcast_in_dim3A_1289 = arith.constant 1 : i32
      %broadcast_in_dim3A_1290 = vector.broadcast %broadcast_in_dim3A_1289 : i32 to vector<16xi32>
      %gather3A_1291 = tpu.vector_load_idx %arg4[%add3A_56, %broadcast_in_dim3A_1290] : memref<512x100xf32, #tpu.memory_space<vmem>>[vector<16xi32>, vector<16xi32>], vector<16xf32>,
      %gt3A = arith.constant 5.000000e-01 : f32
      %gt3A_1292 = vector.broadcast %gt3A : f32 to vector<16xf32>
      %gt3A_1293 = arith.cmpf ogt, %gather3A_1291, %gt3A_1292 : vector<16xf32>
      %broadcast_in_dim3A_1294 = arith.constant 2 : i32
      %broadcast_in_dim3A_1295 = vector.broadcast %broadcast_in_dim3A_1294 : i32 to vector<16xi32>
      %gather3A_1296 = tpu.vector_load_idx %arg4[%add3A_56, %broadcast_in_dim3A_1295] : memref<512x100xf32, #tpu.memory_space<vmem>>[vector<16xi32>, vector<16xi32>], vector<16xf32>,
      %gt3A_1297 = arith.constant 5.000000e-01 : f32
      %gt3A_1298 = vector.broadcast %gt3A_1297 : f32 to vector<16xf32>
      %gt3A_1299 = arith.cmpf ogt, %gather3A_1296, %gt3A_1298 : vector<16xf32>
      %broadcast_in_dim3A_1300 = arith.constant 3 : i32
      %broadcast_in_dim3A_1301 = vector.broadcast %broadcast_in_dim3A_1300 : i32 to vector<16xi32>
      %gather3A_1302 = tpu.vector_load_idx %arg4[%add3A_56, %broadcast_in_dim3A_1301] : memref<512x100xf32, #tpu.memory_space<vmem>>[vector<16xi32>, vector<16xi32>], vector<16xf32>,
      %gt3A_1303 = arith.constant 5.000000e-01 : f32
      %gt3A_1304 = vector.broadcast %gt3A_1303 : f32 to vector<16xf32>
      %gt3A_1305 = arith.cmpf ogt, %gather3A_1302, %gt3A_1304 : vector<16xf32>
      %and3A_1306 = arith.andi %or3A_665, %or3A_1283 : vector<16xi32>
      %or3A_1307 = arith.ori %or3A_665, %or3A_1283 : vector<16xi32>
      %xor3A = arith.xori %or3A_665, %or3A_1283 : vector<16xi32>
      %select_n3A_1308 = arith.select %gt3A_1299, %or3A_1307, %xor3A : vector<16xi1>, vector<16xi32>
      %select_n3A_1309 = arith.select %gt3A_1293, %and3A_1306, %select_n3A_1308 : vector<16xi1>, vector<16xi32>
      %or3A_1310 = arith.ori %gt3A_1293, %gt3A_1299 : vector<16xi1>
      %or3A_1311 = arith.ori %or3A_1310, %gt3A_1305 : vector<16xi1>
      %and3A_1312 = arith.andi %ge3A_1288, %or3A_1311 : vector<16xi1>
      %broadcast_in_dim3A_1313 = arith.constant 2.000000e+00 : f32
      %broadcast_in_dim3A_1314 = vector.broadcast %broadcast_in_dim3A_1313 : f32 to vector<16xf32>
      %and3A_1315 = arith.constant 15 : i32
      %and3A_1316 = vector.broadcast %and3A_1315 : i32 to vector<16xi32>
      %and3A_1317 = arith.andi %select_n3A_1309, %and3A_1316 : vector<16xi32>
      %add3A_1318 = arith.constant 68 : i32
      %add3A_1319 = vector.broadcast %add3A_1318 : i32 to vector<16xi32>
      %add3A_1320 = arith.addi %add3A_1319, %and3A_1317 : vector<16xi32>
      tpu.vector_store_idx %arg4[%add3A_56, %add3A_1320], %broadcast_in_dim3A_1314 masked %and3A_1312 {add = true} : memref<512x100xf32, #tpu.memory_space<vmem>>[vector<16xi32>, vector<16xi32>], vector<16xf32>, vector<16xi1>
      %shift_right_arithmetic3A_1321 = arith.constant 4 : i32
      %shift_right_arithmetic3A_1322 = vector.broadcast %shift_right_arithmetic3A_1321 : i32 to vector<16xi32>
      %shift_right_arithmetic3A_1323 = arith.shrsi %select_n3A_1309, %shift_right_arithmetic3A_1322 : vector<16xi32>
      %add3A_1324 = arith.constant 84 : i32
      %add3A_1325 = vector.broadcast %add3A_1324 : i32 to vector<16xi32>
      %add3A_1326 = arith.addi %add3A_1325, %shift_right_arithmetic3A_1323 : vector<16xi32>
      tpu.vector_store_idx %arg4[%add3A_56, %add3A_1326], %broadcast_in_dim3A_1314 masked %and3A_1312 {add = true} : memref<512x100xf32, #tpu.memory_space<vmem>>[vector<16xi32>, vector<16xi32>], vector<16xf32>, vector<16xi1>
    }
    %scan3A_49 = arith.constant 32 : i32
    %add3A_50 = arith.constant 512 : i32
    %add3A_51 = arith.addi %mul3A_32, %add3A_50 : i32
    "tpu.region"() ({
      %run_scoped3A = tpu.sem_alloc : memref<!tpu.dma_semaphore, #tpu.memory_space<semaphore_mem>>
      %dma_start3A = arith.constant 0 : i32
      %dma_start3A_52 = tpu.memref_slice %arg3[%select_n3A, %add3A_51, %dma_start3A] : memref<16x2048x100xf32, #tpu.memory_space<hbm>> -> memref<1x512x100xf32, #tpu.memory_space<hbm>>
      %dma_start3A_53 = tpu.memref_squeeze %dma_start3A_52 : memref<1x512x100xf32, #tpu.memory_space<hbm>> -> memref<512x100xf32, #tpu.memory_space<hbm>>
      %dma_start3A_54 = arith.constant 0 : i32
      %dma_start3A_55 = tpu.memref_slice %arg3[%select_n3A, %add3A_51, %dma_start3A_54] : memref<16x2048x100xf32, #tpu.memory_space<hbm>> -> memref<1x512x100xf32, #tpu.memory_space<hbm>>
      %dma_start3A_56 = tpu.memref_squeeze %dma_start3A_55 : memref<1x512x100xf32, #tpu.memory_space<hbm>> -> memref<512x100xf32, #tpu.memory_space<hbm>>
      tpu.enqueue_dma source(%arg4 : memref<512x100xf32, #tpu.memory_space<vmem>>) target(%dma_start3A_56 : memref<512x100xf32, #tpu.memory_space<hbm>>) target_semaphore(%run_scoped3A : memref<!tpu.dma_semaphore, #tpu.memory_space<semaphore_mem>>)
      %dma_wait3A = arith.constant 0 : i32
      %dma_wait3A_57 = tpu.memref_slice %arg3[%select_n3A, %add3A_51, %dma_wait3A] : memref<16x2048x100xf32, #tpu.memory_space<hbm>> -> memref<1x512x100xf32, #tpu.memory_space<hbm>>
      %dma_wait3A_58 = tpu.memref_squeeze %dma_wait3A_57 : memref<1x512x100xf32, #tpu.memory_space<hbm>> -> memref<512x100xf32, #tpu.memory_space<hbm>>
      %dma_wait3A_59 = arith.constant 0 : i32
      %dma_wait3A_60 = tpu.memref_slice %arg3[%select_n3A, %add3A_51, %dma_wait3A_59] : memref<16x2048x100xf32, #tpu.memory_space<hbm>> -> memref<1x512x100xf32, #tpu.memory_space<hbm>>
      %dma_wait3A_61 = tpu.memref_squeeze %dma_wait3A_60 : memref<1x512x100xf32, #tpu.memory_space<hbm>> -> memref<512x100xf32, #tpu.memory_space<hbm>>
      tpu.wait_dma2 semaphore(%run_scoped3A : memref<!tpu.dma_semaphore, #tpu.memory_space<semaphore_mem>>) src(%arg4 : memref<512x100xf32, #tpu.memory_space<vmem>>) dst(%dma_wait3A_61 : memref<512x100xf32, #tpu.memory_space<hbm>>)
      tpu.yield
    }) : () -> ()
    return
  }
}

</mosaic_0001>

<sc_bundles>
// kernel: kernel.3.cloned.1.call-start
scs
__scs_entry_jumppad:
0x0: {  	(pc) =	sbr.rel $0x88, $3  }
0x1: {  	(tag) =	ssettag $0x0;
	lr =	simm.s32 $0x1  }
0x2: {  	[smem:$0x3FA0] =	sst lr;
	_ =	strace $0xD0000000  }
0x3: {  	_ = 	snop  }
0x4: {  	_ = 	snop  }
0x5: {  	_ = 	snop  }
0x6: {  	_ = 	snop  }
0x7: {  	_ = 	snop  }
__scs_overlays_trampoline_lowered:
0x8: {  	[smem:$0x3FAF] =	sst s0  }
0x9: {  	[smem:$0x3FB0] =	sst s1  }
0xa: {  	[smem:$0x3FB1] =	sst s2  }
0xb: {  	[smem:$0x3FB2] =	sst s3  }
0xc: {  	[smem:$0x3FB3] =	sst s4  }
0xd: {  	[smem:$0x3FB4] =	sst s5  }
0xe: {  	[smem:$0x3FB5] =	sst s6  }
0xf: {  	[smem:$0x3FB6] =	sst s7  }
0x10: {  	[smem:$0x3FB7] =	sst s8  }
0x11: {  	[smem:$0x3FB8] =	sst s9;
	s0 =	simm.s32 @!p0 $0x0  }
0x12: {  	s1 =	sld [smem:$0x3F9E];
	s0 =	simm.s32 @p0 $0x1  }
0x13: {  	[smem:$0x3FB9] =	sst s0;
	s0 =	simm.s32 @!p1 $0x0  }
0x14: {  	s2 =	sld [smem:$0x3F9D];
	s0 =	simm.s32 @p1 $0x1  }
0x15: {  	[smem:$0x3FBA] =	sst s0;
	s0 =	simm.s32 @!p2 $0x0  }
0x16: {  	s3 =	sld [smem:$0x3FDB];
	s0 =	simm.s32 @p2 $0x1  }
0x17: {  	s4 =	simm.s32 $0x1BF5;
	[smem:$0x3FBC] =	sst s0  }
0x18: {  	s0 =	sld [smem:$0x3F9F];
	_ =	swait.ge [sflag:s4], $0x0  }
0x19: {  	s7 =	sld [smem:$0x3FA0]  }
0x1a: {  	s8 =	sadd.s32 $0xFFFFE003, lr  }
0x1b: {  	s9 =	sadd.s32 $0xFFFFFEF7, lr;
	s5 =	simm.s32 $0xFFFFFFFF;
	p2 =	slt.u32 s8, $0xFFFFF086  }
0x1c: {  	p1 =	slt.u32 s9, $0xF7A;
	s5 =	simm.s32 @!p2 $0x0  }
0x1d: {  	s5 =	simm.s32 @p1 $0x1;
	p0 =	seq.s32 s7, s2  }
0x1e: {  	s7 =	smul.u32 @!p0 $0xF7A, s2;
	p2 =	seq.s32 @!p0 s5, $0x0  }
0x1f: {  	s9 =	smul.u32 $0xF7A, s1;
	s8 =	simm.s32 @!p0 $0x1BF5;
	p2 =	por !p2, p0  }
0x20: {  	[sflag:s8] =	ssyncset.s32 @!p0 $0xFFFFF086;
	s6 =	sadd.s32 @!p0 s3, s7;
	s7 =	simm.s32 @!p0 $0x108  }
0x21: {  	s3 =	sadd.s32 s3, s9;
	s6 =	sadd.s32 @!p0 $0x88, s6;
	s7 =	simm.s32 @p2 $0x1082  }
0x22: {  	[simem:s7], [sflag:s8] =	dma.local @!p0 [hbm:s6], $0xF7A  }
0x23: {  	s9 =	sor.u32 $0xD0000000, s2;
	s6 =	simm.s32 $0x108;
	_ =	swait.ge @!p0 [sflag:s8], $0x0  }
0x24: {  	s3 =	sadd.s32 $0x88, s3;
	s6 =	simm.s32 @!p1 $0x1082;
	[sflag:s4] =	ssyncset.s32 $0xFFFFF086  }
0x25: {  	[simem:s6], [sflag:s4] =	dma.local [hbm:s3], $0xF7A  }
0x26: {  	[smem:$0x3FA0] =	sst s1;
	(tag) =	ssettag s2;
	_ =	strace s9  }
0x27: {  	s1 =	sld [smem:$0x3FB0]  }
0x28: {  	s2 =	sld [smem:$0x3FB1]  }
0x29: {  	s4 =	sld [smem:$0x3FB3]  }
0x2a: {  	p0 =	seq.s32 s5, $0x0;
	s5 =	sld [smem:$0x3FB4]  }
0x2b: {  	s6 =	sld [smem:$0x3FB5]  }
0x2c: {  	s7 =	sld [smem:$0x3FB6]  }
0x2d: {  	s3 =	simm.s32 $0x108;
	s8 =	sld [smem:$0x3FB7]  }
0x2e: {  	s3 =	simm.s32 @!p0 $0x1082;
	s9 =	sld [smem:$0x3FB8]  }
0x2f: {  	lr =	sadd.s32 s0, s3;
	s0 =	sld [smem:$0x3FAF]  }
0x30: {  	s3 =	sld [smem:$0x3FB2]  }
0x31: {  	[smem:$0x3FBB] =	sst s10  }
0x32: {  	s10 =	sld [smem:$0x3FB9];
	_ =	sdelay $0x3  }
0x33: {  	p0 =	seq.s32 s10, $0x1;
	s10 =	sld [smem:$0x3FBB];
	_ =	sdelay $0x3  }
0x34: {  	[smem:$0x3FBB] =	sst s10  }
0x35: {  	s10 =	sld [smem:$0x3FBA];
	_ =	sdelay $0x3  }
0x36: {  	p1 =	seq.s32 s10, $0x1;
	s10 =	sld [smem:$0x3FBB];
	_ =	sdelay $0x3  }
0x37: {  	[smem:$0x3FBB] =	sst s10  }
0x38: {  	s10 =	sld [smem:$0x3FBC]  }
0x39: {  	_ = 	snop;
	(pc) =	sbr.ind lr, $3  }
0x3a: {  	_ = 	snop  }
0x3b: {  	_ = 	snop  }
0x3c: {  	p2 =	seq.s32 s10, $0x1;
	s10 =	sld [smem:$0x3FBB]  }
0x3d: {  	_ =	shalt  }
0x3e: {  	_ =	shalt  }
0x3f: {  	_ =	shalt  }
0x40: {  	_ =	shalt  }
0x41: {  	_ =	shalt  }
0x42: {  	_ =	shalt  }
0x43: {  	_ =	shalt  }
0x44: {  	_ =	shalt  }
0x45: {  	_ =	shalt  }
0x46: {  	_ =	shalt  }
0x47: {  	_ =	shalt  }
0x48: {  	_ =	shalt  }
0x49: {  	_ =	shalt  }
0x4a: {  	_ =	shalt  }
0x4b: {  	_ =	shalt  }
0x4c: {  	_ =	shalt  }
0x4d: {  	_ =	shalt  }
0x4e: {  	_ =	shalt  }
0x4f: {  	_ =	shalt  }
0x50: {  	_ =	shalt  }
0x51: {  	_ =	shalt  }
0x52: {  	_ =	shalt  }
0x53: {  	_ =	shalt  }
0x54: {  	_ =	shalt  }
0x55: {  	_ =	shalt  }
0x56: {  	_ =	shalt  }
0x57: {  	_ =	shalt  }
0x58: {  	_ =	shalt  }
0x59: {  	_ =	shalt  }
0x5a: {  	_ =	shalt  }
0x5b: {  	_ =	shalt  }
0x5c: {  	_ =	shalt  }
0x5d: {  	_ =	shalt  }
0x5e: {  	_ =	shalt  }
0x5f: {  	_ =	shalt  }
0x60: {  	_ =	shalt  }
0x61: {  	_ =	shalt  }
0x62: {  	_ =	shalt  }
0x63: {  	_ =	shalt  }
0x64: {  	_ =	shalt  }
0x65: {  	_ =	shalt  }
0x66: {  	_ =	shalt  }
0x67: {  	_ =	shalt  }
0x68: {  	_ =	shalt  }
0x69: {  	_ =	shalt  }
0x6a: {  	_ =	shalt  }
0x6b: {  	_ =	shalt  }
0x6c: {  	_ =	shalt  }
0x6d: {  	_ =	shalt  }
0x6e: {  	_ =	shalt  }
0x6f: {  	_ =	shalt  }
0x70: {  	_ =	shalt  }
0x71: {  	_ =	shalt  }
0x72: {  	_ =	shalt  }
0x73: {  	_ =	shalt  }
0x74: {  	_ =	shalt  }
0x75: {  	_ =	shalt  }
0x76: {  	_ =	shalt  }
0x77: {  	_ =	shalt  }
0x78: {  	_ =	shalt  }
0x79: {  	_ =	shalt  }
0x7a: {  	_ =	shalt  }
0x7b: {  	_ =	shalt  }
0x7c: {  	_ =	shalt  }
0x7d: {  	_ =	shalt  }
0x7e: {  	_ =	shalt  }
0x7f: {  	_ =	shalt  }
0x80: {  	_ =	shalt  }
0x81: {  	_ =	shalt  }
0x82: {  	_ =	shalt  }
0x83: {  	_ =	shalt  }
0x84: {  	_ =	shalt  }
0x85: {  	_ =	shalt  }
0x86: {  	_ =	shalt  }
0x87: {  	_ =	shalt  }
.Lfunc_end0:
.L_simem_size_0:
called_computation_lowered:
.L_overlay_start_0:
0x88: {  	s2 =	sld [smem:$0x3FD9]  }
0x89: {  	s3 =	sld [smem:$0x3FFE];
	_ =	sdelay $0x1  }
0x8a: {  	s1 =	srdreg.scid  }
0x8b: {  	s0 =	sand.u32 $0x1, s1  }
0x8c: {  	s16 =	sshll.u32 s0, $0xA;
	s2 =	sadd.s32 s3, s2  }
0x8d: {  	s2 =	sadd.s32 s2, s16  }
0x8e: {  	[smem:$0x3FC7] =	sst s2  }
0x8f: {  	_ = 	snop  }
0x90: {  	(tm) =	ssettm $0x1  }
0x91: {  	s17 =	sld [smem:$0x3FFB];
	_ =	sdelay $0x3  }
0x92: {  	_ =	strace s17  }
0x93: {  	s2 =	sld [smem:$0x3FFC];
	_ =	sdelay $0x3  }
0x94: {  	_ =	strace s2  }
0x95: {  	s2 =	sld [smem:$0x3FFD];
	_ =	sdelay $0x3  }
0x96: {  	_ =	strace s2  }
0x97: {  	_ =	strace $0x8FFFFFFF  }
0x98: {  	s18 =	sld [smem:$0x3FDB];
	_ =	sdelay $0x1  }
0x99: {  	s19 =	simm.s32 $_scs_section_size  }
0x9a: {  	s4 =	simm.s32 $_size__tile_overlayer_lowered;
	s5 =	simm.s32 $_tile_overlayer_lowered  }
0x9b: {  	s22 =	simm.s32 $0x1BFF;
	s21 =	sshll.u32 s5, $0x1;
	s2 =	sadd.s32 s19, s18  }
0x9c: {  	s6 =	simm.s32 $0x0;
	s20 =	sshll.u32 s4, $0x1;
	s4 =	sadd.s32 s21, s2  }
0x9d: {  	[timem:s6], [sflag:s22] =	dma.local [hbm:s4], s20  }
0x9e: {  	_ =	swait.ge [sflag:s22], s20  }
0x9f: {  	s3 =	ssub.s32 $0x0, s20;
	[sflag:s22] =	ssyncset.done $0x0  }
0xa0: {  	[sflag:s22] =	ssyncadd.s32 s3;
	_ =	sdelay $0x1  }
0xa1: {  	s23 =	simm.s32 $0x1B8B  }
0xa2: {  	_ =	swait.ge [sflag:s23], $0x1  }
0xa3: {  	[sflag:s23] =	ssyncset.done $0x0  }
0xa4: {  	s25 =	simm.s32 $0x1B8E;
	s24 =	sld [smem:$0x3FFE];
	[sflag:s23] =	ssyncadd.s32 $0xFFFFFFFF  }
0xa5: {  	s26 =	simm.s32 $execute0_lowered;
	[smem:$0x3FD2] =	sst s25  }
0xa6: {  	s4 =	sshll.u32 s26, $0x1;
	_ =	strace $0x80000046;
	[dreg:$0x1] =	wrdreg $0xFFFFFFFF  }
0xa7: {  	s28 =	simm.s32 $_size_execute0_lowered;
	s2 =	sadd.s32 s2, s4;
	[dreg:$0x0] =	wrdreg $0x0  }
0xa8: {  	s4 =	sshll.u32 s28, $0x1;
	[dreg:$0x2] =	wrdreg s2  }
0xa9: {  	[dreg:$0x3] =	wrdreg s4  }
0xaa: {  	[dreg:$0x4] =	wrdreg $0xC0  }
0xab: {  	_ =	task [dreg:s6], $0x5FFFF  }
0xac: {  	[dreg:$0x1] =	wrdreg $0xFFFFFFFF  }
0xad: {  	[dreg:$0x0] =	wrdreg $0x60  }
0xae: {  	[dreg:$0x2] =	wrdreg s24  }
0xaf: {  	[dreg:$0x3] =	wrdreg $0x9  }
0xb0: {  	_ =	task.clear_ibuf [dreg:s6], $0x4FFFF;
	_ =	strace $0x90000046  }
0xb1: {  	s29 =	simm.s32 $0x9;
	_ =	strace $0x80000048  }
0xb2: {  	_ =	swait.ge [sflag:s29], $0x1  }
0xb3: {  	[sflag:s29] =	ssyncadd.s32 $0xFFFFFFFF  }
0xb4: {  	_ =	strace $0x90000048  }
0xb5: {  	_ =	sfence  }
0xb6: {  	s30 =	sld [smem:$0x0];
	_ =	sdelay $0x2  }
0xb7: {  	s31 =	sshll.u32 s1, $0xD;
	s1 =	sshrl.u32 s1, $0x2  }
0xb8: {  	s3 =	sand.u32 $0x4000, s31;
	s1 =	sadd.s32 s1, s30  }
0xb9: {  	s0 =	sor.u32 s3, s0;
	s1 =	sshll.u32 s1, $0x11  }
0xba: {  	s0 =	sor.u32 s1, s0  }
0xbb: {  	s0 =	sadd.s32 $0x8F2B, s0  }
0xbc: {  	[sflag:s0] =	ssyncadd.remote.s32 $0x1  }
0xbd: {  	_ =	sfence.sel $0xFFFF  }
0xbe: {  	[dreg:$0x0] =	wrdreg $0xFFFFFFFF;
	(pc) =	sbr.abs _section_cstart, $3  }
0xbf: {  	[dreg:$0x1] =	wrdreg $0xFFFFFFFF  }
0xc0: {  	_ =	task.clear_ibuf [dreg:s6], $0x2FFFF;
	_ =	strace $0x9FFFFFFF  }
0xc1: {  	(tm) =	ssettm $0x7FFFFFFF  }
tec
execute0_lowered:
.L_overlay_start_1:
0x0: {  	(tag) =	ssettag $0x1  }
0x1: {  	v0 =	vimm.s32 $0xCBA98765  }
0x2: {  	v1 =	vimm.s32 $0x100F0E0D;
	v2 =	vimm.s32 $0x4131211;
	v26 =	vlaneseq.u32  }
0x3: {  	vm2 =	vcmask $0x1F10;
	v5 =	vimm.s32 $0x11100F0E;
	v6 =	vimm.s32 $0x5041312  }
0x4: {  	v7 =	vimm.s32 $0xDCBA9876;
	v8 =	vimm.s32 $0xEDCBA987;
	v9 =	vimm.s32 $0x1211100F  }
0x5: {  	v10 =	vimm.s32 $0x6050413;
	v13 =	vimm.s32 $0xFEDCBA98;
	v14 =	vimm.s32 $0xFEDCBA9  }
0x6: {  	v15 =	vimm.s32 $0x7060504;
	v16 =	vimm.s32 $0x13121110;
	v17 =	vimm.s32 $0x10131211  }
0x7: {  	vm0 =	vcmask $0x1B00;
	vm9 =	vcmask $0x2B1C;
	v18 =	vimm.s32 $0xFEDCBA  }
0x8: {  	vm10 =	vcmask $0x3B2C;
	v19 =	vimm.s32 $0x98765400;
	v20 =	vimm.s32 $0x11101312  }
0x9: {  	vm11 =	vcmask $0x2718;
	vm12 =	vcmask $0x3F28;
	vm1 =	vcmask $0x2314  }
0xa: {  	vm13 =	vcmask $0x3F24;
	v41 =	vimm.s32 $0x7654BA98;
	v44 =	vimm.s32 $0x9876DCBA  }
0xb: {  	v46 =	vimm.s32 $0xA987EDCB;
	vm14 =	vcmask $0x2F10;
	vm15 =	vcmask $0x3F30  }
0xc: {  	v0 =	vunpack.c.l.s4.s8 v0;
	v1 =	vunpack.c.0.s8.s32 v1;
	v2 =	vunpack.c.0.s8.s32 v2  }
0xd: {  	v5 =	vunpack.c.0.s8.s32 v5;
	v6 =	vunpack.c.0.s8.s32 v6;
	v7 =	vunpack.c.l.s4.s8 v7  }
0xe: {  	v8 =	vunpack.c.l.s4.s8 v8;
	v9 =	vunpack.c.0.s8.s32 v9;
	v10 =	vunpack.c.0.s8.s32 v10  }
0xf: {  	v13 =	vunpack.c.l.s4.s8 v13;
	v14 =	vunpack.c.l.s4.s8 v14;
	v15 =	vunpack.c.0.s8.s32 v15  }
0x10: {  	v16 =	vunpack.c.0.s8.s32 v16;
	v17 =	vunpack.c.0.s8.s32 v17;
	v18 =	vunpack.c.l.s4.s8 v18  }
0x11: {  	v19 =	vunpack.c.l.s4.s8 v19;
	v36 =	vunpack.c.0.s8.s32 v20;
	v45 =	vunpack.c.l.s4.s8 v44  }
0x12: {  	v3 =	vunpack.c.0.s8.s32 v0;
	v4 =	vsel vm2, v2, v1;
	v7 =	vunpack.c.0.s8.s32 v7  }
0x13: {  	v11 =	vsel vm2, v6, v5;
	v8 =	vunpack.c.0.s8.s32 v8;
	v12 =	vsel vm2, v10, v9  }
0x14: {  	v13 =	vunpack.c.0.s8.s32 v13;
	v14 =	vunpack.c.0.s8.s32 v14;
	v15 =	vsel vm2, v15, v16  }
0x15: {  	v18 =	vunpack.c.0.s8.s32 v18;
	v38 =	vunpack.c.0.s8.s32 v19;
	v19 =	vimm.s32 $0xBA987654  }
0x16: {  	v19 =	vunpack.c.l.s4.s8 v19;
	v3 =	vand.u32 $0xF, v3;
	v7 =	vand.u32 $0xF, v7  }
0x17: {  	v8 =	vand.u32 $0xF, v8;
	v13 =	vand.u32 $0xF, v13;
	v14 =	vand.u32 $0xF, v14  }
0x18: {  	v37 =	vand.u32 $0xF, v18;
	v18 =	vimm.s32 $0xA9876540;
	v22 =	vcombine.low v3, v4  }
0x19: {  	v39 =	vand.u32 $0xF, v38;
	v23 =	vcombine.low v7, v11;
	v24 =	vcombine.low v8, v12  }
0x1a: {  	v14 =	vnsel vm0, $0x8, v14;
	v25 =	vcombine.low v13, v15;
	v13 =	vsel vm11, v36, v37  }
0x1b: {  	v40 =	vunpack.c.l.s4.s8 v18;
	v18 =	vimm.s32 $0x12111013;
	v19 =	vunpack.c.0.s8.s32 v19  }
0x1c: {  	v30 =	vcombine.low v4, v3;
	v3 =	vimm.s32 $0x8765CBA9;
	v11 =	vcombine.low v11, v7  }
0x1d: {  	v31 =	vcombine.low v12, v8;
	v7 =	vunpack.c.0.s8.s32 v45;
	v14 =	vsel vm9, v17, v14  }
0x1e: {  	v17 =	vimm.s32 $0x4070605;
	v20 =	vsel vm12, v39, v13;
	v13 =	vunpack.c.l.s4.s8 v41  }
0x1f: {  	v8 =	vunpack.c.l.s4.s8 v46;
	v3 =	vunpack.c.l.s4.s8 v3;
	v17 =	vunpack.c.0.s8.s32 v17  }
0x20: {  	v18 =	vunpack.c.0.s8.s32 v18;
	v15 =	vunpack.c.0.s8.s32 v40;
	v4 =	vunpack.c.0.s8.s32 v13  }
0x21: {  	v3 =	vunpack.c.0.s8.s32 v3;
	v27 =	vsel vm10, v17, v14;
	v17 =	vimm.s32 $0xFEDCB  }
0x22: {  	v43 =	vand.u32 $0xF, v19;
	v47 =	vunpack.c.0.s8.s32 v8;
	v17 =	vunpack.c.l.s4.s8 v17  }
0x23: {  	v15 =	vand.u32 $0xF, v15;
	v4 =	vand.u32 $0xF, v4;
	v3 =	vand.u32 $0xF, v3  }
0x24: {  	v2 =	vsel vm14, v3, v2;
	v3 =	vand.u32 $0xF, v7;
	v17 =	vunpack.c.0.s8.s32 v17  }
0x25: {  	v4 =	vsel vm14, v4, v16;
	v57 =	vsel vm15, v1, v2;
	v1 =	vsel vm14, v3, v6  }
0x26: {  	v58 =	vsel vm15, v5, v1;
	v1 =	vand.u32 $0xF, v47;
	v17 =	vand.u32 $0xF, v17  }
0x27: {  	v2 =	vimm.s32 $0x201F1E1D;
	v1 =	vsel vm14, v1, v10;
	v17 =	vsel vm1, v18, v17  }
0x28: {  	v18 =	vimm.s32 $0xF0E0D0C;
	v59 =	vsel vm15, v9, v1;
	v1 =	vimm.s32 $0x21201F1E  }
0x29: {  	v18 =	vunpack.c.0.s8.s32 v18;
	v48 =	vunpack.c.0.s8.s32 v1;
	v1 =	vimm.s32 $0x19181716  }
0x2a: {  	v3 =	vmul.u32 $0xFFFFFFFF, v26;
	v0 =	vunpack.c.0.s8.s32 v2;
	v50 =	vunpack.c.0.s8.s32 v1  }
0x2b: {  	v1 =	vimm.s32 $0x1D1C1B1A;
	v42 =	vsel vm2, v16, v18;
	v32 =	vsel vm15, v18, v4  }
0x2c: {  	v18 =	vadd.s32 $0x10, v3;
	v51 =	vunpack.c.0.s8.s32 v1;
	v1 =	vimm.s32 $0x16151423  }
0x2d: {  	v3 =	vimm.s32 $0x15142322;
	v53 =	vunpack.c.0.s8.s32 v1;
	v1 =	vimm.s32 $0x1A191817  }
0x2e: {  	v49 =	vunpack.c.0.s8.s32 v3;
	v54 =	vunpack.c.0.s8.s32 v1;
	v1 =	vimm.s32 $0x23222120  }
0x2f: {  	v3 =	vimm.s32 $0x2221201F;
	v56 =	vunpack.c.0.s8.s32 v1;
	v1 =	vimm.s32 $0x17161514  }
0x30: {  	v52 =	vunpack.c.0.s8.s32 v3;
	v16 =	vunpack.c.0.s8.s32 v1;
	v1 =	vimm.s32 $0x1F1E1D1C  }
0x31: {  	v3 =	vimm.s32 $0x1E1D1C1B;
	v19 =	vunpack.c.0.s8.s32 v1;
	v1 =	vimm.s32 $0x302F2E2D  }
0x32: {  	v55 =	vunpack.c.0.s8.s32 v3;
	v3 =	vimm.s32 $0x1B1A1918;
	v1 =	vunpack.c.0.s8.s32 v1  }
0x33: {  	v28 =	vsel vm13, v15, v17;
	v17 =	vunpack.c.0.s8.s32 v3;
	v3 =	vimm.s32 $0x24333231  }
0x34: {  	v2 =	vimm.s32 $0x14232221;
	v4 =	vimm.s32 $0x18171615;
	[tilespmem:$0x1FB60] =	vst v1;
	v1 =	vunpack.c.0.s8.s32 v3  }
0x35: {  	v2 =	vunpack.c.0.s8.s32 v2;
	v4 =	vunpack.c.0.s8.s32 v4  }
0x36: {  	[tilespmem:$0x1FB70] =	vst v1;
	v1 =	vimm.s32 $0x28272625  }
0x37: {  	[tilespmem:$0x1FB30] =	vst v0;
	v0 =	vsel vm2, v2, v0;
	v2 =	vsel vm2, v4, v2;
	v1 =	vunpack.c.0.s8.s32 v1  }
0x38: {  	[tilespmem:$0x1FB50] =	vst v2;
	v2 =	vimm.s32 $0x2C2B2A29  }
0x39: {  	[tilespmem:$0x1FB80] =	vst v1;
	v1 =	vunpack.c.0.s8.s32 v2  }
0x3a: {  	v3 =	vimm.s32 $0x31302F2E  }
0x3b: {  	[tilespmem:$0x1FB90] =	vst v1;
	v1 =	vunpack.c.0.s8.s32 v3;
	_ =	sdelay $0x1  }
0x3c: {  	[tilespmem:$0x1FBA0] =	vst v1;
	v1 =	vimm.s32 $0x25243332  }
0x3d: {  	v1 =	vunpack.c.0.s8.s32 v1  }
0x3e: {  	v2 =	vimm.s32 $0x29282726  }
0x3f: {  	[tilespmem:$0x1FBB0] =	vst v1;
	v1 =	vunpack.c.0.s8.s32 v2  }
0x40: {  	v3 =	vimm.s32 $0x2D2C2B2A  }
0x41: {  	[tilespmem:$0x1FBC0] =	vst v1;
	v1 =	vunpack.c.0.s8.s32 v3;
	_ =	sdelay $0x1  }
0x42: {  	[tilespmem:$0x1FBD0] =	vst v1;
	v1 =	vimm.s32 $0x3231302F  }
0x43: {  	v1 =	vunpack.c.0.s8.s32 v1  }
0x44: {  	v2 =	vimm.s32 $0x26252433  }
0x45: {  	[tilespmem:$0x1FBE0] =	vst v1;
	v1 =	vunpack.c.0.s8.s32 v2  }
0x46: {  	v3 =	vimm.s32 $0x2A292827  }
0x47: {  	[tilespmem:$0x1FBF0] =	vst v1;
	v1 =	vunpack.c.0.s8.s32 v3;
	_ =	sdelay $0x1  }
0x48: {  	[tilespmem:$0x1FC00] =	vst v1;
	v1 =	vimm.s32 $0x2E2D2C2B  }
0x49: {  	v1 =	vunpack.c.0.s8.s32 v1  }
0x4a: {  	v2 =	vimm.s32 $0x33323130  }
0x4b: {  	[tilespmem:$0x1FC10] =	vst v1;
	v1 =	vunpack.c.0.s8.s32 v2  }
0x4c: {  	v3 =	vimm.s32 $0x27262524  }
0x4d: {  	[tilespmem:$0x1FC20] =	vst v1;
	v1 =	vunpack.c.0.s8.s32 v3;
	_ =	sdelay $0x1  }
0x4e: {  	[tilespmem:$0x1FC30] =	vst v1;
	v1 =	vimm.s32 $0x2B2A2928  }
0x4f: {  	v1 =	vunpack.c.0.s8.s32 v1  }
0x50: {  	v2 =	vimm.s32 $0x2F2E2D2C  }
0x51: {  	[tilespmem:$0x1FC40] =	vst v1;
	v1 =	vunpack.c.0.s8.s32 v2  }
0x52: {  	v3 =	vimm.s32 $0x403F3E3D  }
0x53: {  	[tilespmem:$0x1FC50] =	vst v1;
	v1 =	vunpack.c.0.s8.s32 v3;
	_ =	sdelay $0x1  }
0x54: {  	[tilespmem:$0x1FC60] =	vst v1;
	v1 =	vimm.s32 $0x34434241  }
0x55: {  	v1 =	vunpack.c.0.s8.s32 v1  }
0x56: {  	v2 =	vimm.s32 $0x38373635  }
0x57: {  	[tilespmem:$0x1FC70] =	vst v1;
	v1 =	vunpack.c.0.s8.s32 v2  }
0x58: {  	v3 =	vimm.s32 $0x3C3B3A39  }
0x59: {  	[tilespmem:$0x1FC80] =	vst v1;
	v1 =	vunpack.c.0.s8.s32 v3;
	_ =	sdelay $0x1  }
0x5a: {  	[tilespmem:$0x1FC90] =	vst v1;
	v1 =	vimm.s32 $0x41403F3E  }
0x5b: {  	v1 =	vunpack.c.0.s8.s32 v1  }
0x5c: {  	v2 =	vimm.s32 $0x35344342  }
0x5d: {  	[tilespmem:$0x1FCA0] =	vst v1;
	v1 =	vunpack.c.0.s8.s32 v2  }
0x5e: {  	v3 =	vimm.s32 $0x39383736  }
0x5f: {  	[tilespmem:$0x1FCB0] =	vst v1;
	v1 =	vunpack.c.0.s8.s32 v3;
	_ =	sdelay $0x1  }
0x60: {  	[tilespmem:$0x1FCC0] =	vst v1;
	v1 =	vimm.s32 $0x3D3C3B3A  }
0x61: {  	v1 =	vunpack.c.0.s8.s32 v1  }
0x62: {  	v2 =	vimm.s32 $0x4241403F  }
0x63: {  	[tilespmem:$0x1FCD0] =	vst v1;
	v1 =	vunpack.c.0.s8.s32 v2  }
0x64: {  	v3 =	vimm.s32 $0x36353443  }
0x65: {  	[tilespmem:$0x1FCE0] =	vst v1;
	v1 =	vunpack.c.0.s8.s32 v3;
	_ =	sdelay $0x1  }
0x66: {  	[tilespmem:$0x1FCF0] =	vst v1;
	v1 =	vimm.s32 $0x3A393837  }
0x67: {  	v1 =	vunpack.c.0.s8.s32 v1  }
0x68: {  	v2 =	vimm.s32 $0x3E3D3C3B  }
0x69: {  	s1 =	srdreg.scid;
	v5 =	vimm.s32 $0x1C1B1A19;
	[tilespmem:$0x1FD00] =	vst v1;
	v1 =	vunpack.c.0.s8.s32 v2  }
0x6a: {  	s0 =	stileid.u32;
	s3 =	sand.u32 $0x1, s1;
	v5 =	vunpack.c.0.s8.s32 v5;
	v3 =	vimm.s32 $0x43424140  }
0x6b: {  	s1 =	sor.u32 s3, s0;
	[tilespmem:$0x1FD10] =	vst v1;
	v1 =	vunpack.c.0.s8.s32 v3  }
0x6c: {  	s4 =	rddreg [dreg:$0x0];
	p0 =	seq.s32 s1, $0x0;
	s1 =	simm.s32 $0x0;
	[tilespmem:$0x1FB40] =	vst v5  }
0x6d: {  	[smem:$0x7FF] =	sst s1;
	[tilespmem:$0x1FD20] =	vst v1  }
0x6e: {  	s2 =	rddreg [dreg:$0x1];
	_ =	strace $0x80000047;
	[tilespmem:$0x1FD60] =	vst v48  }
0x6f: {  	[tilespmem:$0x1FD70] =	vst v49  }
0x70: {  	[tilespmem:$0x1FD80] =	vst v50  }
0x71: {  	[tilespmem:$0x1FD90] =	vst v51  }
0x72: {  	v5 =	vsel vm2, v5, v4;
	[tilespmem:$0x1FDA0] =	vst v0  }
0x73: {  	v4 =	vsel vm2, v51, v50;
	[tilespmem:$0x1FDB0] =	vst v5  }
0x74: {  	[tilespmem:$0x1FDD0] =	vst v4  }
0x75: {  	[tilespmem:$0x1FDF0] =	vst v52  }
0x76: {  	[tilespmem:$0x1FE00] =	vst v53  }
0x77: {  	[tilespmem:$0x1FE10] =	vst v54  }
0x78: {  	[tilespmem:$0x1FE20] =	vst v55  }
0x79: {  	[tilespmem:$0x1FE30] =	vst v56  }
0x7a: {  	[tilespmem:$0x1FE40] =	vst v16  }
0x7b: {  	[tilespmem:$0x1FE50] =	vst v17  }
0x7c: {  	[tilespmem:$0x1FE60] =	vst v19  }
0x7d: {  	[tilespmem:$0x1FED0] =	vst v24  }
0x7e: {  	[tilespmem:$0x1FEE0] =	vst v22  }
0x7f: {  	[tilespmem:$0x1FEF0] =	vst v27  }
0x80: {  	v29 =	vcombine.low v42, v43;
	[tilespmem:$0x1FF00] =	vst v20  }
0x81: {  	[tilespmem:$0x1FF10] =	vst v28  }
0x82: {  	[tilespmem:$0x1FF20] =	vst v29  }
0x83: {  	[tilespmem:$0x1FF30] =	vst v30  }
0x84: {  	[tilespmem:$0x1FF40] =	vst v11  }
0x85: {  	[tilespmem:$0x1FF50] =	vst v25  }
0x86: {  	[tilespmem:$0x1FF60] =	vst v57  }
0x87: {  	[tilespmem:$0x1FF70] =	vst v58  }
0x88: {  	v63 =	vcombine.low v5, v0;
	[tilespmem:$0x1FF80] =	vst v59  }
0x89: {  	[tilespmem:$0x1FFB0] =	vst v31  }
0x8a: {  	[tilespmem:$0x1FFC0] =	vst v63  }
0x8b: {  	v1 =	vimm.s32 $0x37363534;
	[tilespmem:$0x1FFD0] =	vst v32  }
0x8c: {  	v62 =	vadd.s32 $0x14, v26;
	v1 =	vunpack.c.0.s8.s32 v1;
	[tilespmem:$0x1FFE0] =	vst v23  }
0x8d: {  	v2 =	vimm.s32 $0x3B3A3938;
	[tilespmem:$0x1FFF0] =	vst v62  }
0x8e: {  	v5 =	vsel vm2, v19, v17;
	[tilespmem:$0x1FD30] =	vst v1;
	v1 =	vunpack.c.0.s8.s32 v2  }
0x8f: {  	v3 =	vimm.s32 $0x3F3E3D3C;
	[tilespmem:$0x1FEB0] =	vst v5;
	v2 =	vmul.u32 $0x80, v26  }
0x90: {  	p1 =	seq.s32 s3, $0x1;
	[tilespmem:$0x1FD40] =	vst v1;
	v1 =	vunpack.c.0.s8.s32 v3  }
0x91: {  	p0 =	por !p0, !p1;
	[tilespmem:$0x1FF90] =	vst v2  }
0x92: {  	s5 =	simm.s32 $0x1;
	p0 =	por !p0, !p0;
	v3 =	vadd.s32 $0x4, v26;
	[tilespmem:$0x1FD50] =	vst v1;
	v1 =	vsel vm2, v49, v48  }
0x93: {  	s5 =	simm.s32 @!p0 $0x0;
	[tilespmem:$0x1FFA0] =	vst v3;
	v0 =	vcombine.low v4, v1  }
0x94: {  	s5 =	ssub.s32 s0, s5;
	[tilespmem:$0x1FDC0] =	vst v1  }
0x95: {  	s6 =	sshll.u32 s3, $0x11;
	s5 =	sshll.u32 s5, $0x12;
	v1 =	vsel vm2, v55, v54;
	[tilespmem:$0x1FDE0] =	vst v0;
	v0 =	vsel vm2, v53, v52  }
0x96: {  	s7 =	sadd.s32 $0x400, s4;
	s3 =	ssub.s32 $0x2, s3;
	s5 =	sor.u32 s6, s5;
	[tilespmem:$0x1FE70] =	vst v0;
	v0 =	vcombine.low v1, v0  }
0x97: {  	s8 =	sadd.s32 $0x80400, s4;
	s31 =	sshrl.u32 s3, $0x1;
	s5 =	sshrl.u32 s5, $0x3;
	v4 =	vsel vm2, v16, v56;
	[tilespmem:$0x1FE80] =	vst v1  }
0x98: {  	s9 =	ssub.s32 s3, s31;
	s3 =	simm.s32 $0x1;
	s10 =	sor.u32 $0x2000, s5;
	[tilespmem:$0x1FE90] =	vst v0;
	v0 =	vcombine.low v5, v4  }
0x99: {  	s4 =	sadd.s32 s7, s5;
	s5 =	sadd.s32 s8, s5;
	s6 =	sadd.s32 s7, s10;
	[tilespmem:$0x1FEA0] =	vst v4  }
0x9a: {  	v21 =	vimm.s32 $0x0;
	s7 =	sadd.s32 s8, s10;
	s8 =	smax.u32 s9, $0x1;
	s9 =	simm.s32 $0x0;
	[tilespmem:$0x1FEC0] =	vst v0  }
.LBB2_1:
0x9b: {  	[tilespmem:s1], [sflag:$0x1] =	stream.linear.gather [hbm4b:s4+s1], $0x10000, $0x38;
	[tilespmem:$0x10000] =	vst v63  }
0x9c: {  	_ =	swait.ge [sflag:s3], $0x10000  }
0x9d: {  	[sflag:s3] =	ssyncset.done $0x0  }
0x9e: {  	s10 =	simm.s32 $0x0;
	vm3 =	vcmask $0x1F10;
	[sflag:s3] =	ssyncadd.s32 $0xFFFF0000  }
.LBB2_2:
0x9f: {  	v1 =	vmov s10  }
0xa0: {  	v1 =	vshll.u32 v1, $0x7  }
0xa1: {  	v0 =	vld [tilespmem:$0x1FF40];
	v56 =	vor.u32 v2, v1  }
0xa2: {  	v1 =	vor.u32 v3, v56  }
0xa3: {  	v2 =	vor.u32 v22, v56  }
0xa4: {  	v3 =	vor.u32 v23, v56  }
0xa5: {  	v15 =	vld [tilespmem:$0x1FB40];
	v4 =	vor.u32 v24, v56  }
0xa6: {  	v5 =	vor.u32 v25, v56;
	v11 =	vor.u32 v0, v56;
	v0 =	vld [tilespmem:$0x1FB30]  }
0xa7: {  	v6 =	vor.u32 v27, v56;
	v1 =	vld.idx.msk [tilespmem:v1+s1+$0x0], $0xffff  }
0xa8: {  	v7 =	vor.u32 v20, v56;
	v2 =	vld.idx.msk [tilespmem:v2+s1+$0x0], $0xffff  }
0xa9: {  	v8 =	vor.u32 v28, v56;
	v3 =	vld.idx.msk [tilespmem:v3+s1+$0x0], $0xffff  }
0xaa: {  	v9 =	vor.u32 v29, v56;
	v4 =	vld.idx.msk [tilespmem:v4+s1+$0x0], $0xffff  }
0xab: {  	v10 =	vor.u32 v30, v56;
	v5 =	vld.idx.msk [tilespmem:v5+s1+$0x0], $0xffff  }
0xac: {  	v6 =	vld.idx.msk [tilespmem:v6+s1+$0x0], $0xffff  }
0xad: {  	v12 =	vor.u32 v31, v56;
	v7 =	vld.idx.msk [tilespmem:v7+s1+$0x0], $0xffff  }
0xae: {  	v8 =	vld.idx.msk [tilespmem:v8+s1+$0x0], $0xffff  }
0xaf: {  	v9 =	vld.idx.msk [tilespmem:v9+s1+$0x0], $0xffff  }
0xb0: {  	v24 =	vor.u32 v59, v56;
	v10 =	vld.idx.msk [tilespmem:v10+s1+$0x0], $0xffff  }
0xb1: {  	v11 =	vld.idx.msk [tilespmem:v11+s1+$0x0], $0xffff  }
0xb2: {  	v12 =	vld.idx.msk [tilespmem:v12+s1+$0x0], $0xffff  }
0xb3: {  	v61 =	vsel vm3, v0, v15;
	v0 =	vld [tilespmem:$0x1FDE0];
	_ =	sdelay $0x1  }
0xb4: {  	v33 =	vld.idx.msk [tilespmem:v24+s1+$0x0], $0xffff;
	v24 =	vmax.f32 v1, v2  }
0xb5: {  	v27 =	vmax.f32 v3, v4;
	v28 =	vmax.f32 v5, v6;
	v29 =	vmax.f32 v7, v8  }
0xb6: {  	v30 =	vmax.f32 v9, v10;
	v34 =	vmax.f32 v11, v12;
	v24 =	vmax.f32 v24, v27  }
0xb7: {  	v27 =	vmax.f32 v28, v29;
	v28 =	vmax.f32 v30, v34;
	v30 =	vor.u32 v0, v56;
	v0 =	vld [tilespmem:$0x1FE90];
	_ =	sdelay $0x1  }
0xb8: {  	v20 =	vld [tilespmem:$0x1FB50];
	_ =	sdelay $0x2  }
0xb9: {  	v37 =	vor.u32 v0, v56;
	v0 =	vld [tilespmem:$0x1FEC0];
	_ =	sdelay $0x1  }
0xba: {  	v15 =	vcombine.low v61, v20;
	_ =	sdelay $0x1  }
0xbb: {  	[tilespmem:$0x1FA50] =	vst v15;
	v39 =	vor.u32 v15, v56;
	v15 =	vld [tilespmem:$0x1FD80]  }
0xbc: {  	v38 =	vor.u32 v0, v56;
	v0 =	vld [tilespmem:$0x1FD70];
	_ =	sdelay $0x4  }
0xbd: {  	v40 =	vsel vm3, v15, v0;
	v0 =	vld [tilespmem:$0x1FD60]  }
0xbe: {  	v15 =	vld [tilespmem:$0x1FD90];
	_ =	sdelay $0x1  }
0xbf: {  	v13 =	vor.u32 v32, v56  }
0xc0: {  	v14 =	vor.u32 v57, v56  }
0xc1: {  	v16 =	vld [tilespmem:$0x1FE10];
	v17 =	vor.u32 v58, v56  }
0xc2: {  	v41 =	vsel vm3, v0, v15;
	v15 =	vld [tilespmem:$0x1FE00];
	_ =	sdelay $0x1  }
0xc3: {  	v13 =	vld.idx.msk [tilespmem:v13+s1+$0x0], $0xffff  }
0xc4: {  	v14 =	vld.idx.msk [tilespmem:v14+s1+$0x0], $0xffff  }
0xc5: {  	v17 =	vld.idx.msk [tilespmem:v17+s1+$0x0], $0xffff  }
0xc6: {  	v43 =	vsel vm3, v16, v15;
	v15 =	vld [tilespmem:$0x1FDF0]  }
0xc7: {  	v16 =	vld [tilespmem:$0x1FE20]  }
0xc8: {  	v19 =	vld [tilespmem:$0x1FE50]  }
0xc9: {  	v22 =	vld [tilespmem:$0x1FBD0]  }
0xca: {  	v23 =	vld [tilespmem:$0x1FBE0]  }
0xcb: {  	v25 =	vld [tilespmem:$0x1FC00];
	v35 =	vmax.f32 v13, v14;
	v36 =	vmax.f32 v17, v33  }
0xcc: {  	v29 =	vmax.f32 v35, v36;
	v44 =	vsel vm3, v15, v16;
	v16 =	vld [tilespmem:$0x1FE40]  }
0xcd: {  	v24 =	vmax.f32 v24, v27;
	v27 =	vmax.f32 v28, v29;
	v28 =	vld [tilespmem:$0x1FC30]  }
0xce: {  	v39 =	vld.idx.msk [tilespmem:v39+s1+$0x0], $0xffff  }
0xcf: {  	v60 =	vmax.f32 v24, v27;
	v24 =	vld [tilespmem:$0x1FBF0]  }
0xd0: {  	v29 =	vor.u32 v63, v56;
	v27 =	vld [tilespmem:$0x1FC20]  }
0xd1: {  	vm0 =	veq.f32 v1, v60;
	vm1 =	veq.f32 v2, v60;
	v42 =	vsel vm3, v19, v16;
	v16 =	vld [tilespmem:$0x1FE30]  }
0xd2: {  	v1 =	vsel vm0, $0x1, v21;
	v2 =	vsel vm1, $0x2, v21;
	v15 =	vcombine.low v44, v43;
	v19 =	vld [tilespmem:$0x1FE60]  }
0xd3: {  	vm0 =	veq.f32 v4, v60;
	v1 =	vor.u32 v1, v2;
	v2 =	vld [tilespmem:$0x1FDA0]  }
0xd4: {  	v4 =	vsel vm0, $0x8, v21;
	vm0 =	veq.f32 v7, v60;
	[tilespmem:$0x1FA70] =	vst v15;
	v55 =	vor.u32 v15, v56;
	v15 =	vld [tilespmem:$0x1FDB0]  }
0xd5: {  	v63 =	vld.idx.msk [tilespmem:v30+s1+$0x0], $0xffff;
	v7 =	vsel vm0, $0x40, v21  }
0xd6: {  	v30 =	vld [tilespmem:$0x1FC50];
	vm0 =	veq.f32 v10, v60;
	v10 =	vor.u32 v62, v56;
	v0 =	vcombine.low v41, v40  }
0xd7: {  	v62 =	vsel vm0, $0x200, v21;
	vm0 =	veq.f32 v11, v60;
	v11 =	vld.idx.msk [tilespmem:v29+s1+$0x0], $0xffff;
	v45 =	vsel vm3, v16, v19  }
0xd8: {  	v29 =	vld [tilespmem:$0x1FC40];
	[tilespmem:$0x1FA60] =	vst v0;
	v46 =	vor.u32 v0, v56;
	v0 =	vcombine.low v45, v42  }
0xd9: {  	v15 =	vcombine.low v2, v15;
	v2 =	vor.u32 v4, v1;
	v1 =	vld [tilespmem:$0x1FDD0]  }
0xda: {  	[tilespmem:$0x1FA80] =	vst v0;
	v47 =	vor.u32 v0, v56;
	v0 =	vld [tilespmem:$0x1FDC0]  }
0xdb: {  	v37 =	vld.idx.msk [tilespmem:v37+s1+$0x0], $0xffff  }
0xdc: {  	vm2 =	veq.f32 v3, v60;
	v10 =	vld.idx.msk [tilespmem:v10+s1+$0x0], $0xffff  }
0xdd: {  	v3 =	vsel vm2, $0x4, v21;
	v38 =	vld.idx.msk [tilespmem:v38+s1+$0x0], $0xffff  }
0xde: {  	v3 =	vor.u32 v3, v2;
	v2 =	vld [tilespmem:$0x1FE80]  }
0xdf: {  	vm2 =	veq.f32 v6, v60;
	v0 =	vcombine.low v0, v1;
	v1 =	vld [tilespmem:$0x1FE70]  }
0xe0: {  	v6 =	vsel vm2, $0x20, v21;
	v46 =	vld.idx.msk [tilespmem:v46+s1+$0x0], $0xffff  }
0xe1: {  	vm1 =	veq.f32 v5, v60;
	v4 =	vor.u32 v6, v3;
	v3 =	vld [tilespmem:$0x1FB90]  }
0xe2: {  	v5 =	vsel vm1, $0x10, v21;
	vm1 =	veq.f32 v8, v60;
	vm2 =	veq.f32 v9, v60;
	v19 =	vld [tilespmem:$0x1FBB0]  }
0xe3: {  	v8 =	vsel vm1, $0x80, v21;
	vm1 =	veq.f32 v12, v60;
	v48 =	vor.u32 v15, v56;
	v42 =	vld.idx.msk [tilespmem:v55+s1+$0x0], $0xffff  }
0xe4: {  	v5 =	vor.u32 v5, v4;
	[tilespmem:$0x1FAA0] =	vst v0;
	v49 =	vor.u32 v0, v56;
	v0 =	vld [tilespmem:$0x1FEA0];
	v1 =	vcombine.low v1, v2  }
0xe5: {  	v9 =	vsel vm2, $0x100, v21;
	v57 =	vsel vm1, $0x800, v21;
	v6 =	vor.u32 v8, v5;
	v2 =	vld [tilespmem:$0x1FEB0]  }
0xe6: {  	vm1 =	veq.f32 v13, v60;
	v4 =	vld [tilespmem:$0x1FBA0];
	[tilespmem:$0x1FAB0] =	vst v1;
	v50 =	vor.u32 v1, v56;
	v1 =	vcombine.low v20, v61  }
0xe7: {  	v58 =	vsel vm0, $0x400, v21;
	vm0 =	veq.f32 v14, v60;
	v7 =	vor.u32 v7, v6;
	v20 =	vld [tilespmem:$0x1FBC0]  }
0xe8: {  	v13 =	vsel vm0, $0x2000, v21;
	v6 =	vmovc v1;
	v35 =	vor.u32 v1, v56;
	v1 =	vcombine.low v43, v44;
	v43 =	vld.idx.msk [tilespmem:v48+s1+$0x0], $0xffff  }
0xe9: {  	vm0 =	veq.f32 v33, v60;
	v32 =	vsel vm3, v27, v30;
	v7 =	vor.u32 v62, v7;
	v44 =	vld.idx.msk [tilespmem:v49+s1+$0x0], $0xffff  }
0xea: {  	v31 =	vsel vm3, v29, v28;
	v7 =	vor.u32 v9, v7;
	v0 =	vcombine.low v0, v2;
	v2 =	vld [tilespmem:$0x1FB80]  }
0xeb: {  	v45 =	vsel vm3, v24, v23;
	v7 =	vor.u32 v57, v7;
	[tilespmem:$0x1FAE0] =	vst v1;
	v9 =	vor.u32 v1, v56;
	v1 =	vld [tilespmem:$0x1FB70]  }
0xec: {  	[tilespmem:$0x1FAC0] =	vst v0;
	v8 =	vor.u32 v0, v56;
	v0 =	vcombine.low v40, v41;
	v41 =	vld.idx.msk [tilespmem:v47+s1+$0x0], $0xffff  }
0xed: {  	v55 =	vsel vm3, v28, v27;
	v14 =	vmax.f32 v46, v42;
	v7 =	vor.u32 v58, v7;
	v47 =	vld.idx.msk [tilespmem:v50+s1+$0x0], $0xffff  }
0xee: {  	v58 =	vsel vm3, v30, v29;
	v7 =	vor.u32 v13, v7;
	v12 =	vor.u32 v0, v56;
	v49 =	vld.idx.msk [tilespmem:v35+s1+$0x0], $0xffff  }
0xef: {  	v13 =	vsel vm0, $0x8000, v21;
	v36 =	vsel vm3, v22, v20;
	[tilespmem:$0x1FAD0] =	vst v0;
	v0 =	vld [tilespmem:$0x1FB60];
	v35 =	vsel vm3, v19, v4  }
0xf0: {  	v19 =	vsel vm3, v20, v19;
	v20 =	vsel vm3, v4, v22;
	v22 =	vsel vm3, v25, v24;
	v40 =	vld.idx.msk [tilespmem:v9+s1+$0x0], $0xffff  }
0xf1: {  	v34 =	vsel vm3, v3, v2;
	v9 =	vmax.f32 v10, v11;
	v48 =	vld.idx.msk [tilespmem:v8+s1+$0x0], $0xffff;
	v8 =	vsel vm1, $0x1000, v21  }
0xf2: {  	vm1 =	veq.f32 v17, v60;
	v17 =	vmax.f32 v41, v43;
	v7 =	vor.u32 v8, v7  }
0xf3: {  	v59 =	vmax.f32 v44, v47;
	v8 =	vsel vm1, $0x4000, v21;
	v50 =	vld.idx.msk [tilespmem:v12+s1+$0x0], $0xffff;
	v7 =	vor.u32 v13, v7  }
0xf4: {  	v12 =	vmax.f32 v63, v37;
	v13 =	vmax.f32 v38, v39;
	v33 =	vsel vm3, v1, v0  }
0xf5: {  	v7 =	vor.u32 v8, v7;
	v9 =	vmax.f32 v9, v12;
	v12 =	vmax.f32 v13, v14  }
0xf6: {  	v13 =	vmax.f32 v17, v59;
	v59 =	vsel vm3, v2, v1;
	v8 =	vshll.u32 v7, v26  }
0xf7: {  	v2 =	vcombine.low v19, v20;
	v7 =	vshrl.u32 v7, v18;
	v8 =	vand.u32 $0xFFFF, v8  }
0xf8: {  	v60 =	vmax.f32 v48, v49;
	v7 =	vor.u32 v7, v8;
	v61 =	vmax.f32 v50, v40  }
0xf9: {  	v9 =	vmax.f32 v9, v12;
	v8 =	vsub.s32 $0x0, v7;
	v14 =	vmax.f32 v60, v61  }
0xfa: {  	v57 =	vand.u32 v8, v7;
	v7 =	vadd.s32 $0x24, v26;
	v8 =	vcombine.low v34, v33  }
0xfb: {  	v60 =	vsel vm3, v0, v3;
	v34 =	vcombine.low v33, v34;
	v12 =	vmax.f32 v13, v14  }
0xfc: {  	v26 =	vld [tilespmem:$0x1FC10];
	v14 =	vor.u32 v7, v56;
	v13 =	vcombine.low v58, v55;
	v0 =	vcombine.low v60, v59  }
0xfd: {  	v51 =	vmax.f32 v9, v12;
	v9 =	vcombine.low v36, v35;
	v17 =	vor.u32 v8, v56  }
0xfe: {  	[tilespmem:$0x1FA90] =	vst v15;
	v35 =	vcombine.low v35, v36;
	v27 =	vor.u32 v34, v56;
	vm0 =	veq.f32 v10, v51  }
0xff: {  	v15 =	vor.u32 v13, v56;
	[tilespmem:$0x1FAF0] =	vst v0;
	v16 =	vor.u32 v0, v56;
	v0 =	vcombine.low v20, v19  }
0x100: {  	v52 =	vsel vm0, $0x1, v21;
	vm0 =	veq.f32 v11, v51;
	v62 =	vor.u32 v9, v56  }
0x101: {  	v28 =	vld [tilespmem:$0x1FC90];
	v53 =	vsel vm0, $0x2, v21;
	vm0 =	veq.f32 v63, v51;
	v54 =	vsel vm3, v26, v25  }
0x102: {  	v25 =	vsel vm3, v23, v26;
	v10 =	vcombine.low v54, v45;
	v61 =	vsel vm0, $0x4, v21;
	v26 =	vld.idx.msk [tilespmem:v14+s1+$0x0], $0xffff  }
0x103: {  	v5 =	vld [tilespmem:$0x1FD50];
	v14 =	vmovc v0;
	v0 =	vcombine.low v25, v22;
	vm0 =	veq.f32 v37, v51;
	v19 =	vor.u32 v52, v53  }
0x104: {  	v3 =	vcombine.low v22, v25;
	v37 =	vor.u32 v14, v56;
	v25 =	vld.idx.msk [tilespmem:v27+s1+$0x0], $0xffff;
	v27 =	vor.u32 v2, v56  }
0x105: {  	v23 =	vld.idx.msk [tilespmem:v17+s1+$0x0], $0xffff;
	v63 =	vor.u32 v10, v56;
	v17 =	vmovc v0;
	v0 =	vcombine.low v32, v31;
	v31 =	vsel vm0, $0x8, v21  }
0x106: {  	vm0 =	veq.f32 v38, v51;
	v15 =	vld.idx.msk [tilespmem:v15+s1+$0x0], $0xffff;
	v38 =	vcombine.low v45, v54;
	v45 =	vor.u32 v35, v56  }
0x107: {  	v36 =	vor.u32 v3, v56;
	v32 =	vld.idx.msk [tilespmem:v62+s1+$0x0], $0xffff;
	v62 =	vor.u32 v17, v56;
	v24 =	vsel vm0, $0x10, v21  }
0x108: {  	v16 =	vld.idx.msk [tilespmem:v16+s1+$0x0], $0xffff;
	vm0 =	veq.f32 v39, v51;
	v39 =	vcombine.low v55, v58;
	v19 =	vor.u32 v31, v19  }
0x109: {  	v33 =	vmovc v0;
	v0 =	vor.u32 v0, v56;
	v54 =	vsel vm0, $0x20, v21;
	vm0 =	veq.f32 v46, v51;
	v55 =	vld.idx.msk [tilespmem:v37+s1+$0x0], $0xffff  }
0x10a: {  	v58 =	vor.u32 v38, v56;
	v19 =	vor.u32 v61, v19;
	v22 =	vsel vm0, $0x40, v21;
	v63 =	vld.idx.msk [tilespmem:v63+s1+$0x0], $0xffff  }
0x10b: {  	vm0 =	veq.f32 v42, v51;
	v19 =	vor.u32 v54, v19;
	v37 =	vcombine.low v59, v60;
	v31 =	vld.idx.msk [tilespmem:v45+s1+$0x0], $0xffff  }
0x10c: {  	v60 =	vsel vm0, $0x80, v21;
	v19 =	vor.u32 v24, v19;
	v46 =	vld.idx.msk [tilespmem:v62+s1+$0x0], $0xffff;
	v62 =	vor.u32 v39, v56  }
0x10d: {  	v19 =	vor.u32 v60, v19;
	v53 =	vld.idx.msk [tilespmem:v36+s1+$0x0], $0xffff;
	v20 =	vor.u32 v37, v56  }
0x10e: {  	vm0 =	veq.f32 v41, v51;
	v19 =	vor.u32 v22, v19;
	v22 =	vld.idx.msk [tilespmem:v27+s1+$0x0], $0xffff  }
0x10f: {  	v1 =	vlaneseq.u32;
	v61 =	vsel vm0, $0x100, v21;
	vm0 =	veq.f32 v43, v51;
	v0 =	vld.idx.msk [tilespmem:v0+s1+$0x0], $0xffff  }
0x110: {  	vm2 =	veq.f32 v50, v51;
	v43 =	vsel vm0, $0x200, v21;
	vm0 =	veq.f32 v44, v51;
	v41 =	vld.idx.msk [tilespmem:v58+s1+$0x0], $0xffff  }
0x111: {  	vm9 =	veq.f32 v40, v51;
	v44 =	vsel vm0, $0x400, v21;
	vm0 =	veq.f32 v47, v51;
	v24 =	vld.idx.msk [tilespmem:v62+s1+$0x0], $0xffff  }
0x112: {  	v19 =	vor.u32 v43, v19;
	v27 =	vsel vm0, $0x800, v21;
	vm0 =	veq.f32 v48, v51;
	v20 =	vld.idx.msk [tilespmem:v20+s1+$0x0], $0xffff  }
0x113: {  	v30 =	vld [tilespmem:$0x1FCB0];
	v19 =	vor.u32 v61, v19;
	v42 =	vsel vm0, $0x1000, v21;
	vm0 =	veq.f32 v49, v51  }
0x114: {  	v4 =	vld [tilespmem:$0x1FC80];
	v19 =	vor.u32 v27, v19;
	v27 =	vmax.f32 v26, v23;
	v62 =	vmax.f32 v15, v16  }
0x115: {  	[tilespmem:$0x1FB10] =	vst v3;
	v3 =	vld [tilespmem:$0x1FC70];
	v36 =	vmax.f32 v55, v46;
	v58 =	vmax.f32 v0, v25;
	v59 =	vmax.f32 v31, v41  }
0x116: {  	v43 =	vsel vm0, $0x2000, v21;
	v62 =	vmax.f32 v62, v36;
	v36 =	vmax.f32 v58, v59;
	v59 =	vld [tilespmem:$0x1FCC0]  }
0x117: {  	v29 =	vld [tilespmem:$0x1FCA0];
	v45 =	vmax.f32 v32, v63;
	v61 =	vmax.f32 v22, v53;
	v60 =	vmax.f32 v24, v20  }
0x118: {  	v12 =	vld [tilespmem:$0x1FD40];
	v19 =	vor.u32 v44, v19;
	v27 =	vmax.f32 v27, v45;
	v54 =	vmax.f32 v60, v61  }
0x119: {  	[tilespmem:$0x1FB00] =	vst v2;
	v2 =	vld [tilespmem:$0x1FC60];
	v19 =	vor.u32 v43, v19;
	v27 =	vmax.f32 v27, v62;
	v58 =	vmax.f32 v36, v54  }
0x11a: {  	v40 =	vadd.s32 $0x34, v1;
	v47 =	vld [tilespmem:$0x1FCE0];
	v19 =	vor.u32 v42, v19;
	v27 =	vmax.f32 v27, v58  }
0x11b: {  	v48 =	vld [tilespmem:$0x1FCF0];
	v54 =	vsel vm3, v4, v3;
	v58 =	vsel vm3, v59, v30;
	vm1 =	veq.f32 v26, v27  }
0x11c: {  	v62 =	vld [tilespmem:$0x1FD20];
	vm4 =	veq.f32 v23, v27;
	vm15 =	veq.f32 v32, v27;
	vm0 =	veq.f32 v63, v27  }
0x11d: {  	v60 =	vld [tilespmem:$0x1FD00];
	vm13 =	veq.f32 v15, v27;
	vm14 =	veq.f32 v16, v27;
	vm11 =	veq.f32 v55, v27  }
0x11e: {  	v61 =	vld [tilespmem:$0x1FD10];
	vm12 =	veq.f32 v46, v27;
	vm7 =	veq.f32 v0, v27;
	vm10 =	veq.f32 v25, v27  }
0x11f: {  	vm5 =	veq.f32 v31, v27;
	vm8 =	veq.f32 v41, v27;
	vm6 =	veq.f32 v24, v27;
	v46 =	vld [tilespmem:$0x1FCD0]  }
0x120: {  	v0 =	vimm.s32 $0x0;
	v15 =	vsel vm3, v3, v2;
	v16 =	vsel vm3, v28, v4;
	v63 =	vld [tilespmem:$0x1FD30]  }
0x121: {  	v23 =	vsel vm3, v30, v29;
	v25 =	vsel vm3, v48, v47;
	v32 =	vsel vm3, v5, v12  }
0x122: {  	v55 =	vsel vm3, v2, v28;
	v0 =	vsel vm6, $0xFFFFFFFF, v0;
	v36 =	vcombine.low v16, v15  }
0x123: {  	vm6 =	veq.f32 v20, v27;
	v45 =	vcombine.low v55, v54;
	v26 =	vsel vm3, v61, v60  }
0x124: {  	[tilespmem:$0x1FB20] =	vst v0;
	v0 =	vor.u32 v40, v56;
	v43 =	vcombine.low v26, v25;
	v24 =	vsel vm3, v46, v59  }
0x125: {  	v20 =	vor.u32 v36, v56;
	v31 =	vsel vm3, v63, v62;
	v42 =	vcombine.low v24, v23  }
0x126: {  	v60 =	vsel vm3, v60, v48;
	v50 =	vor.u32 v43, v56;
	v44 =	vcombine.low v32, v31  }
0x127: {  	v59 =	vsel vm3, v29, v46;
	v41 =	vsel vm3, v12, v63;
	v49 =	vor.u32 v42, v56  }
0x128: {  	v62 =	vsel vm3, v62, v5;
	v46 =	vcombine.low v59, v58;
	v51 =	vor.u32 v44, v56  }
0x129: {  	v61 =	vsel vm3, v47, v61;
	v52 =	vor.u32 v45, v56;
	v41 =	vcombine.low v62, v41;
	v0 =	vld.idx.msk [tilespmem:v0+s1+$0x0], $0xffff  }
0x12a: {  	v47 =	vcombine.low v61, v60;
	v63 =	vsel vm1, $0x1, v21;
	v20 =	vld.idx.msk [tilespmem:v20+s1+$0x0], $0xffff;
	v62 =	vor.u32 v46, v56  }
0x12b: {  	vm1 =	veq.f32 v22, v27;
	v28 =	vld.idx.msk [tilespmem:v50+s1+$0x0], $0xffff;
	v50 =	vcombine.low v23, v24;
	v23 =	vor.u32 v41, v56  }
0x12c: {  	v22 =	vld.idx.msk [tilespmem:v49+s1+$0x0], $0xffff;
	v49 =	vcombine.low v15, v16;
	v15 =	vor.u32 v47, v56;
	v16 =	vsel vm4, $0x2, v21  }
0x12d: {  	vm4 =	veq.f32 v53, v27;
	v24 =	vld.idx.msk [tilespmem:v51+s1+$0x0], $0xffff;
	v51 =	vcombine.low v25, v26;
	v27 =	vor.u32 v50, v56  }
0x12e: {  	v26 =	vld.idx.msk [tilespmem:v52+s1+$0x0], $0xffff;
	v52 =	vcombine.low v31, v32;
	v31 =	vsel vm0, $0x8, v21;
	v25 =	vor.u32 v49, v56  }
0x12f: {  	v32 =	vld.idx.msk [tilespmem:v62+s1+$0x0], $0xffff;
	v53 =	vcombine.low v54, v55;
	v16 =	vor.u32 v63, v16;
	v62 =	vor.u32 v51, v56  }
0x130: {  	v54 =	vcombine.low v58, v59;
	v16 =	vor.u32 v31, v16;
	v31 =	vor.u32 v52, v56;
	v23 =	vld.idx.msk [tilespmem:v23+s1+$0x0], $0xffff  }
0x131: {  	v48 =	vsel vm15, $0x4, v21;
	v55 =	vcombine.low v60, v61;
	v59 =	vor.u32 v53, v56;
	v15 =	vld.idx.msk [tilespmem:v15+s1+$0x0], $0xffff  }
0x132: {  	v60 =	vsel vm14, $0x20, v21;
	v58 =	vor.u32 v54, v56;
	v16 =	vor.u32 v48, v16;
	v27 =	vld.idx.msk [tilespmem:v27+s1+$0x0], $0xffff  }
0x133: {  	v61 =	vsel vm9, $0x8000, v21;
	v16 =	vor.u32 v60, v16;
	v60 =	vor.u32 v55, v56;
	v25 =	vld.idx.msk [tilespmem:v25+s1+$0x0], $0xffff  }
0x134: {  	v29 =	vmax.f32 v0, v20;
	v19 =	vor.u32 v61, v19;
	v48 =	vsel vm13, $0x10, v21;
	v62 =	vld.idx.msk [tilespmem:v62+s1+$0x0], $0xffff  }
0x135: {  	v61 =	vsel vm2, $0x4000, v21;
	v16 =	vor.u32 v48, v16;
	v48 =	vsel vm12, $0x80, v21;
	v31 =	vld.idx.msk [tilespmem:v31+s1+$0x0], $0xffff  }
0x136: {  	v19 =	vor.u32 v61, v19;
	v16 =	vor.u32 v48, v16;
	v48 =	vsel vm11, $0x40, v21;
	v59 =	vld.idx.msk [tilespmem:v59+s1+$0x0], $0xffff  }
0x137: {  	v61 =	vsel vm8, $0x800, v21;
	v16 =	vor.u32 v48, v16;
	v48 =	vsel vm10, $0x200, v21;
	v58 =	vld.idx.msk [tilespmem:v58+s1+$0x0], $0xffff  }
0x138: {  	v30 =	vmax.f32 v22, v28;
	v16 =	vor.u32 v48, v16;
	v48 =	vsel vm7, $0x100, v21;
	v60 =	vld.idx.msk [tilespmem:v60+s1+$0x0], $0xffff  }
0x139: {  	v29 =	vmax.f32 v29, v30;
	v16 =	vor.u32 v48, v16;
	v48 =	vshll.u32 v19, v1  }
0x13a: {  	v19 =	vshrl.u32 v19, v18;
	v16 =	vor.u32 v61, v16;
	v61 =	vand.u32 $0xFFFF, v48  }
0x13b: {  	v30 =	vmax.f32 v24, v26;
	v48 =	vsel vm5, $0x400, v21;
	v19 =	vor.u32 v19, v61  }
0x13c: {  	v16 =	vor.u32 v48, v16;
	v61 =	vmax.f32 v32, v15;
	v48 =	vmax.f32 v23, v25  }
0x13d: {  	v1 =	vmax.f32 v27, v62;
	v2 =	vmax.f32 v31, v59;
	v3 =	vmax.f32 v58, v60  }
0x13e: {  	v30 =	vmax.f32 v30, v61;
	v1 =	vmax.f32 v48, v1;
	v2 =	vmax.f32 v2, v3  }
0x13f: {  	v3 =	vmax.f32 v29, v30;
	v1 =	vmax.f32 v1, v2  }
0x140: {  	v1 =	vmax.f32 v3, v1;
	v3 =	vld [tilespmem:$0x1FB20];
	_ =	sdelay $0x3  }
0x141: {  	v2 =	vsel vm6, $0x2000, v21  }
0x142: {  	v2 =	vor.u32 v2, v16;
	vm0 =	vnez.u8 v3  }
0x143: {  	v16 =	vor.u32 $0x1, v56;
	vm2 =	veq.f32 v20, v1;
	v3 =	vsel vm0, $0x1000, v21  }
0x144: {  	v20 =	vor.u32 $0x2, v56;
	vm0 =	veq.f32 v0, v1;
	v2 =	vor.u32 v3, v2  }
0x145: {  	v0 =	vsel vm0, $0x1, v21;
	vm0 =	veq.f32 v28, v1;
	v3 =	vsel vm2, $0x2, v21  }
0x146: {  	vm2 =	veq.f32 v22, v1;
	v0 =	vor.u32 v0, v3;
	v3 =	vsel vm0, $0x8, v21  }
0x147: {  	vm0 =	veq.f32 v26, v1;
	v0 =	vor.u32 v3, v0;
	v3 =	vsel vm2, $0x4, v21  }
0x148: {  	vm2 =	veq.f32 v24, v1;
	v0 =	vor.u32 v3, v0;
	v3 =	vsel vm0, $0x20, v21  }
0x149: {  	vm0 =	veq.f32 v15, v1;
	v0 =	vor.u32 v3, v0;
	v3 =	vsel vm2, $0x10, v21  }
0x14a: {  	vm2 =	veq.f32 v32, v1;
	v0 =	vor.u32 v3, v0;
	v3 =	vsel vm0, $0x80, v21  }
0x14b: {  	vm0 =	veq.f32 v25, v1;
	v0 =	vor.u32 v3, v0;
	v3 =	vsel vm2, $0x40, v21  }
0x14c: {  	vm2 =	veq.f32 v23, v1;
	v0 =	vor.u32 v3, v0;
	v3 =	vsel vm0, $0x200, v21  }
0x14d: {  	vm0 =	veq.f32 v62, v1;
	v0 =	vor.u32 v3, v0;
	v3 =	vsel vm2, $0x100, v21  }
0x14e: {  	vm2 =	veq.f32 v27, v1;
	v0 =	vor.u32 v3, v0;
	v3 =	vsel vm0, $0x800, v21  }
0x14f: {  	vm0 =	veq.f32 v59, v1;
	v0 =	vor.u32 v3, v0;
	v3 =	vsel vm2, $0x400, v21  }
0x150: {  	v15 =	vsel vm0, $0x2000, v21;
	v0 =	vor.u32 v3, v0;
	v3 =	vsel vm4, $0x8000, v21  }
0x151: {  	vm0 =	veq.f32 v31, v1;
	v2 =	vor.u32 v3, v2;
	v0 =	vor.u32 v15, v0  }
0x152: {  	v3 =	vsel vm1, $0x4000, v21;
	v15 =	vsel vm0, $0x1000, v21;
	vm0 =	veq.f32 v60, v1  }
0x153: {  	vm1 =	veq.f32 v58, v1;
	v1 =	vsel vm0, $0x8000, v21;
	v0 =	vor.u32 v15, v0  }
0x154: {  	v2 =	vor.u32 v3, v2;
	v3 =	vsel vm1, $0x4000, v21;
	v0 =	vor.u32 v1, v0  }
0x155: {  	v11 =	vld [tilespmem:$0x1FF40];
	v26 =	vlaneseq.u32;
	v1 =	vsub.s32 $0x0, v19;
	v0 =	vor.u32 v3, v0  }
0x156: {  	v63 =	vld [tilespmem:$0x1FFC0];
	v15 =	vshll.u32 v2, v26;
	v2 =	vshrl.u32 v2, v18;
	v3 =	vshll.u32 v0, v26  }
0x157: {  	v30 =	vld [tilespmem:$0x1FF30];
	v15 =	vand.u32 $0xFFFF, v15;
	v0 =	vshrl.u32 v0, v18;
	v3 =	vand.u32 $0xFFFF, v3  }
0x158: {  	v29 =	vld [tilespmem:$0x1FF20];
	v1 =	vand.u32 v1, v19;
	v0 =	vor.u32 v0, v3;
	v3 =	vor.u32 $0x3, v56  }
0x159: {  	v28 =	vld [tilespmem:$0x1FF10];
	v19 =	vcvt.s32.f32 v57;
	v2 =	vor.u32 v2, v15;
	v15 =	vsub.s32 $0x0, v0  }
0x15a: {  	v22 =	vld [tilespmem:$0x1FEE0];
	v1 =	vcvt.s32.f32 v1;
	v0 =	vand.u32 v15, v0;
	v15 =	vsub.s32 $0x0, v2  }
0x15b: {  	v2 =	vand.u32 v15, v2;
	v0 =	vcvt.s32.f32 v0;
	v15 =	vld.idx.msk [tilespmem:v16+s1+$0x0], $0xffff  }
0x15c: {  	v1 =	vshrl.u32 v1, $0x13;
	v16 =	vshrl.u32 v19, $0x17;
	v19 =	vld.idx.msk [tilespmem:v20+s1+$0x0], $0xffff;
	v2 =	vcvt.s32.f32 v2  }
0x15d: {  	v1 =	vand.u32 $0xFF0, v1;
	v0 =	vshrl.u32 v0, $0x13;
	v3 =	vld.idx.msk [tilespmem:v3+s1+$0x0], $0xffff  }
0x15e: {  	v24 =	vld [tilespmem:$0x1FED0];
	v1 =	vadd.s32 $0xFFFFF810, v1;
	v2 =	vshrl.u32 v2, $0x17;
	v0 =	vand.u32 $0xFF0, v0  }
0x15f: {  	v32 =	vld [tilespmem:$0x1FFD0];
	v16 =	vadd.s32 $0xFFFFFF81, v16;
	v2 =	vadd.s32 $0xFFFFFF81, v2;
	v0 =	vadd.s32 $0xFFFFF810, v0  }
0x160: {  	v1 =	vor.u32 v16, v1;
	v0 =	vor.u32 v2, v0;
	v2 =	vld.idx.msk [tilespmem:v56+s1+$0x0], $0xffff;
	vm0 =	vgt.f32 v15, $5.000000000e-01  }
0x161: {  	v25 =	vld [tilespmem:$0x1FF50];
	vm1 =	vgt.f32 v19, $5.000000000e-01;
	v15 =	vor.u32 v1, v0;
	v16 =	vxor.u32 v1, v0  }
0x162: {  	v23 =	vld [tilespmem:$0x1FFE0];
	v0 =	vand.u32 v1, v0;
	vm2 =	vgt.f32 v3, $5.000000000e-01;
	v1 =	vsel vm1, v15, v16  }
0x163: {  	v62 =	vld [tilespmem:$0x1FFF0];
	v0 =	vsel vm0, v0, v1;
	vm1 =	vmor vm1, vm2  }
0x164: {  	v27 =	vld [tilespmem:$0x1FEF0];
	vm0 =	vmor vm0, vm1;
	v1 =	vshra.s32 v0, $0x4  }
0x165: {  	v59 =	vld [tilespmem:$0x1FF80];
	v0 =	vand.u32 $0xF, v0;
	vm1 =	vge.f32 v2, $5.000000000e-01;
	v1 =	vadd.s32 $0x54, v1  }
0x166: {  	v31 =	vld [tilespmem:$0x1FFB0];
	v0 =	vor.u32 v56, v0;
	vm0 =	vmand vm1, vm0;
	v2 =	vand.u32 $0xFFFFFF80, v1  }
0x167: {  	v58 =	vld [tilespmem:$0x1FF70];
	v0 =	vadd.s32 $0x44, v0;
	v1 =	vand.u32 $0x7F, v1;
	v2 =	vadd.s32 v56, v2  }
0x168: {  	p0 =	sne.s32 s10, $0x1F0;
	v57 =	vld [tilespmem:$0x1FF60];
	v1 =	vor.u32 v1, v2  }
.Ltmp0:
0x169: {  	v20 =	vld [tilespmem:$0x1FF00];
	(pc) =	sbr.rel @p0 .LBB2_2-.Ltmp0, $4  }
0x16a: {  	v3 =	vld [tilespmem:$0x1FFA0]  }
0x16b: {  	v4 =	vimm.f32 $2.000000000e+00;
	v2 =	vld [tilespmem:$0x1FF90]  }
0x16c: {  	[tilespmem:v0+s1+$0x0] =	vst.idx.add.f32.msk vm0, v4;
	v0 =	vimm.f32 $2.000000000e+00  }
0x16d: {  	s10 =	sadd.s32 $0x10, s10;
	[tilespmem:v1+s1+$0x0] =	vst.idx.add.f32.msk vm0, v0  }
0x16e: {  	s10 =	simm.s32 $0x0  }
0x16f: {  	[hbm4b:s5+s10] =	stream.linear.scatter [tilespmem:s10], [sflag:$0x1], $0x10000, $0x38;
	[tilespmem:$0x10000] =	vst v63  }
0x170: {  	_ =	swait.ge [sflag:s3], $0x10000  }
0x171: {  	[sflag:s3] =	ssyncset.done $0x0  }
0x172: {  	[sflag:s3] =	ssyncadd.s32 $0xFFFF0000  }
0x173: {  	[tilespmem:s10], [sflag:$0x1] =	stream.linear.gather [hbm4b:s6+s10], $0x10000, $0x38;
	[tilespmem:$0x10000] =	vst v63  }
0x174: {  	_ =	swait.ge [sflag:s3], $0x10000  }
0x175: {  	[tilespmem:$0x1FA10] =	vst v6  }
0x176: {  	[tilespmem:$0x1FA20] =	vst v37  }
0x177: {  	[sflag:s3] =	ssyncset.done $0x0;
	[tilespmem:$0x1FA30] =	vst v41  }
0x178: {  	v12 =	vld [tilespmem:$0x1FAC0];
	[tilespmem:$0x1FA40] =	vst v17;
	[sflag:s3] =	ssyncadd.s32 $0xFFFF0000  }
.LBB2_4:
0x179: {  	v0 =	vmov s10  }
0x17a: {  	v0 =	vshll.u32 v0, $0x7  }
0x17b: {  	v4 =	vld [tilespmem:$0x1FFF0];
	v56 =	vor.u32 v2, v0  }
0x17c: {  	v0 =	vor.u32 v3, v56  }
0x17d: {  	v1 =	vor.u32 v22, v56  }
0x17e: {  	v2 =	vor.u32 v23, v56  }
0x17f: {  	v3 =	vor.u32 v24, v56  }
0x180: {  	v15 =	vor.u32 v25, v56;
	v62 =	vor.u32 v4, v56;
	v4 =	vld [tilespmem:$0x1FDE0]  }
0x181: {  	v16 =	vor.u32 v27, v56;
	v0 =	vld.idx.msk [tilespmem:v0+s1+$0x0], $0xffff  }
0x182: {  	v19 =	vor.u32 v20, v56;
	v1 =	vld.idx.msk [tilespmem:v1+s1+$0x0], $0xffff  }
0x183: {  	v20 =	vor.u32 v28, v56;
	v2 =	vld.idx.msk [tilespmem:v2+s1+$0x0], $0xffff  }
0x184: {  	v22 =	vor.u32 v29, v56;
	v3 =	vld.idx.msk [tilespmem:v3+s1+$0x0], $0xffff  }
0x185: {  	v23 =	vor.u32 v30, v56;
	v15 =	vld.idx.msk [tilespmem:v15+s1+$0x0], $0xffff  }
0x186: {  	v24 =	vor.u32 v11, v56;
	v16 =	vld.idx.msk [tilespmem:v16+s1+$0x0], $0xffff  }
0x187: {  	v25 =	vor.u32 v31, v56;
	v19 =	vld.idx.msk [tilespmem:v19+s1+$0x0], $0xffff  }
0x188: {  	v26 =	vor.u32 v32, v56;
	v20 =	vld.idx.msk [tilespmem:v20+s1+$0x0], $0xffff  }
0x189: {  	v27 =	vor.u32 v57, v56;
	v22 =	vld.idx.msk [tilespmem:v22+s1+$0x0], $0xffff  }
0x18a: {  	v28 =	vor.u32 v58, v56;
	v23 =	vld.idx.msk [tilespmem:v23+s1+$0x0], $0xffff  }
0x18b: {  	v29 =	vor.u32 v59, v56;
	v24 =	vld.idx.msk [tilespmem:v24+s1+$0x0], $0xffff  }
0x18c: {  	v25 =	vld.idx.msk [tilespmem:v25+s1+$0x0], $0xffff  }
0x18d: {  	v26 =	vld.idx.msk [tilespmem:v26+s1+$0x0], $0xffff  }
0x18e: {  	v27 =	vld.idx.msk [tilespmem:v27+s1+$0x0], $0xffff  }
0x18f: {  	v28 =	vld.idx.msk [tilespmem:v28+s1+$0x0], $0xffff;
	v30 =	vmax.f32 v0, v1  }
0x190: {  	v29 =	vld.idx.msk [tilespmem:v29+s1+$0x0], $0xffff;
	v31 =	vmax.f32 v2, v3;
	v32 =	vmax.f32 v15, v16;
	v37 =	vmax.f32 v19, v20  }
0x191: {  	v41 =	vmax.f32 v22, v23;
	v48 =	vmax.f32 v24, v25;
	v30 =	vmax.f32 v30, v31  }
0x192: {  	v31 =	vmax.f32 v32, v37;
	v37 =	vmax.f32 v41, v48;
	v48 =	vor.u32 v4, v56;
	v4 =	vld [tilespmem:$0x1FE90];
	_ =	sdelay $0x2  }
0x193: {  	v60 =	vmax.f32 v26, v27;
	v61 =	vmax.f32 v28, v29  }
0x194: {  	v41 =	vmax.f32 v60, v61  }
0x195: {  	v30 =	vmax.f32 v30, v31;
	v31 =	vmax.f32 v37, v41;
	v37 =	vor.u32 v4, v56;
	v4 =	vld [tilespmem:$0x1FEC0];
	_ =	sdelay $0x4  }
0x196: {  	v30 =	vmax.f32 v30, v31;
	v31 =	vor.u32 v4, v56;
	v4 =	vld [tilespmem:$0x1FA60];
	_ =	sdelay $0x4  }
0x197: {  	v41 =	vor.u32 v4, v56  }
0x198: {  	v6 =	vld [tilespmem:$0x1FAB0]  }
0x199: {  	v5 =	vld [tilespmem:$0x1FAA0]  }
0x19a: {  	vm0 =	veq.f32 v0, v30;
	vm1 =	veq.f32 v1, v30;
	v1 =	vld [tilespmem:$0x1FA50]  }
0x19b: {  	v58 =	vsel vm0, $0x1, v21;
	v60 =	vsel vm1, $0x2, v21;
	v4 =	vld [tilespmem:$0x1FA80]  }
0x19c: {  	vm12 =	veq.f32 v19, v30;
	v19 =	vor.u32 v58, v60;
	v58 =	vld.idx.msk [tilespmem:v41+s1+$0x0], $0xffff  }
0x19d: {  	v41 =	vor.u32 v6, v56;
	v6 =	vld [tilespmem:$0x1FA10]  }
0x19e: {  	vm9 =	veq.f32 v3, v30;
	v3 =	vld [tilespmem:$0x1FA70]  }
0x19f: {  	v5 =	vor.u32 v5, v56;
	vm8 =	veq.f32 v2, v30;
	v2 =	vld.idx.msk [tilespmem:v48+s1+$0x0], $0xffff  }
0x1a0: {  	v32 =	vor.u32 v63, v56;
	v63 =	vld.idx.msk [tilespmem:v37+s1+$0x0], $0xffff  }
0x1a1: {  	v37 =	vor.u32 v4, v56;
	v4 =	vld [tilespmem:$0x1FA90]  }
0x1a2: {  	v48 =	vsel vm9, $0x8, v21;
	v57 =	vor.u32 v6, v56;
	v6 =	vld [tilespmem:$0x1FAD0]  }
0x1a3: {  	v19 =	vor.u32 v48, v19;
	v48 =	vor.u32 v12, v56  }
0x1a4: {  	v5 =	vld.idx.msk [tilespmem:v5+s1+$0x0], $0xffff;
	v1 =	vor.u32 v1, v56  }
0x1a5: {  	v0 =	vld.idx.msk [tilespmem:v62+s1+$0x0], $0xffff;
	vm11 =	veq.f32 v16, v30;
	v59 =	vsel vm8, $0x4, v21  }
0x1a6: {  	v32 =	vld.idx.msk [tilespmem:v32+s1+$0x0], $0xffff;
	v19 =	vor.u32 v59, v19;
	v16 =	vor.u32 v4, v56;
	v4 =	vsel vm11, $0x20, v21  }
0x1a7: {  	v3 =	vor.u32 v3, v56;
	v4 =	vor.u32 v4, v19;
	v19 =	vor.u32 v6, v56;
	v6 =	vld [tilespmem:$0x1FAE0]  }
0x1a8: {  	vm10 =	veq.f32 v15, v30;
	vm13 =	veq.f32 v20, v30;
	vm4 =	veq.f32 v24, v30;
	v24 =	vld.idx.msk [tilespmem:v48+s1+$0x0], $0xffff  }
0x1a9: {  	vm14 =	veq.f32 v22, v30;
	vm15 =	veq.f32 v23, v30;
	vm5 =	veq.f32 v25, v30;
	v1 =	vld.idx.msk [tilespmem:v1+s1+$0x0], $0xffff  }
0x1aa: {  	vm6 =	veq.f32 v26, v30;
	vm7 =	veq.f32 v27, v30;
	v15 =	vld.idx.msk [tilespmem:v31+s1+$0x0], $0xffff;
	v31 =	vsel vm10, $0x10, v21  }
0x1ab: {  	vm2 =	veq.f32 v28, v30;
	v20 =	vld.idx.msk [tilespmem:v37+s1+$0x0], $0xffff;
	v37 =	vsel vm13, $0x80, v21;
	v4 =	vor.u32 v31, v4  }
0x1ac: {  	v61 =	vsel vm12, $0x40, v21;
	v3 =	vld.idx.msk [tilespmem:v3+s1+$0x0], $0xffff;
	v4 =	vor.u32 v37, v4;
	v22 =	vor.u32 v6, v56  }
0x1ad: {  	v62 =	vsel vm5, $0x800, v21;
	v23 =	vld.idx.msk [tilespmem:v41+s1+$0x0], $0xffff;
	v41 =	vsel vm15, $0x200, v21;
	v4 =	vor.u32 v61, v4  }
0x1ae: {  	v27 =	vsel vm7, $0x2000, v21;
	v31 =	vsel vm14, $0x100, v21;
	v16 =	vld.idx.msk [tilespmem:v16+s1+$0x0], $0xffff;
	v4 =	vor.u32 v41, v4  }
0x1af: {  	vm1 =	veq.f32 v29, v30;
	v60 =	vor.u32 v33, v56;
	v25 =	vld.idx.msk [tilespmem:v57+s1+$0x0], $0xffff;
	v4 =	vor.u32 v31, v4  }
0x1b0: {  	v59 =	vor.u32 v7, v56;
	v48 =	vsel vm4, $0x400, v21;
	v4 =	vor.u32 v62, v4;
	v19 =	vld.idx.msk [tilespmem:v19+s1+$0x0], $0xffff  }
0x1b1: {  	v28 =	vmax.f32 v2, v63;
	v29 =	vmax.f32 v15, v1;
	v4 =	vor.u32 v48, v4;
	v22 =	vld.idx.msk [tilespmem:v22+s1+$0x0], $0xffff  }
0x1b2: {  	v30 =	vmax.f32 v58, v3;
	v4 =	vor.u32 v27, v4;
	v27 =	vmax.f32 v0, v32  }
0x1b3: {  	v27 =	vmax.f32 v27, v28;
	v28 =	vmax.f32 v29, v30;
	v29 =	vor.u32 v9, v56  }
0x1b4: {  	v11 =	vld [tilespmem:$0x1FB00];
	v26 =	vsel vm6, $0x1000, v21  }
0x1b5: {  	v57 =	vmax.f32 v5, v23;
	v48 =	vor.u32 v8, v56;
	v31 =	vmax.f32 v20, v16;
	v6 =	vld [tilespmem:$0x1FAF0]  }
0x1b6: {  	v60 =	vld.idx.msk [tilespmem:v60+s1+$0x0], $0xffff;
	v37 =	vmax.f32 v24, v25;
	v30 =	vmax.f32 v31, v57;
	v41 =	vmax.f32 v19, v22  }
0x1b7: {  	v57 =	vor.u32 v26, v4;
	v26 =	vld.idx.msk [tilespmem:v59+s1+$0x0], $0xffff;
	v31 =	vmax.f32 v37, v41;
	v37 =	vor.u32 v10, v56  }
0x1b8: {  	v27 =	vmax.f32 v27, v28;
	v29 =	vld.idx.msk [tilespmem:v29+s1+$0x0], $0xffff;
	v41 =	vor.u32 v17, v56;
	v28 =	vmax.f32 v30, v31  }
0x1b9: {  	v17 =	vmovc v7;
	v7 =	vor.u32 v38, v56;
	v30 =	vor.u32 v13, v56;
	v4 =	vmax.f32 v27, v28  }
0x1ba: {  	v27 =	vor.u32 v6, v56;
	vm8 =	veq.f32 v0, v4;
	vm3 =	veq.f32 v32, v4;
	v0 =	vld.idx.msk [tilespmem:v48+s1+$0x0], $0xffff  }
0x1bb: {  	v32 =	vsel vm3, $0x2, v21;
	vm3 =	veq.f32 v20, v4;
	v20 =	vor.u32 v11, v56;
	v11 =	vld [tilespmem:$0x1FB10]  }
0x1bc: {  	v28 =	vor.u32 v14, v56;
	vm9 =	veq.f32 v2, v4;
	vm10 =	veq.f32 v63, v4;
	v2 =	vld.idx.msk [tilespmem:v37+s1+$0x0], $0xffff  }
0x1bd: {  	v63 =	vor.u32 v34, v56;
	vm11 =	veq.f32 v15, v4;
	vm14 =	veq.f32 v3, v4;
	v3 =	vld.idx.msk [tilespmem:v41+s1+$0x0], $0xffff  }
0x1be: {  	vm12 =	veq.f32 v1, v4;
	v15 =	vor.u32 v35, v56;
	v37 =	vmovc v33;
	v33 =	vmov v9;
	v9 =	vld [tilespmem:$0x1FA20]  }
0x1bf: {  	vm13 =	veq.f32 v58, v4;
	v58 =	vor.u32 v39, v56;
	vm15 =	veq.f32 v16, v4;
	v7 =	vld.idx.msk [tilespmem:v7+s1+$0x0], $0xffff  }
0x1c0: {  	vm4 =	veq.f32 v5, v4;
	vm5 =	veq.f32 v23, v4;
	v23 =	vor.u32 v40, v56;
	v30 =	vld.idx.msk [tilespmem:v30+s1+$0x0], $0xffff  }
0x1c1: {  	vm6 =	veq.f32 v24, v4;
	vm7 =	veq.f32 v25, v4;
	v25 =	vor.u32 v45, v56;
	v1 =	vld.idx.msk [tilespmem:v27+s1+$0x0], $0xffff  }
0x1c2: {  	v31 =	vsel vm8, $0x1, v21;
	v61 =	vsel vm9, $0x4, v21;
	v62 =	vsel vm10, $0x8, v21;
	v28 =	vld.idx.msk [tilespmem:v28+s1+$0x0], $0xffff  }
0x1c3: {  	v6 =	vsel vm12, $0x20, v21;
	v5 =	vor.u32 v31, v32;
	v16 =	vld.idx.msk [tilespmem:v63+s1+$0x0], $0xffff;
	v31 =	vor.u32 v11, v56  }
0x1c4: {  	v48 =	vsel vm13, $0x40, v21;
	v5 =	vor.u32 v62, v5;
	v15 =	vld.idx.msk [tilespmem:v15+s1+$0x0], $0xffff;
	v9 =	vor.u32 v9, v56  }
0x1c5: {  	vm8 =	veq.f32 v19, v4;
	vm9 =	veq.f32 v22, v4;
	v5 =	vor.u32 v61, v5;
	v24 =	vld.idx.msk [tilespmem:v58+s1+$0x0], $0xffff  }
0x1c6: {  	v41 =	vmovc v39;
	v27 =	vsel vm11, $0x10, v21;
	v63 =	vor.u32 v36, v56;
	v5 =	vor.u32 v6, v5;
	v19 =	vld.idx.msk [tilespmem:v20+s1+$0x0], $0xffff  }
0x1c7: {  	v39 =	vmovc v35;
	v35 =	vmovc v14;
	v14 =	vmov v8;
	v8 =	vsel vm14, $0x80, v21;
	v5 =	vor.u32 v27, v5;
	v11 =	vld [tilespmem:$0x1FA30]  }
0x1c8: {  	v62 =	vor.u32 v47, v56;
	v22 =	vmax.f32 v26, v0;
	v4 =	vor.u32 v8, v5;
	v5 =	vld.idx.msk [tilespmem:v31+s1+$0x0], $0xffff  }
0x1c9: {  	v58 =	vor.u32 v46, v56;
	v20 =	vor.u32 v43, v56;
	v27 =	vmax.f32 v29, v2;
	v6 =	vld.idx.msk [tilespmem:v9+s1+$0x0], $0xffff  }
0x1ca: {  	v8 =	vor.u32 v44, v56;
	v4 =	vor.u32 v48, v4;
	v48 =	vmovc v38;
	v22 =	vmax.f32 v22, v27  }
0x1cb: {  	v59 =	vmax.f32 v28, v3;
	v32 =	vld.idx.msk [tilespmem:v63+s1+$0x0], $0xffff;
	v61 =	vmax.f32 v60, v16;
	v63 =	vmax.f32 v15, v7  }
0x1cc: {  	v38 =	vmovc v34;
	v31 =	vmax.f32 v30, v1;
	v11 =	vor.u32 v11, v56;
	v61 =	vmax.f32 v61, v63  }
0x1cd: {  	v34 =	vmovc v13;
	v63 =	vor.u32 v50, v56;
	v27 =	vmax.f32 v31, v59;
	v31 =	vor.u32 v49, v56  }
0x1ce: {  	v13 =	vmovc v10;
	v9 =	vor.u32 v42, v56;
	v59 =	vmax.f32 v19, v5;
	v10 =	vmax.f32 v24, v6  }
0x1cf: {  	v22 =	vmax.f32 v22, v27;
	v27 =	vld.idx.msk [tilespmem:v58+s1+$0x0], $0xffff;
	v58 =	vor.u32 v51, v56;
	v10 =	vmax.f32 v10, v59  }
0x1d0: {  	v59 =	vsel vm15, $0x200, v21;
	v10 =	vmax.f32 v61, v10;
	v61 =	vld.idx.msk [tilespmem:v62+s1+$0x0], $0xffff;
	v62 =	vor.u32 v52, v56  }
0x1d1: {  	v23 =	vld.idx.msk [tilespmem:v23+s1+$0x0], $0xffff;
	v4 =	vor.u32 v59, v4;
	v59 =	vsel vm2, $0x4000, v21;
	v10 =	vmax.f32 v22, v10  }
0x1d2: {  	v22 =	vor.u32 v53, v56;
	vm15 =	veq.f32 v26, v10;
	v26 =	vld.idx.msk [tilespmem:v31+s1+$0x0], $0xffff;
	v31 =	vor.u32 v54, v56  }
0x1d3: {  	v25 =	vld.idx.msk [tilespmem:v25+s1+$0x0], $0xffff;
	vm11 =	veq.f32 v0, v10;
	vm10 =	veq.f32 v29, v10;
	v29 =	vor.u32 v55, v56  }
0x1d4: {  	v0 =	vld.idx.msk [tilespmem:v63+s1+$0x0], $0xffff;
	v63 =	vsel vm1, $0x8000, v21;
	vm12 =	veq.f32 v2, v10;
	v2 =	vsel vm3, $0x100, v21  }
0x1d5: {  	v20 =	vld.idx.msk [tilespmem:v20+s1+$0x0], $0xffff;
	vm13 =	veq.f32 v30, v10;
	v30 =	vsel vm4, $0x400, v21;
	vm14 =	veq.f32 v1, v10  }
0x1d6: {  	v8 =	vld.idx.msk [tilespmem:v8+s1+$0x0], $0xffff;
	vm4 =	veq.f32 v16, v10;
	v16 =	vsel vm9, $0x8000, v21;
	vm2 =	veq.f32 v15, v10  }
0x1d7: {  	v11 =	vld.idx.msk [tilespmem:v11+s1+$0x0], $0xffff;
	vm3 =	veq.f32 v7, v10;
	vm9 =	veq.f32 v6, v10;
	v6 =	vimm.s32 $0x0  }
0x1d8: {  	v9 =	vld.idx.msk [tilespmem:v9+s1+$0x0], $0xffff;
	v7 =	vimm.s32 $0x0;
	v6 =	vsel vm9, $0xFFFFFFFF, v6;
	vm9 =	veq.f32 v5, v10  }
0x1d9: {  	v58 =	vld.idx.msk [tilespmem:v58+s1+$0x0], $0xffff;
	v5 =	vimm.s32 $0x0;
	v2 =	vor.u32 v2, v4;
	[tilespmem:$0x1F9E0] =	vst v6;
	v6 =	vimm.s32 $0x0  }
0x1da: {  	v5 =	vsel vm9, $0xFFFFFFFF, v5;
	v1 =	vld.idx.msk [tilespmem:v62+s1+$0x0], $0xffff;
	v62 =	vsel vm5, $0x800, v21;
	vm5 =	veq.f32 v28, v10  }
0x1db: {  	v28 =	vsel vm6, $0x1000, v21;
	vm6 =	veq.f32 v3, v10;
	v3 =	vsel vm7, $0x2000, v21;
	v22 =	vld.idx.msk [tilespmem:v22+s1+$0x0], $0xffff  }
0x1dc: {  	vm7 =	veq.f32 v60, v10;
	v60 =	vsel vm8, $0x4000, v21;
	vm8 =	veq.f32 v24, v10;
	v31 =	vld.idx.msk [tilespmem:v31+s1+$0x0], $0xffff  }
0x1dd: {  	[tilespmem:$0x1FA00] =	vst v5;
	v5 =	vmax.f32 v23, v32;
	v7 =	vsel vm8, $0xFFFFFFFF, v7;
	vm8 =	veq.f32 v19, v10;
	v29 =	vld.idx.msk [tilespmem:v29+s1+$0x0], $0xffff  }
0x1de: {  	v10 =	vmax.f32 v27, v61;
	v2 =	vor.u32 v62, v2;
	v6 =	vsel vm8, $0xFFFFFFFF, v6  }
0x1df: {  	[tilespmem:$0x1F9D0] =	vst v7;
	v7 =	vmax.f32 v8, v25;
	v15 =	vmax.f32 v11, v26;
	v19 =	vmax.f32 v0, v58  }
0x1e0: {  	v2 =	vor.u32 v30, v2;
	[tilespmem:$0x1F9F0] =	vst v6;
	v6 =	vmax.f32 v9, v20;
	v7 =	vmax.f32 v7, v10  }
0x1e1: {  	v10 =	vmax.f32 v15, v19;
	v15 =	vsel vm5, $0x40, v21;
	v2 =	vor.u32 v3, v2  }
0x1e2: {  	v5 =	vmax.f32 v5, v6;
	v24 =	vmax.f32 v1, v22;
	v6 =	vmax.f32 v31, v29  }
0x1e3: {  	v19 =	vsel vm6, $0x80, v21;
	v2 =	vor.u32 v28, v2;
	v6 =	vmax.f32 v24, v6  }
0x1e4: {  	v4 =	vmax.f32 v5, v7;
	v7 =	vsel vm10, $0x4, v21;
	v5 =	vmax.f32 v10, v6  }
0x1e5: {  	v6 =	vsel vm11, $0x2, v21;
	v10 =	vsel vm13, $0x10, v21;
	v4 =	vmax.f32 v4, v5  }
0x1e6: {  	v5 =	vsel vm15, $0x1, v21;
	vm0 =	veq.f32 v23, v4;
	vm11 =	veq.f32 v32, v4  }
0x1e7: {  	vm10 =	veq.f32 v9, v4;
	v9 =	vsel vm12, $0x8, v21;
	vm1 =	veq.f32 v20, v4  }
0x1e8: {  	vm12 =	veq.f32 v8, v4;
	v8 =	vsel vm14, $0x20, v21;
	vm15 =	veq.f32 v25, v4  }
0x1e9: {  	vm9 =	veq.f32 v27, v4;
	vm14 =	veq.f32 v61, v4;
	v20 =	vsel vm7, $0x100, v21  }
0x1ea: {  	vm8 =	veq.f32 v11, v4;
	vm13 =	veq.f32 v26, v4;
	v23 =	vsel vm2, $0x400, v21  }
0x1eb: {  	vm6 =	veq.f32 v0, v4;
	vm2 =	veq.f32 v58, v4;
	vm5 =	veq.f32 v31, v4  }
0x1ec: {  	vm7 =	veq.f32 v29, v4;
	v24 =	vsel vm0, $0x1, v21;
	vm0 =	veq.f32 v1, v4  }
0x1ed: {  	v1 =	vsel vm11, $0x2, v21;
	vm11 =	veq.f32 v22, v4;
	v4 =	vor.u32 v63, v57  }
0x1ee: {  	v2 =	vor.u32 v16, v2;
	v26 =	vlaneseq.u32;
	v4 =	vor.u32 v59, v4  }
0x1ef: {  	v2 =	vor.u32 v60, v2;
	v3 =	vor.u32 v5, v6;
	v5 =	vshll.u32 v4, v26  }
0x1f0: {  	v22 =	vsel vm10, $0x4, v21;
	v4 =	vshrl.u32 v4, v18;
	v5 =	vand.u32 $0xFFFF, v5  }
0x1f1: {  	v25 =	vsel vm1, $0x8, v21;
	v3 =	vor.u32 v9, v3;
	v4 =	vor.u32 v4, v5  }
0x1f2: {  	v3 =	vor.u32 v7, v3;
	v1 =	vor.u32 v24, v1;
	v5 =	vsub.s32 $0x0, v4  }
0x1f3: {  	v3 =	vor.u32 v8, v3;
	v4 =	vand.u32 v5, v4;
	v5 =	vshll.u32 v2, v26  }
0x1f4: {  	v1 =	vor.u32 v25, v1;
	v2 =	vshrl.u32 v2, v18;
	v5 =	vand.u32 $0xFFFF, v5  }
0x1f5: {  	v1 =	vor.u32 v22, v1;
	v2 =	vor.u32 v2, v5;
	v5 =	vsel vm15, $0x20, v21  }
0x1f6: {  	v6 =	vsel vm12, $0x10, v21;
	v3 =	vor.u32 v10, v3;
	v1 =	vor.u32 v5, v1  }
0x1f7: {  	v3 =	vor.u32 v19, v3;
	v1 =	vor.u32 v6, v1;
	v6 =	vsel vm14, $0x80, v21  }
0x1f8: {  	v11 =	vsel vm4, $0x200, v21;
	v3 =	vor.u32 v15, v3;
	v1 =	vor.u32 v6, v1;
	v6 =	vld [tilespmem:$0x1F9E0]  }
0x1f9: {  	v3 =	vor.u32 v11, v3  }
0x1fa: {  	v0 =	vsel vm3, $0x800, v21;
	v3 =	vor.u32 v20, v3  }
0x1fb: {  	v0 =	vor.u32 v0, v3;
	v3 =	vsel vm9, $0x40, v21  }
0x1fc: {  	v7 =	vsel vm8, $0x100, v21;
	v1 =	vor.u32 v3, v1;
	v3 =	vsel vm13, $0x200, v21  }
0x1fd: {  	v0 =	vor.u32 v23, v0;
	v1 =	vor.u32 v3, v1;
	vm9 =	vnez.u8 v6  }
0x1fe: {  	v5 =	vld [tilespmem:$0x1F9D0];
	v1 =	vor.u32 v7, v1;
	v7 =	vsel vm2, $0x800, v21;
	v6 =	vsel vm9, $0x2000, v21  }
0x1ff: {  	v3 =	vld [tilespmem:$0x1F9F0];
	v1 =	vor.u32 v7, v1;
	v0 =	vor.u32 v6, v0;
	v6 =	vsel vm6, $0x400, v21  }
0x200: {  	v7 =	vsel vm11, $0x2000, v21;
	v1 =	vor.u32 v6, v1  }
0x201: {  	v1 =	vor.u32 v7, v1;
	v7 =	vld [tilespmem:$0x1FA00];
	_ =	sdelay $0x2  }
0x202: {  	v4 =	vcvt.s32.f32 v4;
	vm4 =	vnez.u8 v5;
	vm10 =	vnez.u8 v3  }
0x203: {  	v5 =	vsel vm4, $0x1000, v21;
	v3 =	vsel vm10, $0x4000, v21;
	v6 =	vsub.s32 $0x0, v2  }
0x204: {  	v0 =	vor.u32 v5, v0;
	v5 =	vsel vm0, $0x1000, v21;
	vm11 =	vnez.u8 v7  }
0x205: {  	v1 =	vor.u32 v5, v1;
	v5 =	vsel vm7, $0x8000, v21;
	v7 =	vsel vm11, $0x8000, v21  }
0x206: {  	v62 =	vld [tilespmem:$0x1FFF0];
	v1 =	vor.u32 v5, v1;
	v0 =	vor.u32 v7, v0;
	v7 =	vsel vm5, $0x4000, v21  }
0x207: {  	v30 =	vld [tilespmem:$0x1FF30];
	v2 =	vand.u32 v6, v2;
	v0 =	vor.u32 v3, v0;
	v1 =	vor.u32 v7, v1  }
0x208: {  	v28 =	vld [tilespmem:$0x1FF10];
	v6 =	vor.u32 $0x2, v56;
	v3 =	vshll.u32 v0, v26;
	v5 =	vshll.u32 v1, v26  }
0x209: {  	v32 =	vld [tilespmem:$0x1FFD0];
	v0 =	vshrl.u32 v0, v18;
	v1 =	vshrl.u32 v1, v18;
	v5 =	vand.u32 $0xFFFF, v5  }
0x20a: {  	v27 =	vld [tilespmem:$0x1FEF0];
	v3 =	vand.u32 $0xFFFF, v3;
	v1 =	vor.u32 v1, v5;
	v5 =	vor.u32 $0x1, v56  }
0x20b: {  	v58 =	vld [tilespmem:$0x1FF70];
	v7 =	vor.u32 $0x3, v56;
	v0 =	vor.u32 v0, v3;
	v3 =	vsub.s32 $0x0, v1  }
0x20c: {  	v31 =	vld [tilespmem:$0x1FFB0];
	v2 =	vcvt.s32.f32 v2;
	v1 =	vand.u32 v3, v1;
	v3 =	vsub.s32 $0x0, v0  }
0x20d: {  	v29 =	vld [tilespmem:$0x1FF20];
	v0 =	vand.u32 v3, v0;
	v1 =	vcvt.s32.f32 v1  }
0x20e: {  	v2 =	vshrl.u32 v2, $0x13;
	v3 =	vshrl.u32 v4, $0x17;
	v4 =	vld.idx.msk [tilespmem:v6+s1+$0x0], $0xffff;
	v0 =	vcvt.s32.f32 v0  }
0x20f: {  	v2 =	vand.u32 $0xFF0, v2;
	v1 =	vshrl.u32 v1, $0x13;
	v5 =	vld.idx.msk [tilespmem:v5+s1+$0x0], $0xffff  }
0x210: {  	v2 =	vadd.s32 $0xFFFFF810, v2;
	v6 =	vld.idx.msk [tilespmem:v7+s1+$0x0], $0xffff;
	v0 =	vshrl.u32 v0, $0x17;
	v1 =	vand.u32 $0xFF0, v1  }
0x211: {  	v7 =	vld.idx.msk [tilespmem:v56+s1+$0x0], $0xffff;
	v3 =	vadd.s32 $0xFFFFFF81, v3;
	v0 =	vadd.s32 $0xFFFFFF81, v0;
	v1 =	vadd.s32 $0xFFFFF810, v1  }
0x212: {  	v63 =	vld [tilespmem:$0x1FFC0];
	v2 =	vor.u32 v3, v2;
	v0 =	vor.u32 v0, v1  }
0x213: {  	v57 =	vld [tilespmem:$0x1FF60];
	vm12 =	vgt.f32 v4, $5.000000000e-01;
	v1 =	vor.u32 v2, v0;
	v3 =	vxor.u32 v2, v0  }
0x214: {  	v59 =	vld [tilespmem:$0x1FF80];
	v0 =	vand.u32 v2, v0;
	vm13 =	vgt.f32 v5, $5.000000000e-01;
	v1 =	vsel vm12, v1, v3  }
0x215: {  	v24 =	vld [tilespmem:$0x1FED0];
	vm14 =	vgt.f32 v6, $5.000000000e-01;
	v0 =	vsel vm13, v0, v1  }
0x216: {  	v25 =	vld [tilespmem:$0x1FF50];
	vm15 =	vge.f32 v7, $5.000000000e-01;
	vm0 =	vmor vm12, vm14;
	v1 =	vshra.s32 v0, $0x4  }
0x217: {  	v22 =	vld [tilespmem:$0x1FEE0];
	vm0 =	vmor vm13, vm0;
	v0 =	vand.u32 $0xF, v0;
	v1 =	vadd.s32 $0x54, v1  }
0x218: {  	v11 =	vld [tilespmem:$0x1FF40];
	vm0 =	vmand vm15, vm0;
	v0 =	vor.u32 v56, v0;
	v2 =	vand.u32 $0xFFFFFF80, v1  }
0x219: {  	v20 =	vld [tilespmem:$0x1FF00];
	v0 =	vadd.s32 $0x44, v0;
	v1 =	vand.u32 $0x7F, v1;
	v2 =	vadd.s32 v56, v2  }
0x21a: {  	p0 =	sne.s32 s10, $0x1F0;
	v23 =	vld [tilespmem:$0x1FFE0];
	v1 =	vor.u32 v1, v2  }
.Ltmp1:
0x21b: {  	v7 =	vmov v17;
	v17 =	vld [tilespmem:$0x1FA40];
	(pc) =	sbr.rel @p0 .LBB2_4-.Ltmp1, $4  }
0x21c: {  	v3 =	vld [tilespmem:$0x1FFA0]  }
0x21d: {  	v9 =	vmov v33;
	v4 =	vimm.f32 $2.000000000e+00;
	v2 =	vld [tilespmem:$0x1FF90]  }
0x21e: {  	v33 =	vmovc v37;
	v8 =	vmovc v14;
	v14 =	vmov v35;
	v35 =	vmov v39;
	[tilespmem:v0+s1+$0x0] =	vst.idx.add.f32.msk vm0, v4;
	v0 =	vimm.f32 $2.000000000e+00  }
0x21f: {  	s10 =	sadd.s32 $0x10, s10;
	v39 =	vmovc v41;
	v10 =	vmovc v13;
	v13 =	vmov v34;
	v34 =	vmov v38;
	v38 =	vmov v48;
	[tilespmem:v1+s1+$0x0] =	vst.idx.add.f32.msk vm0, v0  }
0x220: {  	s9 =	sadd.s32 $0x1, s9  }
0x221: {  	p0 =	sne.s32 s9, s8  }
.Ltmp2:
0x222: {  	_ = 	snop;
	(pc) =	sbr.rel @p0 .LBB2_1-.Ltmp2, $4  }
0x223: {  	[hbm4b:s7+s1] =	stream.linear.scatter [tilespmem:s1], [sflag:$0x1], $0x10000, $0x38;
	[tilespmem:$0x10000] =	vst v63  }
0x224: {  	_ =	swait.ge [sflag:s3], $0x10000  }
0x225: {  	[sflag:s3] =	ssyncset.done $0x0  }
0x226: {  	[sflag:s3] =	ssyncadd.s32 $0xFFFF0000  }
0x227: {  	_ =	sfence.sel $0x180000  }
0x228: {  	[bflag:$0x0] =	sbarrier.arrive $0xFFFF  }
0x229: {  	p0 =	sne.s32 s0, $0x0;
	_ =	strace $0x90000047  }
0x22a: {  	s0 =	sadd.s32 @!p0 $0x100000, s2;
	[bflag:$0x2] =	sbarrier.arrive $0xFFFF  }
0x22b: {  	[sflag:s0] =	ssyncadd.tile.s32 @!p0 $0x1;
	_ =	shalt  }
.Lfunc_end2:
_tile_overlayer_lowered:
.L_overlay_start_2:
0x22c: {  	(tag) =	ssettag $0x2  }
0x22d: {  	s0 =	rddreg [dreg:$0x0];
	s2 =	stileid.u32  }
0x22e: {  	s1 =	rddreg [dreg:$0x1];
	p0 =	sne.s32 s2, $0x0  }
0x22f: {  	s3 =	rddreg [dreg:$0x2];
	[bflag:$0x3] =	sbarrier.arrive $0xFFFF;
	s2 =	simm.s32 @!p0 $0x1C01  }
0x230: {  	[timem:s3], [sflag:s2] =	dma.local @!p0 [hbm:s0], s1  }
0x231: {  	s0 =	simm.s32 @!p0 $0x1  }
0x232: {  	_ =	swait.ge @!p0 [sflag:s0], s1  }
0x233: {  	s1 =	ssub.s32 @!p0 $0x0, s1;
	[sflag:s0] =	ssyncset.done @!p0 $0x0  }
0x234: {  	[sflag:s0] =	ssyncadd.s32 @!p0 s1  }
0x235: {  	[bflag:$0x3] =	sbarrier.arrive $0xFFFF  }
0x236: {  	_ =	shalt  }

</sc_bundles>
